<compile_context>
chip_gen: v7x
topology: tpu7x:2x2x1
jax: 0.10.2.dev20260603
libtpu: 0.0.44.dev20260713+nightly
codegen_flags: <defaults>
</compile_context>

<pallas_src>
import jax
import jax.numpy as jnp
from jax import lax
from jax.experimental import pallas as pl
from jax.experimental.pallas import tpu as pltpu
from jax.experimental.pallas import tpu_sc as plsc
from jax._src.pallas import mpmd as plmpmd

B = 32
C_IN = 384
C_OUT = 768
H = 32
W = 32
R = B * H * W
RPB = H * W
CH = 128
NCH = RPB // CH
ZR = 128
NZB = RPB // ZR
NCS = 2
BPC = B // NCS

_SCS_MESH = plsc.ScalarSubcoreMesh(axis_name="c")
_TEC_MESH = plsc.VectorSubcoreMesh(core_axis_name="c", subcore_axis_name="s")


def _scs_fn(x_hbm, z_hbm, out_hbm, zsp, zsem,
            buf0, buf1, lsem0, lsem1, ssem0, ssem1):
    del x_hbm, buf0, buf1, lsem0, lsem1, ssem0, ssem1
    c = lax.axis_index("c")

    pltpu.async_copy(z_hbm, zsp, zsem).wait()
    stores = []
    for k in range(BPC):
        r0 = (c * BPC + k) * RPB
        for j in range(NZB):
            stores.append(pltpu.async_copy(
                zsp,
                out_hbm.at[pl.ds(r0 + j * ZR, ZR), pl.ds(C_IN, C_IN)],
                zsem))
    for h in stores:
        h.wait()


def _tec_fn(x_hbm, z_hbm, out_hbm, zsp, zsem,
            buf0, buf1, lsem0, lsem1, ssem0, ssem1):
    del z_hbm, zsp, zsem
    wid = lax.axis_index("c") * 16 + lax.axis_index("s")
    r0 = wid * RPB

    bufs = (buf0, buf1)
    lsems = (lsem0, lsem1)
    ssems = (ssem0, ssem1)
    loads = [None, None]
    stores = [None, None]
    loads[0] = pltpu.async_copy(x_hbm.at[pl.ds(r0, CH)], buf0, lsems[0])
    for k in range(NCH):
        i = k % 2
        j = (k + 1) % 2
        if k + 1 < NCH:
            if k >= 1:
                stores[j].wait()
            loads[j] = pltpu.async_copy(
                x_hbm.at[pl.ds(r0 + (k + 1) * CH, CH)], bufs[j], lsems[j])
        loads[i].wait()
        stores[i] = pltpu.async_copy(
            bufs[i],
            out_hbm.at[pl.ds(r0 + k * CH, CH), pl.ds(0, C_IN)],
            ssems[i])
    stores[0].wait()
    stores[1].wait()


def _sc_pad(x2, z):
    outs = plmpmd.mpmd_map(
        [(_SCS_MESH, _scs_fn), (_TEC_MESH, _tec_fn)],
        out_types=[jax.ShapeDtypeStruct((R, C_OUT), jnp.float32)],
        scratch_types=[
            pltpu.VMEM_SHARED((ZR, C_IN), jnp.float32),
            pltpu.SemaphoreType.DMA @ _SCS_MESH,
            (pltpu.MemorySpace.VMEM @ _TEC_MESH)((CH, C_IN), jnp.float32),
            (pltpu.MemorySpace.VMEM @ _TEC_MESH)((CH, C_IN), jnp.float32),
            pltpu.SemaphoreType.DMA @ _TEC_MESH,
            pltpu.SemaphoreType.DMA @ _TEC_MESH,
            pltpu.SemaphoreType.DMA @ _TEC_MESH,
            pltpu.SemaphoreType.DMA @ _TEC_MESH,
        ],
    )(x2, z)
    return outs[0]


def kernel(x):
    x2 = x.transpose(0, 2, 3, 1).reshape(R, C_IN)
    z = jnp.zeros((ZR, C_IN), jnp.float32)
    out2 = _sc_pad(x2, z)
    return out2.reshape(B, H, W, C_OUT).transpose(0, 3, 1, 2)

# --- scband reference (transcript-rebuilt; emitter-appended) ---
"""Pipeline reference for scband-re-up-scale-layer-17781164605638 (READ-ONLY COPY).

The authoritative reference and input builder live on the scoring server;
editing this copy changes nothing except your own understanding.
"""

import jax, jax.numpy as jnp
import numpy as np

NUM_FEATURES_OUT = 768
SEL_DIM = 384


def setup_inputs(seed: int = 0) -> dict:
    key = jax.random.key(seed)
    x = jax.random.normal(key, (32, SEL_DIM, 32, 32), dtype=jnp.float32)
    return {"x": x}


def reference(x):
    # sel buffer: arange(sel_dim)
    sel = jnp.arange(SEL_DIM)
    # out = zeros([B, num_features_out, H, W]); out[:, sel] += x
    out = jnp.zeros((x.shape[0], NUM_FEATURES_OUT, x.shape[-2], x.shape[-1]), dtype=jnp.float32)
    out = out.at[:, sel].add(x)
    return out

if __name__ == "__main__":
    import jax
    _d = setup_inputs()
    print(jax.jit(kernel)(*tuple(_d.values())))

</pallas_src>

<mosaic_0001>
#map = affine_map<(d0) -> (0, 0)>
#map1 = affine_map<(d0, d1) -> (0, 0)>
module attributes {stable_mosaic.version = 14 : i64} {
  func.func @_scs_fn(%arg0: i32, %arg1: memref<32768x384xf32, #tpu.memory_space<hbm>>, %arg2: memref<128x384xf32, #tpu.memory_space<hbm>>, %arg3: memref<32768x768xf32, #tpu.memory_space<hbm>>, %arg4: memref<128x384xf32, #tpu.memory_space<vmem_shared>>, %arg5: memref<!tpu.dma_semaphore, #tpu.memory_space<semaphore_mem>>, %arg6: memref<128x384xf32, #tpu.memory_space<vmem, sc_vector_subcore>>, %arg7: memref<128x384xf32, #tpu.memory_space<vmem, sc_vector_subcore>>, %arg8: memref<!tpu.dma_semaphore, #tpu.memory_space<semaphore_mem, sc_vector_subcore>>, %arg9: memref<!tpu.dma_semaphore, #tpu.memory_space<semaphore_mem, sc_vector_subcore>>, %arg10: memref<!tpu.dma_semaphore, #tpu.memory_space<semaphore_mem, sc_vector_subcore>>, %arg11: memref<!tpu.dma_semaphore, #tpu.memory_space<semaphore_mem, sc_vector_subcore>>) attributes {dimension_semantics = [#tpu.dimension_semantics<core_parallel>], iteration_bounds = array<i64: 2>, scalar_prefetch = 0 : i64, scratch_operands = 8 : i64, tpu.core_type = #tpu.core_type<sc_scalar_subcore>, window_params = [{transform_indices = #map}, {transform_indices = #map}, {transform_indices = #map}]} {
    tpu.enqueue_dma source(%arg2 : memref<128x384xf32, #tpu.memory_space<hbm>>) target(%arg4 : memref<128x384xf32, #tpu.memory_space<vmem_shared>>) target_semaphore(%arg5 : memref<!tpu.dma_semaphore, #tpu.memory_space<semaphore_mem>>)
    tpu.wait_dma2 semaphore(%arg5 : memref<!tpu.dma_semaphore, #tpu.memory_space<semaphore_mem>>) src(%arg2 : memref<128x384xf32, #tpu.memory_space<hbm>>) dst(%arg4 : memref<128x384xf32, #tpu.memory_space<vmem_shared>>)
    %mul3A = arith.constant 16 : i32
    %mul3A_0 = arith.muli %arg0, %mul3A : i32
    %add3A = arith.constant 0 : i32
    %add3A_1 = arith.addi %mul3A_0, %add3A : i32
    %mul3A_2 = arith.constant 1024 : i32
    %mul3A_3 = arith.muli %add3A_1, %mul3A_2 : i32
    %add3A_4 = arith.constant 0 : i32
    %add3A_5 = arith.addi %mul3A_3, %add3A_4 : i32
    %dma_start3A = arith.constant 384 : i32
    %dma_start3A_6 = tpu.memref_slice %arg3[%add3A_5, %dma_start3A] : memref<32768x768xf32, #tpu.memory_space<hbm>> -> memref<128x384xf32, #tpu.memory_space<hbm>>
    tpu.enqueue_dma source(%arg4 : memref<128x384xf32, #tpu.memory_space<vmem_shared>>) target(%dma_start3A_6 : memref<128x384xf32, #tpu.memory_space<hbm>>) target_semaphore(%arg5 : memref<!tpu.dma_semaphore, #tpu.memory_space<semaphore_mem>>)
    %add3A_7 = arith.constant 128 : i32
    %add3A_8 = arith.addi %mul3A_3, %add3A_7 : i32
    %dma_start3A_9 = arith.constant 384 : i32
    %dma_start3A_10 = tpu.memref_slice %arg3[%add3A_8, %dma_start3A_9] : memref<32768x768xf32, #tpu.memory_space<hbm>> -> memref<128x384xf32, #tpu.memory_space<hbm>>
    tpu.enqueue_dma source(%arg4 : memref<128x384xf32, #tpu.memory_space<vmem_shared>>) target(%dma_start3A_10 : memref<128x384xf32, #tpu.memory_space<hbm>>) target_semaphore(%arg5 : memref<!tpu.dma_semaphore, #tpu.memory_space<semaphore_mem>>)
    %add3A_11 = arith.constant 256 : i32
    %add3A_12 = arith.addi %mul3A_3, %add3A_11 : i32
    %dma_start3A_13 = arith.constant 384 : i32
    %dma_start3A_14 = tpu.memref_slice %arg3[%add3A_12, %dma_start3A_13] : memref<32768x768xf32, #tpu.memory_space<hbm>> -> memref<128x384xf32, #tpu.memory_space<hbm>>
    tpu.enqueue_dma source(%arg4 : memref<128x384xf32, #tpu.memory_space<vmem_shared>>) target(%dma_start3A_14 : memref<128x384xf32, #tpu.memory_space<hbm>>) target_semaphore(%arg5 : memref<!tpu.dma_semaphore, #tpu.memory_space<semaphore_mem>>)
    %add3A_15 = arith.constant 384 : i32
    %add3A_16 = arith.addi %mul3A_3, %add3A_15 : i32
    %dma_start3A_17 = arith.constant 384 : i32
    %dma_start3A_18 = tpu.memref_slice %arg3[%add3A_16, %dma_start3A_17] : memref<32768x768xf32, #tpu.memory_space<hbm>> -> memref<128x384xf32, #tpu.memory_space<hbm>>
    tpu.enqueue_dma source(%arg4 : memref<128x384xf32, #tpu.memory_space<vmem_shared>>) target(%dma_start3A_18 : memref<128x384xf32, #tpu.memory_space<hbm>>) target_semaphore(%arg5 : memref<!tpu.dma_semaphore, #tpu.memory_space<semaphore_mem>>)
    %add3A_19 = arith.constant 512 : i32
    %add3A_20 = arith.addi %mul3A_3, %add3A_19 : i32
    %dma_start3A_21 = arith.constant 384 : i32
    %dma_start3A_22 = tpu.memref_slice %arg3[%add3A_20, %dma_start3A_21] : memref<32768x768xf32, #tpu.memory_space<hbm>> -> memref<128x384xf32, #tpu.memory_space<hbm>>
    tpu.enqueue_dma source(%arg4 : memref<128x384xf32, #tpu.memory_space<vmem_shared>>) target(%dma_start3A_22 : memref<128x384xf32, #tpu.memory_space<hbm>>) target_semaphore(%arg5 : memref<!tpu.dma_semaphore, #tpu.memory_space<semaphore_mem>>)
    %add3A_23 = arith.constant 640 : i32
    %add3A_24 = arith.addi %mul3A_3, %add3A_23 : i32
    %dma_start3A_25 = arith.constant 384 : i32
    %dma_start3A_26 = tpu.memref_slice %arg3[%add3A_24, %dma_start3A_25] : memref<32768x768xf32, #tpu.memory_space<hbm>> -> memref<128x384xf32, #tpu.memory_space<hbm>>
    tpu.enqueue_dma source(%arg4 : memref<128x384xf32, #tpu.memory_space<vmem_shared>>) target(%dma_start3A_26 : memref<128x384xf32, #tpu.memory_space<hbm>>) target_semaphore(%arg5 : memref<!tpu.dma_semaphore, #tpu.memory_space<semaphore_mem>>)
    %add3A_27 = arith.constant 768 : i32
    %add3A_28 = arith.addi %mul3A_3, %add3A_27 : i32
    %dma_start3A_29 = arith.constant 384 : i32
    %dma_start3A_30 = tpu.memref_slice %arg3[%add3A_28, %dma_start3A_29] : memref<32768x768xf32, #tpu.memory_space<hbm>> -> memref<128x384xf32, #tpu.memory_space<hbm>>
    tpu.enqueue_dma source(%arg4 : memref<128x384xf32, #tpu.memory_space<vmem_shared>>) target(%dma_start3A_30 : memref<128x384xf32, #tpu.memory_space<hbm>>) target_semaphore(%arg5 : memref<!tpu.dma_semaphore, #tpu.memory_space<semaphore_mem>>)
    %add3A_31 = arith.constant 896 : i32
    %add3A_32 = arith.addi %mul3A_3, %add3A_31 : i32
    %dma_start3A_33 = arith.constant 384 : i32
    %dma_start3A_34 = tpu.memref_slice %arg3[%add3A_32, %dma_start3A_33] : memref<32768x768xf32, #tpu.memory_space<hbm>> -> memref<128x384xf32, #tpu.memory_space<hbm>>
    tpu.enqueue_dma source(%arg4 : memref<128x384xf32, #tpu.memory_space<vmem_shared>>) target(%dma_start3A_34 : memref<128x384xf32, #tpu.memory_space<hbm>>) target_semaphore(%arg5 : memref<!tpu.dma_semaphore, #tpu.memory_space<semaphore_mem>>)
    %mul3A_35 = arith.constant 16 : i32
    %mul3A_36 = arith.muli %arg0, %mul3A_35 : i32
    %add3A_37 = arith.constant 1 : i32
    %add3A_38 = arith.addi %mul3A_36, %add3A_37 : i32
    %mul3A_39 = arith.constant 1024 : i32
    %mul3A_40 = arith.muli %add3A_38, %mul3A_39 : i32
    %add3A_41 = arith.constant 0 : i32
    %add3A_42 = arith.addi %mul3A_40, %add3A_41 : i32
    %dma_start3A_43 = arith.constant 384 : i32
    %dma_start3A_44 = tpu.memref_slice %arg3[%add3A_42, %dma_start3A_43] : memref<32768x768xf32, #tpu.memory_space<hbm>> -> memref<128x384xf32, #tpu.memory_space<hbm>>
    tpu.enqueue_dma source(%arg4 : memref<128x384xf32, #tpu.memory_space<vmem_shared>>) target(%dma_start3A_44 : memref<128x384xf32, #tpu.memory_space<hbm>>) target_semaphore(%arg5 : memref<!tpu.dma_semaphore, #tpu.memory_space<semaphore_mem>>)
    %add3A_45 = arith.constant 128 : i32
    %add3A_46 = arith.addi %mul3A_40, %add3A_45 : i32
    %dma_start3A_47 = arith.constant 384 : i32
    %dma_start3A_48 = tpu.memref_slice %arg3[%add3A_46, %dma_start3A_47] : memref<32768x768xf32, #tpu.memory_space<hbm>> -> memref<128x384xf32, #tpu.memory_space<hbm>>
    tpu.enqueue_dma source(%arg4 : memref<128x384xf32, #tpu.memory_space<vmem_shared>>) target(%dma_start3A_48 : memref<128x384xf32, #tpu.memory_space<hbm>>) target_semaphore(%arg5 : memref<!tpu.dma_semaphore, #tpu.memory_space<semaphore_mem>>)
    %add3A_49 = arith.constant 256 : i32
    %add3A_50 = arith.addi %mul3A_40, %add3A_49 : i32
    %dma_start3A_51 = arith.constant 384 : i32
    %dma_start3A_52 = tpu.memref_slice %arg3[%add3A_50, %dma_start3A_51] : memref<32768x768xf32, #tpu.memory_space<hbm>> -> memref<128x384xf32, #tpu.memory_space<hbm>>
    tpu.enqueue_dma source(%arg4 : memref<128x384xf32, #tpu.memory_space<vmem_shared>>) target(%dma_start3A_52 : memref<128x384xf32, #tpu.memory_space<hbm>>) target_semaphore(%arg5 : memref<!tpu.dma_semaphore, #tpu.memory_space<semaphore_mem>>)
    %add3A_53 = arith.constant 384 : i32
    %add3A_54 = arith.addi %mul3A_40, %add3A_53 : i32
    %dma_start3A_55 = arith.constant 384 : i32
    %dma_start3A_56 = tpu.memref_slice %arg3[%add3A_54, %dma_start3A_55] : memref<32768x768xf32, #tpu.memory_space<hbm>> -> memref<128x384xf32, #tpu.memory_space<hbm>>
    tpu.enqueue_dma source(%arg4 : memref<128x384xf32, #tpu.memory_space<vmem_shared>>) target(%dma_start3A_56 : memref<128x384xf32, #tpu.memory_space<hbm>>) target_semaphore(%arg5 : memref<!tpu.dma_semaphore, #tpu.memory_space<semaphore_mem>>)
    %add3A_57 = arith.constant 512 : i32
    %add3A_58 = arith.addi %mul3A_40, %add3A_57 : i32
    %dma_start3A_59 = arith.constant 384 : i32
    %dma_start3A_60 = tpu.memref_slice %arg3[%add3A_58, %dma_start3A_59] : memref<32768x768xf32, #tpu.memory_space<hbm>> -> memref<128x384xf32, #tpu.memory_space<hbm>>
    tpu.enqueue_dma source(%arg4 : memref<128x384xf32, #tpu.memory_space<vmem_shared>>) target(%dma_start3A_60 : memref<128x384xf32, #tpu.memory_space<hbm>>) target_semaphore(%arg5 : memref<!tpu.dma_semaphore, #tpu.memory_space<semaphore_mem>>)
    %add3A_61 = arith.constant 640 : i32
    %add3A_62 = arith.addi %mul3A_40, %add3A_61 : i32
    %dma_start3A_63 = arith.constant 384 : i32
    %dma_start3A_64 = tpu.memref_slice %arg3[%add3A_62, %dma_start3A_63] : memref<32768x768xf32, #tpu.memory_space<hbm>> -> memref<128x384xf32, #tpu.memory_space<hbm>>
    tpu.enqueue_dma source(%arg4 : memref<128x384xf32, #tpu.memory_space<vmem_shared>>) target(%dma_start3A_64 : memref<128x384xf32, #tpu.memory_space<hbm>>) target_semaphore(%arg5 : memref<!tpu.dma_semaphore, #tpu.memory_space<semaphore_mem>>)
    %add3A_65 = arith.constant 768 : i32
    %add3A_66 = arith.addi %mul3A_40, %add3A_65 : i32
    %dma_start3A_67 = arith.constant 384 : i32
    %dma_start3A_68 = tpu.memref_slice %arg3[%add3A_66, %dma_start3A_67] : memref<32768x768xf32, #tpu.memory_space<hbm>> -> memref<128x384xf32, #tpu.memory_space<hbm>>
    tpu.enqueue_dma source(%arg4 : memref<128x384xf32, #tpu.memory_space<vmem_shared>>) target(%dma_start3A_68 : memref<128x384xf32, #tpu.memory_space<hbm>>) target_semaphore(%arg5 : memref<!tpu.dma_semaphore, #tpu.memory_space<semaphore_mem>>)
    %add3A_69 = arith.constant 896 : i32
    %add3A_70 = arith.addi %mul3A_40, %add3A_69 : i32
    %dma_start3A_71 = arith.constant 384 : i32
    %dma_start3A_72 = tpu.memref_slice %arg3[%add3A_70, %dma_start3A_71] : memref<32768x768xf32, #tpu.memory_space<hbm>> -> memref<128x384xf32, #tpu.memory_space<hbm>>
    tpu.enqueue_dma source(%arg4 : memref<128x384xf32, #tpu.memory_space<vmem_shared>>) target(%dma_start3A_72 : memref<128x384xf32, #tpu.memory_space<hbm>>) target_semaphore(%arg5 : memref<!tpu.dma_semaphore, #tpu.memory_space<semaphore_mem>>)
    %mul3A_73 = arith.constant 16 : i32
    %mul3A_74 = arith.muli %arg0, %mul3A_73 : i32
    %add3A_75 = arith.constant 2 : i32
    %add3A_76 = arith.addi %mul3A_74, %add3A_75 : i32
    %mul3A_77 = arith.constant 1024 : i32
    %mul3A_78 = arith.muli %add3A_76, %mul3A_77 : i32
    %add3A_79 = arith.constant 0 : i32
    %add3A_80 = arith.addi %mul3A_78, %add3A_79 : i32
    %dma_start3A_81 = arith.constant 384 : i32
    %dma_start3A_82 = tpu.memref_slice %arg3[%add3A_80, %dma_start3A_81] : memref<32768x768xf32, #tpu.memory_space<hbm>> -> memref<128x384xf32, #tpu.memory_space<hbm>>
    tpu.enqueue_dma source(%arg4 : memref<128x384xf32, #tpu.memory_space<vmem_shared>>) target(%dma_start3A_82 : memref<128x384xf32, #tpu.memory_space<hbm>>) target_semaphore(%arg5 : memref<!tpu.dma_semaphore, #tpu.memory_space<semaphore_mem>>)
    %add3A_83 = arith.constant 128 : i32
    %add3A_84 = arith.addi %mul3A_78, %add3A_83 : i32
    %dma_start3A_85 = arith.constant 384 : i32
    %dma_start3A_86 = tpu.memref_slice %arg3[%add3A_84, %dma_start3A_85] : memref<32768x768xf32, #tpu.memory_space<hbm>> -> memref<128x384xf32, #tpu.memory_space<hbm>>
    tpu.enqueue_dma source(%arg4 : memref<128x384xf32, #tpu.memory_space<vmem_shared>>) target(%dma_start3A_86 : memref<128x384xf32, #tpu.memory_space<hbm>>) target_semaphore(%arg5 : memref<!tpu.dma_semaphore, #tpu.memory_space<semaphore_mem>>)
    %add3A_87 = arith.constant 256 : i32
    %add3A_88 = arith.addi %mul3A_78, %add3A_87 : i32
    %dma_start3A_89 = arith.constant 384 : i32
    %dma_start3A_90 = tpu.memref_slice %arg3[%add3A_88, %dma_start3A_89] : memref<32768x768xf32, #tpu.memory_space<hbm>> -> memref<128x384xf32, #tpu.memory_space<hbm>>
    tpu.enqueue_dma source(%arg4 : memref<128x384xf32, #tpu.memory_space<vmem_shared>>) target(%dma_start3A_90 : memref<128x384xf32, #tpu.memory_space<hbm>>) target_semaphore(%arg5 : memref<!tpu.dma_semaphore, #tpu.memory_space<semaphore_mem>>)
    %add3A_91 = arith.constant 384 : i32
    %add3A_92 = arith.addi %mul3A_78, %add3A_91 : i32
    %dma_start3A_93 = arith.constant 384 : i32
    %dma_start3A_94 = tpu.memref_slice %arg3[%add3A_92, %dma_start3A_93] : memref<32768x768xf32, #tpu.memory_space<hbm>> -> memref<128x384xf32, #tpu.memory_space<hbm>>
    tpu.enqueue_dma source(%arg4 : memref<128x384xf32, #tpu.memory_space<vmem_shared>>) target(%dma_start3A_94 : memref<128x384xf32, #tpu.memory_space<hbm>>) target_semaphore(%arg5 : memref<!tpu.dma_semaphore, #tpu.memory_space<semaphore_mem>>)
    %add3A_95 = arith.constant 512 : i32
    %add3A_96 = arith.addi %mul3A_78, %add3A_95 : i32
    %dma_start3A_97 = arith.constant 384 : i32
    %dma_start3A_98 = tpu.memref_slice %arg3[%add3A_96, %dma_start3A_97] : memref<32768x768xf32, #tpu.memory_space<hbm>> -> memref<128x384xf32, #tpu.memory_space<hbm>>
    tpu.enqueue_dma source(%arg4 : memref<128x384xf32, #tpu.memory_space<vmem_shared>>) target(%dma_start3A_98 : memref<128x384xf32, #tpu.memory_space<hbm>>) target_semaphore(%arg5 : memref<!tpu.dma_semaphore, #tpu.memory_space<semaphore_mem>>)
    %add3A_99 = arith.constant 640 : i32
    %add3A_100 = arith.addi %mul3A_78, %add3A_99 : i32
    %dma_start3A_101 = arith.constant 384 : i32
    %dma_start3A_102 = tpu.memref_slice %arg3[%add3A_100, %dma_start3A_101] : memref<32768x768xf32, #tpu.memory_space<hbm>> -> memref<128x384xf32, #tpu.memory_space<hbm>>
    tpu.enqueue_dma source(%arg4 : memref<128x384xf32, #tpu.memory_space<vmem_shared>>) target(%dma_start3A_102 : memref<128x384xf32, #tpu.memory_space<hbm>>) target_semaphore(%arg5 : memref<!tpu.dma_semaphore, #tpu.memory_space<semaphore_mem>>)
    %add3A_103 = arith.constant 768 : i32
    %add3A_104 = arith.addi %mul3A_78, %add3A_103 : i32
    %dma_start3A_105 = arith.constant 384 : i32
    %dma_start3A_106 = tpu.memref_slice %arg3[%add3A_104, %dma_start3A_105] : memref<32768x768xf32, #tpu.memory_space<hbm>> -> memref<128x384xf32, #tpu.memory_space<hbm>>
    tpu.enqueue_dma source(%arg4 : memref<128x384xf32, #tpu.memory_space<vmem_shared>>) target(%dma_start3A_106 : memref<128x384xf32, #tpu.memory_space<hbm>>) target_semaphore(%arg5 : memref<!tpu.dma_semaphore, #tpu.memory_space<semaphore_mem>>)
    %add3A_107 = arith.constant 896 : i32
    %add3A_108 = arith.addi %mul3A_78, %add3A_107 : i32
    %dma_start3A_109 = arith.constant 384 : i32
    %dma_start3A_110 = tpu.memref_slice %arg3[%add3A_108, %dma_start3A_109] : memref<32768x768xf32, #tpu.memory_space<hbm>> -> memref<128x384xf32, #tpu.memory_space<hbm>>
    tpu.enqueue_dma source(%arg4 : memref<128x384xf32, #tpu.memory_space<vmem_shared>>) target(%dma_start3A_110 : memref<128x384xf32, #tpu.memory_space<hbm>>) target_semaphore(%arg5 : memref<!tpu.dma_semaphore, #tpu.memory_space<semaphore_mem>>)
    %mul3A_111 = arith.constant 16 : i32
    %mul3A_112 = arith.muli %arg0, %mul3A_111 : i32
    %add3A_113 = arith.constant 3 : i32
    %add3A_114 = arith.addi %mul3A_112, %add3A_113 : i32
    %mul3A_115 = arith.constant 1024 : i32
    %mul3A_116 = arith.muli %add3A_114, %mul3A_115 : i32
    %add3A_117 = arith.constant 0 : i32
    %add3A_118 = arith.addi %mul3A_116, %add3A_117 : i32
    %dma_start3A_119 = arith.constant 384 : i32
    %dma_start3A_120 = tpu.memref_slice %arg3[%add3A_118, %dma_start3A_119] : memref<32768x768xf32, #tpu.memory_space<hbm>> -> memref<128x384xf32, #tpu.memory_space<hbm>>
    tpu.enqueue_dma source(%arg4 : memref<128x384xf32, #tpu.memory_space<vmem_shared>>) target(%dma_start3A_120 : memref<128x384xf32, #tpu.memory_space<hbm>>) target_semaphore(%arg5 : memref<!tpu.dma_semaphore, #tpu.memory_space<semaphore_mem>>)
    %add3A_121 = arith.constant 128 : i32
    %add3A_122 = arith.addi %mul3A_116, %add3A_121 : i32
    %dma_start3A_123 = arith.constant 384 : i32
    %dma_start3A_124 = tpu.memref_slice %arg3[%add3A_122, %dma_start3A_123] : memref<32768x768xf32, #tpu.memory_space<hbm>> -> memref<128x384xf32, #tpu.memory_space<hbm>>
    tpu.enqueue_dma source(%arg4 : memref<128x384xf32, #tpu.memory_space<vmem_shared>>) target(%dma_start3A_124 : memref<128x384xf32, #tpu.memory_space<hbm>>) target_semaphore(%arg5 : memref<!tpu.dma_semaphore, #tpu.memory_space<semaphore_mem>>)
    %add3A_125 = arith.constant 256 : i32
    %add3A_126 = arith.addi %mul3A_116, %add3A_125 : i32
    %dma_start3A_127 = arith.constant 384 : i32
    %dma_start3A_128 = tpu.memref_slice %arg3[%add3A_126, %dma_start3A_127] : memref<32768x768xf32, #tpu.memory_space<hbm>> -> memref<128x384xf32, #tpu.memory_space<hbm>>
    tpu.enqueue_dma source(%arg4 : memref<128x384xf32, #tpu.memory_space<vmem_shared>>) target(%dma_start3A_128 : memref<128x384xf32, #tpu.memory_space<hbm>>) target_semaphore(%arg5 : memref<!tpu.dma_semaphore, #tpu.memory_space<semaphore_mem>>)
    %add3A_129 = arith.constant 384 : i32
    %add3A_130 = arith.addi %mul3A_116, %add3A_129 : i32
    %dma_start3A_131 = arith.constant 384 : i32
    %dma_start3A_132 = tpu.memref_slice %arg3[%add3A_130, %dma_start3A_131] : memref<32768x768xf32, #tpu.memory_space<hbm>> -> memref<128x384xf32, #tpu.memory_space<hbm>>
    tpu.enqueue_dma source(%arg4 : memref<128x384xf32, #tpu.memory_space<vmem_shared>>) target(%dma_start3A_132 : memref<128x384xf32, #tpu.memory_space<hbm>>) target_semaphore(%arg5 : memref<!tpu.dma_semaphore, #tpu.memory_space<semaphore_mem>>)
    %add3A_133 = arith.constant 512 : i32
    %add3A_134 = arith.addi %mul3A_116, %add3A_133 : i32
    %dma_start3A_135 = arith.constant 384 : i32
    %dma_start3A_136 = tpu.memref_slice %arg3[%add3A_134, %dma_start3A_135] : memref<32768x768xf32, #tpu.memory_space<hbm>> -> memref<128x384xf32, #tpu.memory_space<hbm>>
    tpu.enqueue_dma source(%arg4 : memref<128x384xf32, #tpu.memory_space<vmem_shared>>) target(%dma_start3A_136 : memref<128x384xf32, #tpu.memory_space<hbm>>) target_semaphore(%arg5 : memref<!tpu.dma_semaphore, #tpu.memory_space<semaphore_mem>>)
    %add3A_137 = arith.constant 640 : i32
    %add3A_138 = arith.addi %mul3A_116, %add3A_137 : i32
    %dma_start3A_139 = arith.constant 384 : i32
    %dma_start3A_140 = tpu.memref_slice %arg3[%add3A_138, %dma_start3A_139] : memref<32768x768xf32, #tpu.memory_space<hbm>> -> memref<128x384xf32, #tpu.memory_space<hbm>>
    tpu.enqueue_dma source(%arg4 : memref<128x384xf32, #tpu.memory_space<vmem_shared>>) target(%dma_start3A_140 : memref<128x384xf32, #tpu.memory_space<hbm>>) target_semaphore(%arg5 : memref<!tpu.dma_semaphore, #tpu.memory_space<semaphore_mem>>)
    %add3A_141 = arith.constant 768 : i32
    %add3A_142 = arith.addi %mul3A_116, %add3A_141 : i32
    %dma_start3A_143 = arith.constant 384 : i32
    %dma_start3A_144 = tpu.memref_slice %arg3[%add3A_142, %dma_start3A_143] : memref<32768x768xf32, #tpu.memory_space<hbm>> -> memref<128x384xf32, #tpu.memory_space<hbm>>
    tpu.enqueue_dma source(%arg4 : memref<128x384xf32, #tpu.memory_space<vmem_shared>>) target(%dma_start3A_144 : memref<128x384xf32, #tpu.memory_space<hbm>>) target_semaphore(%arg5 : memref<!tpu.dma_semaphore, #tpu.memory_space<semaphore_mem>>)
    %add3A_145 = arith.constant 896 : i32
    %add3A_146 = arith.addi %mul3A_116, %add3A_145 : i32
    %dma_start3A_147 = arith.constant 384 : i32
    %dma_start3A_148 = tpu.memref_slice %arg3[%add3A_146, %dma_start3A_147] : memref<32768x768xf32, #tpu.memory_space<hbm>> -> memref<128x384xf32, #tpu.memory_space<hbm>>
    tpu.enqueue_dma source(%arg4 : memref<128x384xf32, #tpu.memory_space<vmem_shared>>) target(%dma_start3A_148 : memref<128x384xf32, #tpu.memory_space<hbm>>) target_semaphore(%arg5 : memref<!tpu.dma_semaphore, #tpu.memory_space<semaphore_mem>>)
    %mul3A_149 = arith.constant 16 : i32
    %mul3A_150 = arith.muli %arg0, %mul3A_149 : i32
    %add3A_151 = arith.constant 4 : i32
    %add3A_152 = arith.addi %mul3A_150, %add3A_151 : i32
    %mul3A_153 = arith.constant 1024 : i32
    %mul3A_154 = arith.muli %add3A_152, %mul3A_153 : i32
    %add3A_155 = arith.constant 0 : i32
    %add3A_156 = arith.addi %mul3A_154, %add3A_155 : i32
    %dma_start3A_157 = arith.constant 384 : i32
    %dma_start3A_158 = tpu.memref_slice %arg3[%add3A_156, %dma_start3A_157] : memref<32768x768xf32, #tpu.memory_space<hbm>> -> memref<128x384xf32, #tpu.memory_space<hbm>>
    tpu.enqueue_dma source(%arg4 : memref<128x384xf32, #tpu.memory_space<vmem_shared>>) target(%dma_start3A_158 : memref<128x384xf32, #tpu.memory_space<hbm>>) target_semaphore(%arg5 : memref<!tpu.dma_semaphore, #tpu.memory_space<semaphore_mem>>)
    %add3A_159 = arith.constant 128 : i32
    %add3A_160 = arith.addi %mul3A_154, %add3A_159 : i32
    %dma_start3A_161 = arith.constant 384 : i32
    %dma_start3A_162 = tpu.memref_slice %arg3[%add3A_160, %dma_start3A_161] : memref<32768x768xf32, #tpu.memory_space<hbm>> -> memref<128x384xf32, #tpu.memory_space<hbm>>
    tpu.enqueue_dma source(%arg4 : memref<128x384xf32, #tpu.memory_space<vmem_shared>>) target(%dma_start3A_162 : memref<128x384xf32, #tpu.memory_space<hbm>>) target_semaphore(%arg5 : memref<!tpu.dma_semaphore, #tpu.memory_space<semaphore_mem>>)
    %add3A_163 = arith.constant 256 : i32
    %add3A_164 = arith.addi %mul3A_154, %add3A_163 : i32
    %dma_start3A_165 = arith.constant 384 : i32
    %dma_start3A_166 = tpu.memref_slice %arg3[%add3A_164, %dma_start3A_165] : memref<32768x768xf32, #tpu.memory_space<hbm>> -> memref<128x384xf32, #tpu.memory_space<hbm>>
    tpu.enqueue_dma source(%arg4 : memref<128x384xf32, #tpu.memory_space<vmem_shared>>) target(%dma_start3A_166 : memref<128x384xf32, #tpu.memory_space<hbm>>) target_semaphore(%arg5 : memref<!tpu.dma_semaphore, #tpu.memory_space<semaphore_mem>>)
    %add3A_167 = arith.constant 384 : i32
    %add3A_168 = arith.addi %mul3A_154, %add3A_167 : i32
    %dma_start3A_169 = arith.constant 384 : i32
    %dma_start3A_170 = tpu.memref_slice %arg3[%add3A_168, %dma_start3A_169] : memref<32768x768xf32, #tpu.memory_space<hbm>> -> memref<128x384xf32, #tpu.memory_space<hbm>>
    tpu.enqueue_dma source(%arg4 : memref<128x384xf32, #tpu.memory_space<vmem_shared>>) target(%dma_start3A_170 : memref<128x384xf32, #tpu.memory_space<hbm>>) target_semaphore(%arg5 : memref<!tpu.dma_semaphore, #tpu.memory_space<semaphore_mem>>)
    %add3A_171 = arith.constant 512 : i32
    %add3A_172 = arith.addi %mul3A_154, %add3A_171 : i32
    %dma_start3A_173 = arith.constant 384 : i32
    %dma_start3A_174 = tpu.memref_slice %arg3[%add3A_172, %dma_start3A_173] : memref<32768x768xf32, #tpu.memory_space<hbm>> -> memref<128x384xf32, #tpu.memory_space<hbm>>
    tpu.enqueue_dma source(%arg4 : memref<128x384xf32, #tpu.memory_space<vmem_shared>>) target(%dma_start3A_174 : memref<128x384xf32, #tpu.memory_space<hbm>>) target_semaphore(%arg5 : memref<!tpu.dma_semaphore, #tpu.memory_space<semaphore_mem>>)
    %add3A_175 = arith.constant 640 : i32
    %add3A_176 = arith.addi %mul3A_154, %add3A_175 : i32
    %dma_start3A_177 = arith.constant 384 : i32
    %dma_start3A_178 = tpu.memref_slice %arg3[%add3A_176, %dma_start3A_177] : memref<32768x768xf32, #tpu.memory_space<hbm>> -> memref<128x384xf32, #tpu.memory_space<hbm>>
    tpu.enqueue_dma source(%arg4 : memref<128x384xf32, #tpu.memory_space<vmem_shared>>) target(%dma_start3A_178 : memref<128x384xf32, #tpu.memory_space<hbm>>) target_semaphore(%arg5 : memref<!tpu.dma_semaphore, #tpu.memory_space<semaphore_mem>>)
    %add3A_179 = arith.constant 768 : i32
    %add3A_180 = arith.addi %mul3A_154, %add3A_179 : i32
    %dma_start3A_181 = arith.constant 384 : i32
    %dma_start3A_182 = tpu.memref_slice %arg3[%add3A_180, %dma_start3A_181] : memref<32768x768xf32, #tpu.memory_space<hbm>> -> memref<128x384xf32, #tpu.memory_space<hbm>>
    tpu.enqueue_dma source(%arg4 : memref<128x384xf32, #tpu.memory_space<vmem_shared>>) target(%dma_start3A_182 : memref<128x384xf32, #tpu.memory_space<hbm>>) target_semaphore(%arg5 : memref<!tpu.dma_semaphore, #tpu.memory_space<semaphore_mem>>)
    %add3A_183 = arith.constant 896 : i32
    %add3A_184 = arith.addi %mul3A_154, %add3A_183 : i32
    %dma_start3A_185 = arith.constant 384 : i32
    %dma_start3A_186 = tpu.memref_slice %arg3[%add3A_184, %dma_start3A_185] : memref<32768x768xf32, #tpu.memory_space<hbm>> -> memref<128x384xf32, #tpu.memory_space<hbm>>
    tpu.enqueue_dma source(%arg4 : memref<128x384xf32, #tpu.memory_space<vmem_shared>>) target(%dma_start3A_186 : memref<128x384xf32, #tpu.memory_space<hbm>>) target_semaphore(%arg5 : memref<!tpu.dma_semaphore, #tpu.memory_space<semaphore_mem>>)
    %mul3A_187 = arith.constant 16 : i32
    %mul3A_188 = arith.muli %arg0, %mul3A_187 : i32
    %add3A_189 = arith.constant 5 : i32
    %add3A_190 = arith.addi %mul3A_188, %add3A_189 : i32
    %mul3A_191 = arith.constant 1024 : i32
    %mul3A_192 = arith.muli %add3A_190, %mul3A_191 : i32
    %add3A_193 = arith.constant 0 : i32
    %add3A_194 = arith.addi %mul3A_192, %add3A_193 : i32
    %dma_start3A_195 = arith.constant 384 : i32
    %dma_start3A_196 = tpu.memref_slice %arg3[%add3A_194, %dma_start3A_195] : memref<32768x768xf32, #tpu.memory_space<hbm>> -> memref<128x384xf32, #tpu.memory_space<hbm>>
    tpu.enqueue_dma source(%arg4 : memref<128x384xf32, #tpu.memory_space<vmem_shared>>) target(%dma_start3A_196 : memref<128x384xf32, #tpu.memory_space<hbm>>) target_semaphore(%arg5 : memref<!tpu.dma_semaphore, #tpu.memory_space<semaphore_mem>>)
    %add3A_197 = arith.constant 128 : i32
    %add3A_198 = arith.addi %mul3A_192, %add3A_197 : i32
    %dma_start3A_199 = arith.constant 384 : i32
    %dma_start3A_200 = tpu.memref_slice %arg3[%add3A_198, %dma_start3A_199] : memref<32768x768xf32, #tpu.memory_space<hbm>> -> memref<128x384xf32, #tpu.memory_space<hbm>>
    tpu.enqueue_dma source(%arg4 : memref<128x384xf32, #tpu.memory_space<vmem_shared>>) target(%dma_start3A_200 : memref<128x384xf32, #tpu.memory_space<hbm>>) target_semaphore(%arg5 : memref<!tpu.dma_semaphore, #tpu.memory_space<semaphore_mem>>)
    %add3A_201 = arith.constant 256 : i32
    %add3A_202 = arith.addi %mul3A_192, %add3A_201 : i32
    %dma_start3A_203 = arith.constant 384 : i32
    %dma_start3A_204 = tpu.memref_slice %arg3[%add3A_202, %dma_start3A_203] : memref<32768x768xf32, #tpu.memory_space<hbm>> -> memref<128x384xf32, #tpu.memory_space<hbm>>
    tpu.enqueue_dma source(%arg4 : memref<128x384xf32, #tpu.memory_space<vmem_shared>>) target(%dma_start3A_204 : memref<128x384xf32, #tpu.memory_space<hbm>>) target_semaphore(%arg5 : memref<!tpu.dma_semaphore, #tpu.memory_space<semaphore_mem>>)
    %add3A_205 = arith.constant 384 : i32
    %add3A_206 = arith.addi %mul3A_192, %add3A_205 : i32
    %dma_start3A_207 = arith.constant 384 : i32
    %dma_start3A_208 = tpu.memref_slice %arg3[%add3A_206, %dma_start3A_207] : memref<32768x768xf32, #tpu.memory_space<hbm>> -> memref<128x384xf32, #tpu.memory_space<hbm>>
    tpu.enqueue_dma source(%arg4 : memref<128x384xf32, #tpu.memory_space<vmem_shared>>) target(%dma_start3A_208 : memref<128x384xf32, #tpu.memory_space<hbm>>) target_semaphore(%arg5 : memref<!tpu.dma_semaphore, #tpu.memory_space<semaphore_mem>>)
    %add3A_209 = arith.constant 512 : i32
    %add3A_210 = arith.addi %mul3A_192, %add3A_209 : i32
    %dma_start3A_211 = arith.constant 384 : i32
    %dma_start3A_212 = tpu.memref_slice %arg3[%add3A_210, %dma_start3A_211] : memref<32768x768xf32, #tpu.memory_space<hbm>> -> memref<128x384xf32, #tpu.memory_space<hbm>>
    tpu.enqueue_dma source(%arg4 : memref<128x384xf32, #tpu.memory_space<vmem_shared>>) target(%dma_start3A_212 : memref<128x384xf32, #tpu.memory_space<hbm>>) target_semaphore(%arg5 : memref<!tpu.dma_semaphore, #tpu.memory_space<semaphore_mem>>)
    %add3A_213 = arith.constant 640 : i32
    %add3A_214 = arith.addi %mul3A_192, %add3A_213 : i32
    %dma_start3A_215 = arith.constant 384 : i32
    %dma_start3A_216 = tpu.memref_slice %arg3[%add3A_214, %dma_start3A_215] : memref<32768x768xf32, #tpu.memory_space<hbm>> -> memref<128x384xf32, #tpu.memory_space<hbm>>
    tpu.enqueue_dma source(%arg4 : memref<128x384xf32, #tpu.memory_space<vmem_shared>>) target(%dma_start3A_216 : memref<128x384xf32, #tpu.memory_space<hbm>>) target_semaphore(%arg5 : memref<!tpu.dma_semaphore, #tpu.memory_space<semaphore_mem>>)
    %add3A_217 = arith.constant 768 : i32
    %add3A_218 = arith.addi %mul3A_192, %add3A_217 : i32
    %dma_start3A_219 = arith.constant 384 : i32
    %dma_start3A_220 = tpu.memref_slice %arg3[%add3A_218, %dma_start3A_219] : memref<32768x768xf32, #tpu.memory_space<hbm>> -> memref<128x384xf32, #tpu.memory_space<hbm>>
    tpu.enqueue_dma source(%arg4 : memref<128x384xf32, #tpu.memory_space<vmem_shared>>) target(%dma_start3A_220 : memref<128x384xf32, #tpu.memory_space<hbm>>) target_semaphore(%arg5 : memref<!tpu.dma_semaphore, #tpu.memory_space<semaphore_mem>>)
    %add3A_221 = arith.constant 896 : i32
    %add3A_222 = arith.addi %mul3A_192, %add3A_221 : i32
    %dma_start3A_223 = arith.constant 384 : i32
    %dma_start3A_224 = tpu.memref_slice %arg3[%add3A_222, %dma_start3A_223] : memref<32768x768xf32, #tpu.memory_space<hbm>> -> memref<128x384xf32, #tpu.memory_space<hbm>>
    tpu.enqueue_dma source(%arg4 : memref<128x384xf32, #tpu.memory_space<vmem_shared>>) target(%dma_start3A_224 : memref<128x384xf32, #tpu.memory_space<hbm>>) target_semaphore(%arg5 : memref<!tpu.dma_semaphore, #tpu.memory_space<semaphore_mem>>)
    %mul3A_225 = arith.constant 16 : i32
    %mul3A_226 = arith.muli %arg0, %mul3A_225 : i32
    %add3A_227 = arith.constant 6 : i32
    %add3A_228 = arith.addi %mul3A_226, %add3A_227 : i32
    %mul3A_229 = arith.constant 1024 : i32
    %mul3A_230 = arith.muli %add3A_228, %mul3A_229 : i32
    %add3A_231 = arith.constant 0 : i32
    %add3A_232 = arith.addi %mul3A_230, %add3A_231 : i32
    %dma_start3A_233 = arith.constant 384 : i32
    %dma_start3A_234 = tpu.memref_slice %arg3[%add3A_232, %dma_start3A_233] : memref<32768x768xf32, #tpu.memory_space<hbm>> -> memref<128x384xf32, #tpu.memory_space<hbm>>
    tpu.enqueue_dma source(%arg4 : memref<128x384xf32, #tpu.memory_space<vmem_shared>>) target(%dma_start3A_234 : memref<128x384xf32, #tpu.memory_space<hbm>>) target_semaphore(%arg5 : memref<!tpu.dma_semaphore, #tpu.memory_space<semaphore_mem>>)
    %add3A_235 = arith.constant 128 : i32
    %add3A_236 = arith.addi %mul3A_230, %add3A_235 : i32
    %dma_start3A_237 = arith.constant 384 : i32
    %dma_start3A_238 = tpu.memref_slice %arg3[%add3A_236, %dma_start3A_237] : memref<32768x768xf32, #tpu.memory_space<hbm>> -> memref<128x384xf32, #tpu.memory_space<hbm>>
    tpu.enqueue_dma source(%arg4 : memref<128x384xf32, #tpu.memory_space<vmem_shared>>) target(%dma_start3A_238 : memref<128x384xf32, #tpu.memory_space<hbm>>) target_semaphore(%arg5 : memref<!tpu.dma_semaphore, #tpu.memory_space<semaphore_mem>>)
    %add3A_239 = arith.constant 256 : i32
    %add3A_240 = arith.addi %mul3A_230, %add3A_239 : i32
    %dma_start3A_241 = arith.constant 384 : i32
    %dma_start3A_242 = tpu.memref_slice %arg3[%add3A_240, %dma_start3A_241] : memref<32768x768xf32, #tpu.memory_space<hbm>> -> memref<128x384xf32, #tpu.memory_space<hbm>>
    tpu.enqueue_dma source(%arg4 : memref<128x384xf32, #tpu.memory_space<vmem_shared>>) target(%dma_start3A_242 : memref<128x384xf32, #tpu.memory_space<hbm>>) target_semaphore(%arg5 : memref<!tpu.dma_semaphore, #tpu.memory_space<semaphore_mem>>)
    %add3A_243 = arith.constant 384 : i32
    %add3A_244 = arith.addi %mul3A_230, %add3A_243 : i32
    %dma_start3A_245 = arith.constant 384 : i32
    %dma_start3A_246 = tpu.memref_slice %arg3[%add3A_244, %dma_start3A_245] : memref<32768x768xf32, #tpu.memory_space<hbm>> -> memref<128x384xf32, #tpu.memory_space<hbm>>
    tpu.enqueue_dma source(%arg4 : memref<128x384xf32, #tpu.memory_space<vmem_shared>>) target(%dma_start3A_246 : memref<128x384xf32, #tpu.memory_space<hbm>>) target_semaphore(%arg5 : memref<!tpu.dma_semaphore, #tpu.memory_space<semaphore_mem>>)
    %add3A_247 = arith.constant 512 : i32
    %add3A_248 = arith.addi %mul3A_230, %add3A_247 : i32
    %dma_start3A_249 = arith.constant 384 : i32
    %dma_start3A_250 = tpu.memref_slice %arg3[%add3A_248, %dma_start3A_249] : memref<32768x768xf32, #tpu.memory_space<hbm>> -> memref<128x384xf32, #tpu.memory_space<hbm>>
    tpu.enqueue_dma source(%arg4 : memref<128x384xf32, #tpu.memory_space<vmem_shared>>) target(%dma_start3A_250 : memref<128x384xf32, #tpu.memory_space<hbm>>) target_semaphore(%arg5 : memref<!tpu.dma_semaphore, #tpu.memory_space<semaphore_mem>>)
    %add3A_251 = arith.constant 640 : i32
    %add3A_252 = arith.addi %mul3A_230, %add3A_251 : i32
    %dma_start3A_253 = arith.constant 384 : i32
    %dma_start3A_254 = tpu.memref_slice %arg3[%add3A_252, %dma_start3A_253] : memref<32768x768xf32, #tpu.memory_space<hbm>> -> memref<128x384xf32, #tpu.memory_space<hbm>>
    tpu.enqueue_dma source(%arg4 : memref<128x384xf32, #tpu.memory_space<vmem_shared>>) target(%dma_start3A_254 : memref<128x384xf32, #tpu.memory_space<hbm>>) target_semaphore(%arg5 : memref<!tpu.dma_semaphore, #tpu.memory_space<semaphore_mem>>)
    %add3A_255 = arith.constant 768 : i32
    %add3A_256 = arith.addi %mul3A_230, %add3A_255 : i32
    %dma_start3A_257 = arith.constant 384 : i32
    %dma_start3A_258 = tpu.memref_slice %arg3[%add3A_256, %dma_start3A_257] : memref<32768x768xf32, #tpu.memory_space<hbm>> -> memref<128x384xf32, #tpu.memory_space<hbm>>
    tpu.enqueue_dma source(%arg4 : memref<128x384xf32, #tpu.memory_space<vmem_shared>>) target(%dma_start3A_258 : memref<128x384xf32, #tpu.memory_space<hbm>>) target_semaphore(%arg5 : memref<!tpu.dma_semaphore, #tpu.memory_space<semaphore_mem>>)
    %add3A_259 = arith.constant 896 : i32
    %add3A_260 = arith.addi %mul3A_230, %add3A_259 : i32
    %dma_start3A_261 = arith.constant 384 : i32
    %dma_start3A_262 = tpu.memref_slice %arg3[%add3A_260, %dma_start3A_261] : memref<32768x768xf32, #tpu.memory_space<hbm>> -> memref<128x384xf32, #tpu.memory_space<hbm>>
    tpu.enqueue_dma source(%arg4 : memref<128x384xf32, #tpu.memory_space<vmem_shared>>) target(%dma_start3A_262 : memref<128x384xf32, #tpu.memory_space<hbm>>) target_semaphore(%arg5 : memref<!tpu.dma_semaphore, #tpu.memory_space<semaphore_mem>>)
    %mul3A_263 = arith.constant 16 : i32
    %mul3A_264 = arith.muli %arg0, %mul3A_263 : i32
    %add3A_265 = arith.constant 7 : i32
    %add3A_266 = arith.addi %mul3A_264, %add3A_265 : i32
    %mul3A_267 = arith.constant 1024 : i32
    %mul3A_268 = arith.muli %add3A_266, %mul3A_267 : i32
    %add3A_269 = arith.constant 0 : i32
    %add3A_270 = arith.addi %mul3A_268, %add3A_269 : i32
    %dma_start3A_271 = arith.constant 384 : i32
    %dma_start3A_272 = tpu.memref_slice %arg3[%add3A_270, %dma_start3A_271] : memref<32768x768xf32, #tpu.memory_space<hbm>> -> memref<128x384xf32, #tpu.memory_space<hbm>>
    tpu.enqueue_dma source(%arg4 : memref<128x384xf32, #tpu.memory_space<vmem_shared>>) target(%dma_start3A_272 : memref<128x384xf32, #tpu.memory_space<hbm>>) target_semaphore(%arg5 : memref<!tpu.dma_semaphore, #tpu.memory_space<semaphore_mem>>)
    %add3A_273 = arith.constant 128 : i32
    %add3A_274 = arith.addi %mul3A_268, %add3A_273 : i32
    %dma_start3A_275 = arith.constant 384 : i32
    %dma_start3A_276 = tpu.memref_slice %arg3[%add3A_274, %dma_start3A_275] : memref<32768x768xf32, #tpu.memory_space<hbm>> -> memref<128x384xf32, #tpu.memory_space<hbm>>
    tpu.enqueue_dma source(%arg4 : memref<128x384xf32, #tpu.memory_space<vmem_shared>>) target(%dma_start3A_276 : memref<128x384xf32, #tpu.memory_space<hbm>>) target_semaphore(%arg5 : memref<!tpu.dma_semaphore, #tpu.memory_space<semaphore_mem>>)
    %add3A_277 = arith.constant 256 : i32
    %add3A_278 = arith.addi %mul3A_268, %add3A_277 : i32
    %dma_start3A_279 = arith.constant 384 : i32
    %dma_start3A_280 = tpu.memref_slice %arg3[%add3A_278, %dma_start3A_279] : memref<32768x768xf32, #tpu.memory_space<hbm>> -> memref<128x384xf32, #tpu.memory_space<hbm>>
    tpu.enqueue_dma source(%arg4 : memref<128x384xf32, #tpu.memory_space<vmem_shared>>) target(%dma_start3A_280 : memref<128x384xf32, #tpu.memory_space<hbm>>) target_semaphore(%arg5 : memref<!tpu.dma_semaphore, #tpu.memory_space<semaphore_mem>>)
    %add3A_281 = arith.constant 384 : i32
    %add3A_282 = arith.addi %mul3A_268, %add3A_281 : i32
    %dma_start3A_283 = arith.constant 384 : i32
    %dma_start3A_284 = tpu.memref_slice %arg3[%add3A_282, %dma_start3A_283] : memref<32768x768xf32, #tpu.memory_space<hbm>> -> memref<128x384xf32, #tpu.memory_space<hbm>>
    tpu.enqueue_dma source(%arg4 : memref<128x384xf32, #tpu.memory_space<vmem_shared>>) target(%dma_start3A_284 : memref<128x384xf32, #tpu.memory_space<hbm>>) target_semaphore(%arg5 : memref<!tpu.dma_semaphore, #tpu.memory_space<semaphore_mem>>)
    %add3A_285 = arith.constant 512 : i32
    %add3A_286 = arith.addi %mul3A_268, %add3A_285 : i32
    %dma_start3A_287 = arith.constant 384 : i32
    %dma_start3A_288 = tpu.memref_slice %arg3[%add3A_286, %dma_start3A_287] : memref<32768x768xf32, #tpu.memory_space<hbm>> -> memref<128x384xf32, #tpu.memory_space<hbm>>
    tpu.enqueue_dma source(%arg4 : memref<128x384xf32, #tpu.memory_space<vmem_shared>>) target(%dma_start3A_288 : memref<128x384xf32, #tpu.memory_space<hbm>>) target_semaphore(%arg5 : memref<!tpu.dma_semaphore, #tpu.memory_space<semaphore_mem>>)
    %add3A_289 = arith.constant 640 : i32
    %add3A_290 = arith.addi %mul3A_268, %add3A_289 : i32
    %dma_start3A_291 = arith.constant 384 : i32
    %dma_start3A_292 = tpu.memref_slice %arg3[%add3A_290, %dma_start3A_291] : memref<32768x768xf32, #tpu.memory_space<hbm>> -> memref<128x384xf32, #tpu.memory_space<hbm>>
    tpu.enqueue_dma source(%arg4 : memref<128x384xf32, #tpu.memory_space<vmem_shared>>) target(%dma_start3A_292 : memref<128x384xf32, #tpu.memory_space<hbm>>) target_semaphore(%arg5 : memref<!tpu.dma_semaphore, #tpu.memory_space<semaphore_mem>>)
    %add3A_293 = arith.constant 768 : i32
    %add3A_294 = arith.addi %mul3A_268, %add3A_293 : i32
    %dma_start3A_295 = arith.constant 384 : i32
    %dma_start3A_296 = tpu.memref_slice %arg3[%add3A_294, %dma_start3A_295] : memref<32768x768xf32, #tpu.memory_space<hbm>> -> memref<128x384xf32, #tpu.memory_space<hbm>>
    tpu.enqueue_dma source(%arg4 : memref<128x384xf32, #tpu.memory_space<vmem_shared>>) target(%dma_start3A_296 : memref<128x384xf32, #tpu.memory_space<hbm>>) target_semaphore(%arg5 : memref<!tpu.dma_semaphore, #tpu.memory_space<semaphore_mem>>)
    %add3A_297 = arith.constant 896 : i32
    %add3A_298 = arith.addi %mul3A_268, %add3A_297 : i32
    %dma_start3A_299 = arith.constant 384 : i32
    %dma_start3A_300 = tpu.memref_slice %arg3[%add3A_298, %dma_start3A_299] : memref<32768x768xf32, #tpu.memory_space<hbm>> -> memref<128x384xf32, #tpu.memory_space<hbm>>
    tpu.enqueue_dma source(%arg4 : memref<128x384xf32, #tpu.memory_space<vmem_shared>>) target(%dma_start3A_300 : memref<128x384xf32, #tpu.memory_space<hbm>>) target_semaphore(%arg5 : memref<!tpu.dma_semaphore, #tpu.memory_space<semaphore_mem>>)
    %mul3A_301 = arith.constant 16 : i32
    %mul3A_302 = arith.muli %arg0, %mul3A_301 : i32
    %add3A_303 = arith.constant 8 : i32
    %add3A_304 = arith.addi %mul3A_302, %add3A_303 : i32
    %mul3A_305 = arith.constant 1024 : i32
    %mul3A_306 = arith.muli %add3A_304, %mul3A_305 : i32
    %add3A_307 = arith.constant 0 : i32
    %add3A_308 = arith.addi %mul3A_306, %add3A_307 : i32
    %dma_start3A_309 = arith.constant 384 : i32
    %dma_start3A_310 = tpu.memref_slice %arg3[%add3A_308, %dma_start3A_309] : memref<32768x768xf32, #tpu.memory_space<hbm>> -> memref<128x384xf32, #tpu.memory_space<hbm>>
    tpu.enqueue_dma source(%arg4 : memref<128x384xf32, #tpu.memory_space<vmem_shared>>) target(%dma_start3A_310 : memref<128x384xf32, #tpu.memory_space<hbm>>) target_semaphore(%arg5 : memref<!tpu.dma_semaphore, #tpu.memory_space<semaphore_mem>>)
    %add3A_311 = arith.constant 128 : i32
    %add3A_312 = arith.addi %mul3A_306, %add3A_311 : i32
    %dma_start3A_313 = arith.constant 384 : i32
    %dma_start3A_314 = tpu.memref_slice %arg3[%add3A_312, %dma_start3A_313] : memref<32768x768xf32, #tpu.memory_space<hbm>> -> memref<128x384xf32, #tpu.memory_space<hbm>>
    tpu.enqueue_dma source(%arg4 : memref<128x384xf32, #tpu.memory_space<vmem_shared>>) target(%dma_start3A_314 : memref<128x384xf32, #tpu.memory_space<hbm>>) target_semaphore(%arg5 : memref<!tpu.dma_semaphore, #tpu.memory_space<semaphore_mem>>)
    %add3A_315 = arith.constant 256 : i32
    %add3A_316 = arith.addi %mul3A_306, %add3A_315 : i32
    %dma_start3A_317 = arith.constant 384 : i32
    %dma_start3A_318 = tpu.memref_slice %arg3[%add3A_316, %dma_start3A_317] : memref<32768x768xf32, #tpu.memory_space<hbm>> -> memref<128x384xf32, #tpu.memory_space<hbm>>
    tpu.enqueue_dma source(%arg4 : memref<128x384xf32, #tpu.memory_space<vmem_shared>>) target(%dma_start3A_318 : memref<128x384xf32, #tpu.memory_space<hbm>>) target_semaphore(%arg5 : memref<!tpu.dma_semaphore, #tpu.memory_space<semaphore_mem>>)
    %add3A_319 = arith.constant 384 : i32
    %add3A_320 = arith.addi %mul3A_306, %add3A_319 : i32
    %dma_start3A_321 = arith.constant 384 : i32
    %dma_start3A_322 = tpu.memref_slice %arg3[%add3A_320, %dma_start3A_321] : memref<32768x768xf32, #tpu.memory_space<hbm>> -> memref<128x384xf32, #tpu.memory_space<hbm>>
    tpu.enqueue_dma source(%arg4 : memref<128x384xf32, #tpu.memory_space<vmem_shared>>) target(%dma_start3A_322 : memref<128x384xf32, #tpu.memory_space<hbm>>) target_semaphore(%arg5 : memref<!tpu.dma_semaphore, #tpu.memory_space<semaphore_mem>>)
    %add3A_323 = arith.constant 512 : i32
    %add3A_324 = arith.addi %mul3A_306, %add3A_323 : i32
    %dma_start3A_325 = arith.constant 384 : i32
    %dma_start3A_326 = tpu.memref_slice %arg3[%add3A_324, %dma_start3A_325] : memref<32768x768xf32, #tpu.memory_space<hbm>> -> memref<128x384xf32, #tpu.memory_space<hbm>>
    tpu.enqueue_dma source(%arg4 : memref<128x384xf32, #tpu.memory_space<vmem_shared>>) target(%dma_start3A_326 : memref<128x384xf32, #tpu.memory_space<hbm>>) target_semaphore(%arg5 : memref<!tpu.dma_semaphore, #tpu.memory_space<semaphore_mem>>)
    %add3A_327 = arith.constant 640 : i32
    %add3A_328 = arith.addi %mul3A_306, %add3A_327 : i32
    %dma_start3A_329 = arith.constant 384 : i32
    %dma_start3A_330 = tpu.memref_slice %arg3[%add3A_328, %dma_start3A_329] : memref<32768x768xf32, #tpu.memory_space<hbm>> -> memref<128x384xf32, #tpu.memory_space<hbm>>
    tpu.enqueue_dma source(%arg4 : memref<128x384xf32, #tpu.memory_space<vmem_shared>>) target(%dma_start3A_330 : memref<128x384xf32, #tpu.memory_space<hbm>>) target_semaphore(%arg5 : memref<!tpu.dma_semaphore, #tpu.memory_space<semaphore_mem>>)
    %add3A_331 = arith.constant 768 : i32
    %add3A_332 = arith.addi %mul3A_306, %add3A_331 : i32
    %dma_start3A_333 = arith.constant 384 : i32
    %dma_start3A_334 = tpu.memref_slice %arg3[%add3A_332, %dma_start3A_333] : memref<32768x768xf32, #tpu.memory_space<hbm>> -> memref<128x384xf32, #tpu.memory_space<hbm>>
    tpu.enqueue_dma source(%arg4 : memref<128x384xf32, #tpu.memory_space<vmem_shared>>) target(%dma_start3A_334 : memref<128x384xf32, #tpu.memory_space<hbm>>) target_semaphore(%arg5 : memref<!tpu.dma_semaphore, #tpu.memory_space<semaphore_mem>>)
    %add3A_335 = arith.constant 896 : i32
    %add3A_336 = arith.addi %mul3A_306, %add3A_335 : i32
    %dma_start3A_337 = arith.constant 384 : i32
    %dma_start3A_338 = tpu.memref_slice %arg3[%add3A_336, %dma_start3A_337] : memref<32768x768xf32, #tpu.memory_space<hbm>> -> memref<128x384xf32, #tpu.memory_space<hbm>>
    tpu.enqueue_dma source(%arg4 : memref<128x384xf32, #tpu.memory_space<vmem_shared>>) target(%dma_start3A_338 : memref<128x384xf32, #tpu.memory_space<hbm>>) target_semaphore(%arg5 : memref<!tpu.dma_semaphore, #tpu.memory_space<semaphore_mem>>)
    %mul3A_339 = arith.constant 16 : i32
    %mul3A_340 = arith.muli %arg0, %mul3A_339 : i32
    %add3A_341 = arith.constant 9 : i32
    %add3A_342 = arith.addi %mul3A_340, %add3A_341 : i32
    %mul3A_343 = arith.constant 1024 : i32
    %mul3A_344 = arith.muli %add3A_342, %mul3A_343 : i32
    %add3A_345 = arith.constant 0 : i32
    %add3A_346 = arith.addi %mul3A_344, %add3A_345 : i32
    %dma_start3A_347 = arith.constant 384 : i32
    %dma_start3A_348 = tpu.memref_slice %arg3[%add3A_346, %dma_start3A_347] : memref<32768x768xf32, #tpu.memory_space<hbm>> -> memref<128x384xf32, #tpu.memory_space<hbm>>
    tpu.enqueue_dma source(%arg4 : memref<128x384xf32, #tpu.memory_space<vmem_shared>>) target(%dma_start3A_348 : memref<128x384xf32, #tpu.memory_space<hbm>>) target_semaphore(%arg5 : memref<!tpu.dma_semaphore, #tpu.memory_space<semaphore_mem>>)
    %add3A_349 = arith.constant 128 : i32
    %add3A_350 = arith.addi %mul3A_344, %add3A_349 : i32
    %dma_start3A_351 = arith.constant 384 : i32
    %dma_start3A_352 = tpu.memref_slice %arg3[%add3A_350, %dma_start3A_351] : memref<32768x768xf32, #tpu.memory_space<hbm>> -> memref<128x384xf32, #tpu.memory_space<hbm>>
    tpu.enqueue_dma source(%arg4 : memref<128x384xf32, #tpu.memory_space<vmem_shared>>) target(%dma_start3A_352 : memref<128x384xf32, #tpu.memory_space<hbm>>) target_semaphore(%arg5 : memref<!tpu.dma_semaphore, #tpu.memory_space<semaphore_mem>>)
    %add3A_353 = arith.constant 256 : i32
    %add3A_354 = arith.addi %mul3A_344, %add3A_353 : i32
    %dma_start3A_355 = arith.constant 384 : i32
    %dma_start3A_356 = tpu.memref_slice %arg3[%add3A_354, %dma_start3A_355] : memref<32768x768xf32, #tpu.memory_space<hbm>> -> memref<128x384xf32, #tpu.memory_space<hbm>>
    tpu.enqueue_dma source(%arg4 : memref<128x384xf32, #tpu.memory_space<vmem_shared>>) target(%dma_start3A_356 : memref<128x384xf32, #tpu.memory_space<hbm>>) target_semaphore(%arg5 : memref<!tpu.dma_semaphore, #tpu.memory_space<semaphore_mem>>)
    %add3A_357 = arith.constant 384 : i32
    %add3A_358 = arith.addi %mul3A_344, %add3A_357 : i32
    %dma_start3A_359 = arith.constant 384 : i32
    %dma_start3A_360 = tpu.memref_slice %arg3[%add3A_358, %dma_start3A_359] : memref<32768x768xf32, #tpu.memory_space<hbm>> -> memref<128x384xf32, #tpu.memory_space<hbm>>
    tpu.enqueue_dma source(%arg4 : memref<128x384xf32, #tpu.memory_space<vmem_shared>>) target(%dma_start3A_360 : memref<128x384xf32, #tpu.memory_space<hbm>>) target_semaphore(%arg5 : memref<!tpu.dma_semaphore, #tpu.memory_space<semaphore_mem>>)
    %add3A_361 = arith.constant 512 : i32
    %add3A_362 = arith.addi %mul3A_344, %add3A_361 : i32
    %dma_start3A_363 = arith.constant 384 : i32
    %dma_start3A_364 = tpu.memref_slice %arg3[%add3A_362, %dma_start3A_363] : memref<32768x768xf32, #tpu.memory_space<hbm>> -> memref<128x384xf32, #tpu.memory_space<hbm>>
    tpu.enqueue_dma source(%arg4 : memref<128x384xf32, #tpu.memory_space<vmem_shared>>) target(%dma_start3A_364 : memref<128x384xf32, #tpu.memory_space<hbm>>) target_semaphore(%arg5 : memref<!tpu.dma_semaphore, #tpu.memory_space<semaphore_mem>>)
    %add3A_365 = arith.constant 640 : i32
    %add3A_366 = arith.addi %mul3A_344, %add3A_365 : i32
    %dma_start3A_367 = arith.constant 384 : i32
    %dma_start3A_368 = tpu.memref_slice %arg3[%add3A_366, %dma_start3A_367] : memref<32768x768xf32, #tpu.memory_space<hbm>> -> memref<128x384xf32, #tpu.memory_space<hbm>>
    tpu.enqueue_dma source(%arg4 : memref<128x384xf32, #tpu.memory_space<vmem_shared>>) target(%dma_start3A_368 : memref<128x384xf32, #tpu.memory_space<hbm>>) target_semaphore(%arg5 : memref<!tpu.dma_semaphore, #tpu.memory_space<semaphore_mem>>)
    %add3A_369 = arith.constant 768 : i32
    %add3A_370 = arith.addi %mul3A_344, %add3A_369 : i32
    %dma_start3A_371 = arith.constant 384 : i32
    %dma_start3A_372 = tpu.memref_slice %arg3[%add3A_370, %dma_start3A_371] : memref<32768x768xf32, #tpu.memory_space<hbm>> -> memref<128x384xf32, #tpu.memory_space<hbm>>
    tpu.enqueue_dma source(%arg4 : memref<128x384xf32, #tpu.memory_space<vmem_shared>>) target(%dma_start3A_372 : memref<128x384xf32, #tpu.memory_space<hbm>>) target_semaphore(%arg5 : memref<!tpu.dma_semaphore, #tpu.memory_space<semaphore_mem>>)
    %add3A_373 = arith.constant 896 : i32
    %add3A_374 = arith.addi %mul3A_344, %add3A_373 : i32
    %dma_start3A_375 = arith.constant 384 : i32
    %dma_start3A_376 = tpu.memref_slice %arg3[%add3A_374, %dma_start3A_375] : memref<32768x768xf32, #tpu.memory_space<hbm>> -> memref<128x384xf32, #tpu.memory_space<hbm>>
    tpu.enqueue_dma source(%arg4 : memref<128x384xf32, #tpu.memory_space<vmem_shared>>) target(%dma_start3A_376 : memref<128x384xf32, #tpu.memory_space<hbm>>) target_semaphore(%arg5 : memref<!tpu.dma_semaphore, #tpu.memory_space<semaphore_mem>>)
    %mul3A_377 = arith.constant 16 : i32
    %mul3A_378 = arith.muli %arg0, %mul3A_377 : i32
    %add3A_379 = arith.constant 10 : i32
    %add3A_380 = arith.addi %mul3A_378, %add3A_379 : i32
    %mul3A_381 = arith.constant 1024 : i32
    %mul3A_382 = arith.muli %add3A_380, %mul3A_381 : i32
    %add3A_383 = arith.constant 0 : i32
    %add3A_384 = arith.addi %mul3A_382, %add3A_383 : i32
    %dma_start3A_385 = arith.constant 384 : i32
    %dma_start3A_386 = tpu.memref_slice %arg3[%add3A_384, %dma_start3A_385] : memref<32768x768xf32, #tpu.memory_space<hbm>> -> memref<128x384xf32, #tpu.memory_space<hbm>>
    tpu.enqueue_dma source(%arg4 : memref<128x384xf32, #tpu.memory_space<vmem_shared>>) target(%dma_start3A_386 : memref<128x384xf32, #tpu.memory_space<hbm>>) target_semaphore(%arg5 : memref<!tpu.dma_semaphore, #tpu.memory_space<semaphore_mem>>)
    %add3A_387 = arith.constant 128 : i32
    %add3A_388 = arith.addi %mul3A_382, %add3A_387 : i32
    %dma_start3A_389 = arith.constant 384 : i32
    %dma_start3A_390 = tpu.memref_slice %arg3[%add3A_388, %dma_start3A_389] : memref<32768x768xf32, #tpu.memory_space<hbm>> -> memref<128x384xf32, #tpu.memory_space<hbm>>
    tpu.enqueue_dma source(%arg4 : memref<128x384xf32, #tpu.memory_space<vmem_shared>>) target(%dma_start3A_390 : memref<128x384xf32, #tpu.memory_space<hbm>>) target_semaphore(%arg5 : memref<!tpu.dma_semaphore, #tpu.memory_space<semaphore_mem>>)
    %add3A_391 = arith.constant 256 : i32
    %add3A_392 = arith.addi %mul3A_382, %add3A_391 : i32
    %dma_start3A_393 = arith.constant 384 : i32
    %dma_start3A_394 = tpu.memref_slice %arg3[%add3A_392, %dma_start3A_393] : memref<32768x768xf32, #tpu.memory_space<hbm>> -> memref<128x384xf32, #tpu.memory_space<hbm>>
    tpu.enqueue_dma source(%arg4 : memref<128x384xf32, #tpu.memory_space<vmem_shared>>) target(%dma_start3A_394 : memref<128x384xf32, #tpu.memory_space<hbm>>) target_semaphore(%arg5 : memref<!tpu.dma_semaphore, #tpu.memory_space<semaphore_mem>>)
    %add3A_395 = arith.constant 384 : i32
    %add3A_396 = arith.addi %mul3A_382, %add3A_395 : i32
    %dma_start3A_397 = arith.constant 384 : i32
    %dma_start3A_398 = tpu.memref_slice %arg3[%add3A_396, %dma_start3A_397] : memref<32768x768xf32, #tpu.memory_space<hbm>> -> memref<128x384xf32, #tpu.memory_space<hbm>>
    tpu.enqueue_dma source(%arg4 : memref<128x384xf32, #tpu.memory_space<vmem_shared>>) target(%dma_start3A_398 : memref<128x384xf32, #tpu.memory_space<hbm>>) target_semaphore(%arg5 : memref<!tpu.dma_semaphore, #tpu.memory_space<semaphore_mem>>)
    %add3A_399 = arith.constant 512 : i32
    %add3A_400 = arith.addi %mul3A_382, %add3A_399 : i32
    %dma_start3A_401 = arith.constant 384 : i32
    %dma_start3A_402 = tpu.memref_slice %arg3[%add3A_400, %dma_start3A_401] : memref<32768x768xf32, #tpu.memory_space<hbm>> -> memref<128x384xf32, #tpu.memory_space<hbm>>
    tpu.enqueue_dma source(%arg4 : memref<128x384xf32, #tpu.memory_space<vmem_shared>>) target(%dma_start3A_402 : memref<128x384xf32, #tpu.memory_space<hbm>>) target_semaphore(%arg5 : memref<!tpu.dma_semaphore, #tpu.memory_space<semaphore_mem>>)
    %add3A_403 = arith.constant 640 : i32
    %add3A_404 = arith.addi %mul3A_382, %add3A_403 : i32
    %dma_start3A_405 = arith.constant 384 : i32
    %dma_start3A_406 = tpu.memref_slice %arg3[%add3A_404, %dma_start3A_405] : memref<32768x768xf32, #tpu.memory_space<hbm>> -> memref<128x384xf32, #tpu.memory_space<hbm>>
    tpu.enqueue_dma source(%arg4 : memref<128x384xf32, #tpu.memory_space<vmem_shared>>) target(%dma_start3A_406 : memref<128x384xf32, #tpu.memory_space<hbm>>) target_semaphore(%arg5 : memref<!tpu.dma_semaphore, #tpu.memory_space<semaphore_mem>>)
    %add3A_407 = arith.constant 768 : i32
    %add3A_408 = arith.addi %mul3A_382, %add3A_407 : i32
    %dma_start3A_409 = arith.constant 384 : i32
    %dma_start3A_410 = tpu.memref_slice %arg3[%add3A_408, %dma_start3A_409] : memref<32768x768xf32, #tpu.memory_space<hbm>> -> memref<128x384xf32, #tpu.memory_space<hbm>>
    tpu.enqueue_dma source(%arg4 : memref<128x384xf32, #tpu.memory_space<vmem_shared>>) target(%dma_start3A_410 : memref<128x384xf32, #tpu.memory_space<hbm>>) target_semaphore(%arg5 : memref<!tpu.dma_semaphore, #tpu.memory_space<semaphore_mem>>)
    %add3A_411 = arith.constant 896 : i32
    %add3A_412 = arith.addi %mul3A_382, %add3A_411 : i32
    %dma_start3A_413 = arith.constant 384 : i32
    %dma_start3A_414 = tpu.memref_slice %arg3[%add3A_412, %dma_start3A_413] : memref<32768x768xf32, #tpu.memory_space<hbm>> -> memref<128x384xf32, #tpu.memory_space<hbm>>
    tpu.enqueue_dma source(%arg4 : memref<128x384xf32, #tpu.memory_space<vmem_shared>>) target(%dma_start3A_414 : memref<128x384xf32, #tpu.memory_space<hbm>>) target_semaphore(%arg5 : memref<!tpu.dma_semaphore, #tpu.memory_space<semaphore_mem>>)
    %mul3A_415 = arith.constant 16 : i32
    %mul3A_416 = arith.muli %arg0, %mul3A_415 : i32
    %add3A_417 = arith.constant 11 : i32
    %add3A_418 = arith.addi %mul3A_416, %add3A_417 : i32
    %mul3A_419 = arith.constant 1024 : i32
    %mul3A_420 = arith.muli %add3A_418, %mul3A_419 : i32
    %add3A_421 = arith.constant 0 : i32
    %add3A_422 = arith.addi %mul3A_420, %add3A_421 : i32
    %dma_start3A_423 = arith.constant 384 : i32
    %dma_start3A_424 = tpu.memref_slice %arg3[%add3A_422, %dma_start3A_423] : memref<32768x768xf32, #tpu.memory_space<hbm>> -> memref<128x384xf32, #tpu.memory_space<hbm>>
    tpu.enqueue_dma source(%arg4 : memref<128x384xf32, #tpu.memory_space<vmem_shared>>) target(%dma_start3A_424 : memref<128x384xf32, #tpu.memory_space<hbm>>) target_semaphore(%arg5 : memref<!tpu.dma_semaphore, #tpu.memory_space<semaphore_mem>>)
    %add3A_425 = arith.constant 128 : i32
    %add3A_426 = arith.addi %mul3A_420, %add3A_425 : i32
    %dma_start3A_427 = arith.constant 384 : i32
    %dma_start3A_428 = tpu.memref_slice %arg3[%add3A_426, %dma_start3A_427] : memref<32768x768xf32, #tpu.memory_space<hbm>> -> memref<128x384xf32, #tpu.memory_space<hbm>>
    tpu.enqueue_dma source(%arg4 : memref<128x384xf32, #tpu.memory_space<vmem_shared>>) target(%dma_start3A_428 : memref<128x384xf32, #tpu.memory_space<hbm>>) target_semaphore(%arg5 : memref<!tpu.dma_semaphore, #tpu.memory_space<semaphore_mem>>)
    %add3A_429 = arith.constant 256 : i32
    %add3A_430 = arith.addi %mul3A_420, %add3A_429 : i32
    %dma_start3A_431 = arith.constant 384 : i32
    %dma_start3A_432 = tpu.memref_slice %arg3[%add3A_430, %dma_start3A_431] : memref<32768x768xf32, #tpu.memory_space<hbm>> -> memref<128x384xf32, #tpu.memory_space<hbm>>
    tpu.enqueue_dma source(%arg4 : memref<128x384xf32, #tpu.memory_space<vmem_shared>>) target(%dma_start3A_432 : memref<128x384xf32, #tpu.memory_space<hbm>>) target_semaphore(%arg5 : memref<!tpu.dma_semaphore, #tpu.memory_space<semaphore_mem>>)
    %add3A_433 = arith.constant 384 : i32
    %add3A_434 = arith.addi %mul3A_420, %add3A_433 : i32
    %dma_start3A_435 = arith.constant 384 : i32
    %dma_start3A_436 = tpu.memref_slice %arg3[%add3A_434, %dma_start3A_435] : memref<32768x768xf32, #tpu.memory_space<hbm>> -> memref<128x384xf32, #tpu.memory_space<hbm>>
    tpu.enqueue_dma source(%arg4 : memref<128x384xf32, #tpu.memory_space<vmem_shared>>) target(%dma_start3A_436 : memref<128x384xf32, #tpu.memory_space<hbm>>) target_semaphore(%arg5 : memref<!tpu.dma_semaphore, #tpu.memory_space<semaphore_mem>>)
    %add3A_437 = arith.constant 512 : i32
    %add3A_438 = arith.addi %mul3A_420, %add3A_437 : i32
    %dma_start3A_439 = arith.constant 384 : i32
    %dma_start3A_440 = tpu.memref_slice %arg3[%add3A_438, %dma_start3A_439] : memref<32768x768xf32, #tpu.memory_space<hbm>> -> memref<128x384xf32, #tpu.memory_space<hbm>>
    tpu.enqueue_dma source(%arg4 : memref<128x384xf32, #tpu.memory_space<vmem_shared>>) target(%dma_start3A_440 : memref<128x384xf32, #tpu.memory_space<hbm>>) target_semaphore(%arg5 : memref<!tpu.dma_semaphore, #tpu.memory_space<semaphore_mem>>)
    %add3A_441 = arith.constant 640 : i32
    %add3A_442 = arith.addi %mul3A_420, %add3A_441 : i32
    %dma_start3A_443 = arith.constant 384 : i32
    %dma_start3A_444 = tpu.memref_slice %arg3[%add3A_442, %dma_start3A_443] : memref<32768x768xf32, #tpu.memory_space<hbm>> -> memref<128x384xf32, #tpu.memory_space<hbm>>
    tpu.enqueue_dma source(%arg4 : memref<128x384xf32, #tpu.memory_space<vmem_shared>>) target(%dma_start3A_444 : memref<128x384xf32, #tpu.memory_space<hbm>>) target_semaphore(%arg5 : memref<!tpu.dma_semaphore, #tpu.memory_space<semaphore_mem>>)
    %add3A_445 = arith.constant 768 : i32
    %add3A_446 = arith.addi %mul3A_420, %add3A_445 : i32
    %dma_start3A_447 = arith.constant 384 : i32
    %dma_start3A_448 = tpu.memref_slice %arg3[%add3A_446, %dma_start3A_447] : memref<32768x768xf32, #tpu.memory_space<hbm>> -> memref<128x384xf32, #tpu.memory_space<hbm>>
    tpu.enqueue_dma source(%arg4 : memref<128x384xf32, #tpu.memory_space<vmem_shared>>) target(%dma_start3A_448 : memref<128x384xf32, #tpu.memory_space<hbm>>) target_semaphore(%arg5 : memref<!tpu.dma_semaphore, #tpu.memory_space<semaphore_mem>>)
    %add3A_449 = arith.constant 896 : i32
    %add3A_450 = arith.addi %mul3A_420, %add3A_449 : i32
    %dma_start3A_451 = arith.constant 384 : i32
    %dma_start3A_452 = tpu.memref_slice %arg3[%add3A_450, %dma_start3A_451] : memref<32768x768xf32, #tpu.memory_space<hbm>> -> memref<128x384xf32, #tpu.memory_space<hbm>>
    tpu.enqueue_dma source(%arg4 : memref<128x384xf32, #tpu.memory_space<vmem_shared>>) target(%dma_start3A_452 : memref<128x384xf32, #tpu.memory_space<hbm>>) target_semaphore(%arg5 : memref<!tpu.dma_semaphore, #tpu.memory_space<semaphore_mem>>)
    %mul3A_453 = arith.constant 16 : i32
    %mul3A_454 = arith.muli %arg0, %mul3A_453 : i32
    %add3A_455 = arith.constant 12 : i32
    %add3A_456 = arith.addi %mul3A_454, %add3A_455 : i32
    %mul3A_457 = arith.constant 1024 : i32
    %mul3A_458 = arith.muli %add3A_456, %mul3A_457 : i32
    %add3A_459 = arith.constant 0 : i32
    %add3A_460 = arith.addi %mul3A_458, %add3A_459 : i32
    %dma_start3A_461 = arith.constant 384 : i32
    %dma_start3A_462 = tpu.memref_slice %arg3[%add3A_460, %dma_start3A_461] : memref<32768x768xf32, #tpu.memory_space<hbm>> -> memref<128x384xf32, #tpu.memory_space<hbm>>
    tpu.enqueue_dma source(%arg4 : memref<128x384xf32, #tpu.memory_space<vmem_shared>>) target(%dma_start3A_462 : memref<128x384xf32, #tpu.memory_space<hbm>>) target_semaphore(%arg5 : memref<!tpu.dma_semaphore, #tpu.memory_space<semaphore_mem>>)
    %add3A_463 = arith.constant 128 : i32
    %add3A_464 = arith.addi %mul3A_458, %add3A_463 : i32
    %dma_start3A_465 = arith.constant 384 : i32
    %dma_start3A_466 = tpu.memref_slice %arg3[%add3A_464, %dma_start3A_465] : memref<32768x768xf32, #tpu.memory_space<hbm>> -> memref<128x384xf32, #tpu.memory_space<hbm>>
    tpu.enqueue_dma source(%arg4 : memref<128x384xf32, #tpu.memory_space<vmem_shared>>) target(%dma_start3A_466 : memref<128x384xf32, #tpu.memory_space<hbm>>) target_semaphore(%arg5 : memref<!tpu.dma_semaphore, #tpu.memory_space<semaphore_mem>>)
    %add3A_467 = arith.constant 256 : i32
    %add3A_468 = arith.addi %mul3A_458, %add3A_467 : i32
    %dma_start3A_469 = arith.constant 384 : i32
    %dma_start3A_470 = tpu.memref_slice %arg3[%add3A_468, %dma_start3A_469] : memref<32768x768xf32, #tpu.memory_space<hbm>> -> memref<128x384xf32, #tpu.memory_space<hbm>>
    tpu.enqueue_dma source(%arg4 : memref<128x384xf32, #tpu.memory_space<vmem_shared>>) target(%dma_start3A_470 : memref<128x384xf32, #tpu.memory_space<hbm>>) target_semaphore(%arg5 : memref<!tpu.dma_semaphore, #tpu.memory_space<semaphore_mem>>)
    %add3A_471 = arith.constant 384 : i32
    %add3A_472 = arith.addi %mul3A_458, %add3A_471 : i32
    %dma_start3A_473 = arith.constant 384 : i32
    %dma_start3A_474 = tpu.memref_slice %arg3[%add3A_472, %dma_start3A_473] : memref<32768x768xf32, #tpu.memory_space<hbm>> -> memref<128x384xf32, #tpu.memory_space<hbm>>
    tpu.enqueue_dma source(%arg4 : memref<128x384xf32, #tpu.memory_space<vmem_shared>>) target(%dma_start3A_474 : memref<128x384xf32, #tpu.memory_space<hbm>>) target_semaphore(%arg5 : memref<!tpu.dma_semaphore, #tpu.memory_space<semaphore_mem>>)
    %add3A_475 = arith.constant 512 : i32
    %add3A_476 = arith.addi %mul3A_458, %add3A_475 : i32
    %dma_start3A_477 = arith.constant 384 : i32
    %dma_start3A_478 = tpu.memref_slice %arg3[%add3A_476, %dma_start3A_477] : memref<32768x768xf32, #tpu.memory_space<hbm>> -> memref<128x384xf32, #tpu.memory_space<hbm>>
    tpu.enqueue_dma source(%arg4 : memref<128x384xf32, #tpu.memory_space<vmem_shared>>) target(%dma_start3A_478 : memref<128x384xf32, #tpu.memory_space<hbm>>) target_semaphore(%arg5 : memref<!tpu.dma_semaphore, #tpu.memory_space<semaphore_mem>>)
    %add3A_479 = arith.constant 640 : i32
    %add3A_480 = arith.addi %mul3A_458, %add3A_479 : i32
    %dma_start3A_481 = arith.constant 384 : i32
    %dma_start3A_482 = tpu.memref_slice %arg3[%add3A_480, %dma_start3A_481] : memref<32768x768xf32, #tpu.memory_space<hbm>> -> memref<128x384xf32, #tpu.memory_space<hbm>>
    tpu.enqueue_dma source(%arg4 : memref<128x384xf32, #tpu.memory_space<vmem_shared>>) target(%dma_start3A_482 : memref<128x384xf32, #tpu.memory_space<hbm>>) target_semaphore(%arg5 : memref<!tpu.dma_semaphore, #tpu.memory_space<semaphore_mem>>)
    %add3A_483 = arith.constant 768 : i32
    %add3A_484 = arith.addi %mul3A_458, %add3A_483 : i32
    %dma_start3A_485 = arith.constant 384 : i32
    %dma_start3A_486 = tpu.memref_slice %arg3[%add3A_484, %dma_start3A_485] : memref<32768x768xf32, #tpu.memory_space<hbm>> -> memref<128x384xf32, #tpu.memory_space<hbm>>
    tpu.enqueue_dma source(%arg4 : memref<128x384xf32, #tpu.memory_space<vmem_shared>>) target(%dma_start3A_486 : memref<128x384xf32, #tpu.memory_space<hbm>>) target_semaphore(%arg5 : memref<!tpu.dma_semaphore, #tpu.memory_space<semaphore_mem>>)
    %add3A_487 = arith.constant 896 : i32
    %add3A_488 = arith.addi %mul3A_458, %add3A_487 : i32
    %dma_start3A_489 = arith.constant 384 : i32
    %dma_start3A_490 = tpu.memref_slice %arg3[%add3A_488, %dma_start3A_489] : memref<32768x768xf32, #tpu.memory_space<hbm>> -> memref<128x384xf32, #tpu.memory_space<hbm>>
    tpu.enqueue_dma source(%arg4 : memref<128x384xf32, #tpu.memory_space<vmem_shared>>) target(%dma_start3A_490 : memref<128x384xf32, #tpu.memory_space<hbm>>) target_semaphore(%arg5 : memref<!tpu.dma_semaphore, #tpu.memory_space<semaphore_mem>>)
    %mul3A_491 = arith.constant 16 : i32
    %mul3A_492 = arith.muli %arg0, %mul3A_491 : i32
    %add3A_493 = arith.constant 13 : i32
    %add3A_494 = arith.addi %mul3A_492, %add3A_493 : i32
    %mul3A_495 = arith.constant 1024 : i32
    %mul3A_496 = arith.muli %add3A_494, %mul3A_495 : i32
    %add3A_497 = arith.constant 0 : i32
    %add3A_498 = arith.addi %mul3A_496, %add3A_497 : i32
    %dma_start3A_499 = arith.constant 384 : i32
    %dma_start3A_500 = tpu.memref_slice %arg3[%add3A_498, %dma_start3A_499] : memref<32768x768xf32, #tpu.memory_space<hbm>> -> memref<128x384xf32, #tpu.memory_space<hbm>>
    tpu.enqueue_dma source(%arg4 : memref<128x384xf32, #tpu.memory_space<vmem_shared>>) target(%dma_start3A_500 : memref<128x384xf32, #tpu.memory_space<hbm>>) target_semaphore(%arg5 : memref<!tpu.dma_semaphore, #tpu.memory_space<semaphore_mem>>)
    %add3A_501 = arith.constant 128 : i32
    %add3A_502 = arith.addi %mul3A_496, %add3A_501 : i32
    %dma_start3A_503 = arith.constant 384 : i32
    %dma_start3A_504 = tpu.memref_slice %arg3[%add3A_502, %dma_start3A_503] : memref<32768x768xf32, #tpu.memory_space<hbm>> -> memref<128x384xf32, #tpu.memory_space<hbm>>
    tpu.enqueue_dma source(%arg4 : memref<128x384xf32, #tpu.memory_space<vmem_shared>>) target(%dma_start3A_504 : memref<128x384xf32, #tpu.memory_space<hbm>>) target_semaphore(%arg5 : memref<!tpu.dma_semaphore, #tpu.memory_space<semaphore_mem>>)
    %add3A_505 = arith.constant 256 : i32
    %add3A_506 = arith.addi %mul3A_496, %add3A_505 : i32
    %dma_start3A_507 = arith.constant 384 : i32
    %dma_start3A_508 = tpu.memref_slice %arg3[%add3A_506, %dma_start3A_507] : memref<32768x768xf32, #tpu.memory_space<hbm>> -> memref<128x384xf32, #tpu.memory_space<hbm>>
    tpu.enqueue_dma source(%arg4 : memref<128x384xf32, #tpu.memory_space<vmem_shared>>) target(%dma_start3A_508 : memref<128x384xf32, #tpu.memory_space<hbm>>) target_semaphore(%arg5 : memref<!tpu.dma_semaphore, #tpu.memory_space<semaphore_mem>>)
    %add3A_509 = arith.constant 384 : i32
    %add3A_510 = arith.addi %mul3A_496, %add3A_509 : i32
    %dma_start3A_511 = arith.constant 384 : i32
    %dma_start3A_512 = tpu.memref_slice %arg3[%add3A_510, %dma_start3A_511] : memref<32768x768xf32, #tpu.memory_space<hbm>> -> memref<128x384xf32, #tpu.memory_space<hbm>>
    tpu.enqueue_dma source(%arg4 : memref<128x384xf32, #tpu.memory_space<vmem_shared>>) target(%dma_start3A_512 : memref<128x384xf32, #tpu.memory_space<hbm>>) target_semaphore(%arg5 : memref<!tpu.dma_semaphore, #tpu.memory_space<semaphore_mem>>)
    %add3A_513 = arith.constant 512 : i32
    %add3A_514 = arith.addi %mul3A_496, %add3A_513 : i32
    %dma_start3A_515 = arith.constant 384 : i32
    %dma_start3A_516 = tpu.memref_slice %arg3[%add3A_514, %dma_start3A_515] : memref<32768x768xf32, #tpu.memory_space<hbm>> -> memref<128x384xf32, #tpu.memory_space<hbm>>
    tpu.enqueue_dma source(%arg4 : memref<128x384xf32, #tpu.memory_space<vmem_shared>>) target(%dma_start3A_516 : memref<128x384xf32, #tpu.memory_space<hbm>>) target_semaphore(%arg5 : memref<!tpu.dma_semaphore, #tpu.memory_space<semaphore_mem>>)
    %add3A_517 = arith.constant 640 : i32
    %add3A_518 = arith.addi %mul3A_496, %add3A_517 : i32
    %dma_start3A_519 = arith.constant 384 : i32
    %dma_start3A_520 = tpu.memref_slice %arg3[%add3A_518, %dma_start3A_519] : memref<32768x768xf32, #tpu.memory_space<hbm>> -> memref<128x384xf32, #tpu.memory_space<hbm>>
    tpu.enqueue_dma source(%arg4 : memref<128x384xf32, #tpu.memory_space<vmem_shared>>) target(%dma_start3A_520 : memref<128x384xf32, #tpu.memory_space<hbm>>) target_semaphore(%arg5 : memref<!tpu.dma_semaphore, #tpu.memory_space<semaphore_mem>>)
    %add3A_521 = arith.constant 768 : i32
    %add3A_522 = arith.addi %mul3A_496, %add3A_521 : i32
    %dma_start3A_523 = arith.constant 384 : i32
    %dma_start3A_524 = tpu.memref_slice %arg3[%add3A_522, %dma_start3A_523] : memref<32768x768xf32, #tpu.memory_space<hbm>> -> memref<128x384xf32, #tpu.memory_space<hbm>>
    tpu.enqueue_dma source(%arg4 : memref<128x384xf32, #tpu.memory_space<vmem_shared>>) target(%dma_start3A_524 : memref<128x384xf32, #tpu.memory_space<hbm>>) target_semaphore(%arg5 : memref<!tpu.dma_semaphore, #tpu.memory_space<semaphore_mem>>)
    %add3A_525 = arith.constant 896 : i32
    %add3A_526 = arith.addi %mul3A_496, %add3A_525 : i32
    %dma_start3A_527 = arith.constant 384 : i32
    %dma_start3A_528 = tpu.memref_slice %arg3[%add3A_526, %dma_start3A_527] : memref<32768x768xf32, #tpu.memory_space<hbm>> -> memref<128x384xf32, #tpu.memory_space<hbm>>
    tpu.enqueue_dma source(%arg4 : memref<128x384xf32, #tpu.memory_space<vmem_shared>>) target(%dma_start3A_528 : memref<128x384xf32, #tpu.memory_space<hbm>>) target_semaphore(%arg5 : memref<!tpu.dma_semaphore, #tpu.memory_space<semaphore_mem>>)
    %mul3A_529 = arith.constant 16 : i32
    %mul3A_530 = arith.muli %arg0, %mul3A_529 : i32
    %add3A_531 = arith.constant 14 : i32
    %add3A_532 = arith.addi %mul3A_530, %add3A_531 : i32
    %mul3A_533 = arith.constant 1024 : i32
    %mul3A_534 = arith.muli %add3A_532, %mul3A_533 : i32
    %add3A_535 = arith.constant 0 : i32
    %add3A_536 = arith.addi %mul3A_534, %add3A_535 : i32
    %dma_start3A_537 = arith.constant 384 : i32
    %dma_start3A_538 = tpu.memref_slice %arg3[%add3A_536, %dma_start3A_537] : memref<32768x768xf32, #tpu.memory_space<hbm>> -> memref<128x384xf32, #tpu.memory_space<hbm>>
    tpu.enqueue_dma source(%arg4 : memref<128x384xf32, #tpu.memory_space<vmem_shared>>) target(%dma_start3A_538 : memref<128x384xf32, #tpu.memory_space<hbm>>) target_semaphore(%arg5 : memref<!tpu.dma_semaphore, #tpu.memory_space<semaphore_mem>>)
    %add3A_539 = arith.constant 128 : i32
    %add3A_540 = arith.addi %mul3A_534, %add3A_539 : i32
    %dma_start3A_541 = arith.constant 384 : i32
    %dma_start3A_542 = tpu.memref_slice %arg3[%add3A_540, %dma_start3A_541] : memref<32768x768xf32, #tpu.memory_space<hbm>> -> memref<128x384xf32, #tpu.memory_space<hbm>>
    tpu.enqueue_dma source(%arg4 : memref<128x384xf32, #tpu.memory_space<vmem_shared>>) target(%dma_start3A_542 : memref<128x384xf32, #tpu.memory_space<hbm>>) target_semaphore(%arg5 : memref<!tpu.dma_semaphore, #tpu.memory_space<semaphore_mem>>)
    %add3A_543 = arith.constant 256 : i32
    %add3A_544 = arith.addi %mul3A_534, %add3A_543 : i32
    %dma_start3A_545 = arith.constant 384 : i32
    %dma_start3A_546 = tpu.memref_slice %arg3[%add3A_544, %dma_start3A_545] : memref<32768x768xf32, #tpu.memory_space<hbm>> -> memref<128x384xf32, #tpu.memory_space<hbm>>
    tpu.enqueue_dma source(%arg4 : memref<128x384xf32, #tpu.memory_space<vmem_shared>>) target(%dma_start3A_546 : memref<128x384xf32, #tpu.memory_space<hbm>>) target_semaphore(%arg5 : memref<!tpu.dma_semaphore, #tpu.memory_space<semaphore_mem>>)
    %add3A_547 = arith.constant 384 : i32
    %add3A_548 = arith.addi %mul3A_534, %add3A_547 : i32
    %dma_start3A_549 = arith.constant 384 : i32
    %dma_start3A_550 = tpu.memref_slice %arg3[%add3A_548, %dma_start3A_549] : memref<32768x768xf32, #tpu.memory_space<hbm>> -> memref<128x384xf32, #tpu.memory_space<hbm>>
    tpu.enqueue_dma source(%arg4 : memref<128x384xf32, #tpu.memory_space<vmem_shared>>) target(%dma_start3A_550 : memref<128x384xf32, #tpu.memory_space<hbm>>) target_semaphore(%arg5 : memref<!tpu.dma_semaphore, #tpu.memory_space<semaphore_mem>>)
    %add3A_551 = arith.constant 512 : i32
    %add3A_552 = arith.addi %mul3A_534, %add3A_551 : i32
    %dma_start3A_553 = arith.constant 384 : i32
    %dma_start3A_554 = tpu.memref_slice %arg3[%add3A_552, %dma_start3A_553] : memref<32768x768xf32, #tpu.memory_space<hbm>> -> memref<128x384xf32, #tpu.memory_space<hbm>>
    tpu.enqueue_dma source(%arg4 : memref<128x384xf32, #tpu.memory_space<vmem_shared>>) target(%dma_start3A_554 : memref<128x384xf32, #tpu.memory_space<hbm>>) target_semaphore(%arg5 : memref<!tpu.dma_semaphore, #tpu.memory_space<semaphore_mem>>)
    %add3A_555 = arith.constant 640 : i32
    %add3A_556 = arith.addi %mul3A_534, %add3A_555 : i32
    %dma_start3A_557 = arith.constant 384 : i32
    %dma_start3A_558 = tpu.memref_slice %arg3[%add3A_556, %dma_start3A_557] : memref<32768x768xf32, #tpu.memory_space<hbm>> -> memref<128x384xf32, #tpu.memory_space<hbm>>
    tpu.enqueue_dma source(%arg4 : memref<128x384xf32, #tpu.memory_space<vmem_shared>>) target(%dma_start3A_558 : memref<128x384xf32, #tpu.memory_space<hbm>>) target_semaphore(%arg5 : memref<!tpu.dma_semaphore, #tpu.memory_space<semaphore_mem>>)
    %add3A_559 = arith.constant 768 : i32
    %add3A_560 = arith.addi %mul3A_534, %add3A_559 : i32
    %dma_start3A_561 = arith.constant 384 : i32
    %dma_start3A_562 = tpu.memref_slice %arg3[%add3A_560, %dma_start3A_561] : memref<32768x768xf32, #tpu.memory_space<hbm>> -> memref<128x384xf32, #tpu.memory_space<hbm>>
    tpu.enqueue_dma source(%arg4 : memref<128x384xf32, #tpu.memory_space<vmem_shared>>) target(%dma_start3A_562 : memref<128x384xf32, #tpu.memory_space<hbm>>) target_semaphore(%arg5 : memref<!tpu.dma_semaphore, #tpu.memory_space<semaphore_mem>>)
    %add3A_563 = arith.constant 896 : i32
    %add3A_564 = arith.addi %mul3A_534, %add3A_563 : i32
    %dma_start3A_565 = arith.constant 384 : i32
    %dma_start3A_566 = tpu.memref_slice %arg3[%add3A_564, %dma_start3A_565] : memref<32768x768xf32, #tpu.memory_space<hbm>> -> memref<128x384xf32, #tpu.memory_space<hbm>>
    tpu.enqueue_dma source(%arg4 : memref<128x384xf32, #tpu.memory_space<vmem_shared>>) target(%dma_start3A_566 : memref<128x384xf32, #tpu.memory_space<hbm>>) target_semaphore(%arg5 : memref<!tpu.dma_semaphore, #tpu.memory_space<semaphore_mem>>)
    %mul3A_567 = arith.constant 16 : i32
    %mul3A_568 = arith.muli %arg0, %mul3A_567 : i32
    %add3A_569 = arith.constant 15 : i32
    %add3A_570 = arith.addi %mul3A_568, %add3A_569 : i32
    %mul3A_571 = arith.constant 1024 : i32
    %mul3A_572 = arith.muli %add3A_570, %mul3A_571 : i32
    %add3A_573 = arith.constant 0 : i32
    %add3A_574 = arith.addi %mul3A_572, %add3A_573 : i32
    %dma_start3A_575 = arith.constant 384 : i32
    %dma_start3A_576 = tpu.memref_slice %arg3[%add3A_574, %dma_start3A_575] : memref<32768x768xf32, #tpu.memory_space<hbm>> -> memref<128x384xf32, #tpu.memory_space<hbm>>
    tpu.enqueue_dma source(%arg4 : memref<128x384xf32, #tpu.memory_space<vmem_shared>>) target(%dma_start3A_576 : memref<128x384xf32, #tpu.memory_space<hbm>>) target_semaphore(%arg5 : memref<!tpu.dma_semaphore, #tpu.memory_space<semaphore_mem>>)
    %add3A_577 = arith.constant 128 : i32
    %add3A_578 = arith.addi %mul3A_572, %add3A_577 : i32
    %dma_start3A_579 = arith.constant 384 : i32
    %dma_start3A_580 = tpu.memref_slice %arg3[%add3A_578, %dma_start3A_579] : memref<32768x768xf32, #tpu.memory_space<hbm>> -> memref<128x384xf32, #tpu.memory_space<hbm>>
    tpu.enqueue_dma source(%arg4 : memref<128x384xf32, #tpu.memory_space<vmem_shared>>) target(%dma_start3A_580 : memref<128x384xf32, #tpu.memory_space<hbm>>) target_semaphore(%arg5 : memref<!tpu.dma_semaphore, #tpu.memory_space<semaphore_mem>>)
    %add3A_581 = arith.constant 256 : i32
    %add3A_582 = arith.addi %mul3A_572, %add3A_581 : i32
    %dma_start3A_583 = arith.constant 384 : i32
    %dma_start3A_584 = tpu.memref_slice %arg3[%add3A_582, %dma_start3A_583] : memref<32768x768xf32, #tpu.memory_space<hbm>> -> memref<128x384xf32, #tpu.memory_space<hbm>>
    tpu.enqueue_dma source(%arg4 : memref<128x384xf32, #tpu.memory_space<vmem_shared>>) target(%dma_start3A_584 : memref<128x384xf32, #tpu.memory_space<hbm>>) target_semaphore(%arg5 : memref<!tpu.dma_semaphore, #tpu.memory_space<semaphore_mem>>)
    %add3A_585 = arith.constant 384 : i32
    %add3A_586 = arith.addi %mul3A_572, %add3A_585 : i32
    %dma_start3A_587 = arith.constant 384 : i32
    %dma_start3A_588 = tpu.memref_slice %arg3[%add3A_586, %dma_start3A_587] : memref<32768x768xf32, #tpu.memory_space<hbm>> -> memref<128x384xf32, #tpu.memory_space<hbm>>
    tpu.enqueue_dma source(%arg4 : memref<128x384xf32, #tpu.memory_space<vmem_shared>>) target(%dma_start3A_588 : memref<128x384xf32, #tpu.memory_space<hbm>>) target_semaphore(%arg5 : memref<!tpu.dma_semaphore, #tpu.memory_space<semaphore_mem>>)
    %add3A_589 = arith.constant 512 : i32
    %add3A_590 = arith.addi %mul3A_572, %add3A_589 : i32
    %dma_start3A_591 = arith.constant 384 : i32
    %dma_start3A_592 = tpu.memref_slice %arg3[%add3A_590, %dma_start3A_591] : memref<32768x768xf32, #tpu.memory_space<hbm>> -> memref<128x384xf32, #tpu.memory_space<hbm>>
    tpu.enqueue_dma source(%arg4 : memref<128x384xf32, #tpu.memory_space<vmem_shared>>) target(%dma_start3A_592 : memref<128x384xf32, #tpu.memory_space<hbm>>) target_semaphore(%arg5 : memref<!tpu.dma_semaphore, #tpu.memory_space<semaphore_mem>>)
    %add3A_593 = arith.constant 640 : i32
    %add3A_594 = arith.addi %mul3A_572, %add3A_593 : i32
    %dma_start3A_595 = arith.constant 384 : i32
    %dma_start3A_596 = tpu.memref_slice %arg3[%add3A_594, %dma_start3A_595] : memref<32768x768xf32, #tpu.memory_space<hbm>> -> memref<128x384xf32, #tpu.memory_space<hbm>>
    tpu.enqueue_dma source(%arg4 : memref<128x384xf32, #tpu.memory_space<vmem_shared>>) target(%dma_start3A_596 : memref<128x384xf32, #tpu.memory_space<hbm>>) target_semaphore(%arg5 : memref<!tpu.dma_semaphore, #tpu.memory_space<semaphore_mem>>)
    %add3A_597 = arith.constant 768 : i32
    %add3A_598 = arith.addi %mul3A_572, %add3A_597 : i32
    %dma_start3A_599 = arith.constant 384 : i32
    %dma_start3A_600 = tpu.memref_slice %arg3[%add3A_598, %dma_start3A_599] : memref<32768x768xf32, #tpu.memory_space<hbm>> -> memref<128x384xf32, #tpu.memory_space<hbm>>
    tpu.enqueue_dma source(%arg4 : memref<128x384xf32, #tpu.memory_space<vmem_shared>>) target(%dma_start3A_600 : memref<128x384xf32, #tpu.memory_space<hbm>>) target_semaphore(%arg5 : memref<!tpu.dma_semaphore, #tpu.memory_space<semaphore_mem>>)
    %add3A_601 = arith.constant 896 : i32
    %add3A_602 = arith.addi %mul3A_572, %add3A_601 : i32
    %dma_start3A_603 = arith.constant 384 : i32
    %dma_start3A_604 = tpu.memref_slice %arg3[%add3A_602, %dma_start3A_603] : memref<32768x768xf32, #tpu.memory_space<hbm>> -> memref<128x384xf32, #tpu.memory_space<hbm>>
    tpu.enqueue_dma source(%arg4 : memref<128x384xf32, #tpu.memory_space<vmem_shared>>) target(%dma_start3A_604 : memref<128x384xf32, #tpu.memory_space<hbm>>) target_semaphore(%arg5 : memref<!tpu.dma_semaphore, #tpu.memory_space<semaphore_mem>>)
    %dma_wait3A = arith.constant 384 : i32
    %dma_wait3A_605 = tpu.memref_slice %arg3[%add3A_5, %dma_wait3A] : memref<32768x768xf32, #tpu.memory_space<hbm>> -> memref<128x384xf32, #tpu.memory_space<hbm>>
    tpu.wait_dma2 semaphore(%arg5 : memref<!tpu.dma_semaphore, #tpu.memory_space<semaphore_mem>>) src(%arg4 : memref<128x384xf32, #tpu.memory_space<vmem_shared>>) dst(%dma_wait3A_605 : memref<128x384xf32, #tpu.memory_space<hbm>>)
    %dma_wait3A_606 = arith.constant 384 : i32
    %dma_wait3A_607 = tpu.memref_slice %arg3[%add3A_8, %dma_wait3A_606] : memref<32768x768xf32, #tpu.memory_space<hbm>> -> memref<128x384xf32, #tpu.memory_space<hbm>>
    tpu.wait_dma2 semaphore(%arg5 : memref<!tpu.dma_semaphore, #tpu.memory_space<semaphore_mem>>) src(%arg4 : memref<128x384xf32, #tpu.memory_space<vmem_shared>>) dst(%dma_wait3A_607 : memref<128x384xf32, #tpu.memory_space<hbm>>)
    %dma_wait3A_608 = arith.constant 384 : i32
    %dma_wait3A_609 = tpu.memref_slice %arg3[%add3A_12, %dma_wait3A_608] : memref<32768x768xf32, #tpu.memory_space<hbm>> -> memref<128x384xf32, #tpu.memory_space<hbm>>
    tpu.wait_dma2 semaphore(%arg5 : memref<!tpu.dma_semaphore, #tpu.memory_space<semaphore_mem>>) src(%arg4 : memref<128x384xf32, #tpu.memory_space<vmem_shared>>) dst(%dma_wait3A_609 : memref<128x384xf32, #tpu.memory_space<hbm>>)
    %dma_wait3A_610 = arith.constant 384 : i32
    %dma_wait3A_611 = tpu.memref_slice %arg3[%add3A_16, %dma_wait3A_610] : memref<32768x768xf32, #tpu.memory_space<hbm>> -> memref<128x384xf32, #tpu.memory_space<hbm>>
    tpu.wait_dma2 semaphore(%arg5 : memref<!tpu.dma_semaphore, #tpu.memory_space<semaphore_mem>>) src(%arg4 : memref<128x384xf32, #tpu.memory_space<vmem_shared>>) dst(%dma_wait3A_611 : memref<128x384xf32, #tpu.memory_space<hbm>>)
    %dma_wait3A_612 = arith.constant 384 : i32
    %dma_wait3A_613 = tpu.memref_slice %arg3[%add3A_20, %dma_wait3A_612] : memref<32768x768xf32, #tpu.memory_space<hbm>> -> memref<128x384xf32, #tpu.memory_space<hbm>>
    tpu.wait_dma2 semaphore(%arg5 : memref<!tpu.dma_semaphore, #tpu.memory_space<semaphore_mem>>) src(%arg4 : memref<128x384xf32, #tpu.memory_space<vmem_shared>>) dst(%dma_wait3A_613 : memref<128x384xf32, #tpu.memory_space<hbm>>)
    %dma_wait3A_614 = arith.constant 384 : i32
    %dma_wait3A_615 = tpu.memref_slice %arg3[%add3A_24, %dma_wait3A_614] : memref<32768x768xf32, #tpu.memory_space<hbm>> -> memref<128x384xf32, #tpu.memory_space<hbm>>
    tpu.wait_dma2 semaphore(%arg5 : memref<!tpu.dma_semaphore, #tpu.memory_space<semaphore_mem>>) src(%arg4 : memref<128x384xf32, #tpu.memory_space<vmem_shared>>) dst(%dma_wait3A_615 : memref<128x384xf32, #tpu.memory_space<hbm>>)
    %dma_wait3A_616 = arith.constant 384 : i32
    %dma_wait3A_617 = tpu.memref_slice %arg3[%add3A_28, %dma_wait3A_616] : memref<32768x768xf32, #tpu.memory_space<hbm>> -> memref<128x384xf32, #tpu.memory_space<hbm>>
    tpu.wait_dma2 semaphore(%arg5 : memref<!tpu.dma_semaphore, #tpu.memory_space<semaphore_mem>>) src(%arg4 : memref<128x384xf32, #tpu.memory_space<vmem_shared>>) dst(%dma_wait3A_617 : memref<128x384xf32, #tpu.memory_space<hbm>>)
    %dma_wait3A_618 = arith.constant 384 : i32
    %dma_wait3A_619 = tpu.memref_slice %arg3[%add3A_32, %dma_wait3A_618] : memref<32768x768xf32, #tpu.memory_space<hbm>> -> memref<128x384xf32, #tpu.memory_space<hbm>>
    tpu.wait_dma2 semaphore(%arg5 : memref<!tpu.dma_semaphore, #tpu.memory_space<semaphore_mem>>) src(%arg4 : memref<128x384xf32, #tpu.memory_space<vmem_shared>>) dst(%dma_wait3A_619 : memref<128x384xf32, #tpu.memory_space<hbm>>)
    %dma_wait3A_620 = arith.constant 384 : i32
    %dma_wait3A_621 = tpu.memref_slice %arg3[%add3A_42, %dma_wait3A_620] : memref<32768x768xf32, #tpu.memory_space<hbm>> -> memref<128x384xf32, #tpu.memory_space<hbm>>
    tpu.wait_dma2 semaphore(%arg5 : memref<!tpu.dma_semaphore, #tpu.memory_space<semaphore_mem>>) src(%arg4 : memref<128x384xf32, #tpu.memory_space<vmem_shared>>) dst(%dma_wait3A_621 : memref<128x384xf32, #tpu.memory_space<hbm>>)
    %dma_wait3A_622 = arith.constant 384 : i32
    %dma_wait3A_623 = tpu.memref_slice %arg3[%add3A_46, %dma_wait3A_622] : memref<32768x768xf32, #tpu.memory_space<hbm>> -> memref<128x384xf32, #tpu.memory_space<hbm>>
    tpu.wait_dma2 semaphore(%arg5 : memref<!tpu.dma_semaphore, #tpu.memory_space<semaphore_mem>>) src(%arg4 : memref<128x384xf32, #tpu.memory_space<vmem_shared>>) dst(%dma_wait3A_623 : memref<128x384xf32, #tpu.memory_space<hbm>>)
    %dma_wait3A_624 = arith.constant 384 : i32
    %dma_wait3A_625 = tpu.memref_slice %arg3[%add3A_50, %dma_wait3A_624] : memref<32768x768xf32, #tpu.memory_space<hbm>> -> memref<128x384xf32, #tpu.memory_space<hbm>>
    tpu.wait_dma2 semaphore(%arg5 : memref<!tpu.dma_semaphore, #tpu.memory_space<semaphore_mem>>) src(%arg4 : memref<128x384xf32, #tpu.memory_space<vmem_shared>>) dst(%dma_wait3A_625 : memref<128x384xf32, #tpu.memory_space<hbm>>)
    %dma_wait3A_626 = arith.constant 384 : i32
    %dma_wait3A_627 = tpu.memref_slice %arg3[%add3A_54, %dma_wait3A_626] : memref<32768x768xf32, #tpu.memory_space<hbm>> -> memref<128x384xf32, #tpu.memory_space<hbm>>
    tpu.wait_dma2 semaphore(%arg5 : memref<!tpu.dma_semaphore, #tpu.memory_space<semaphore_mem>>) src(%arg4 : memref<128x384xf32, #tpu.memory_space<vmem_shared>>) dst(%dma_wait3A_627 : memref<128x384xf32, #tpu.memory_space<hbm>>)
    %dma_wait3A_628 = arith.constant 384 : i32
    %dma_wait3A_629 = tpu.memref_slice %arg3[%add3A_58, %dma_wait3A_628] : memref<32768x768xf32, #tpu.memory_space<hbm>> -> memref<128x384xf32, #tpu.memory_space<hbm>>
    tpu.wait_dma2 semaphore(%arg5 : memref<!tpu.dma_semaphore, #tpu.memory_space<semaphore_mem>>) src(%arg4 : memref<128x384xf32, #tpu.memory_space<vmem_shared>>) dst(%dma_wait3A_629 : memref<128x384xf32, #tpu.memory_space<hbm>>)
    %dma_wait3A_630 = arith.constant 384 : i32
    %dma_wait3A_631 = tpu.memref_slice %arg3[%add3A_62, %dma_wait3A_630] : memref<32768x768xf32, #tpu.memory_space<hbm>> -> memref<128x384xf32, #tpu.memory_space<hbm>>
    tpu.wait_dma2 semaphore(%arg5 : memref<!tpu.dma_semaphore, #tpu.memory_space<semaphore_mem>>) src(%arg4 : memref<128x384xf32, #tpu.memory_space<vmem_shared>>) dst(%dma_wait3A_631 : memref<128x384xf32, #tpu.memory_space<hbm>>)
    %dma_wait3A_632 = arith.constant 384 : i32
    %dma_wait3A_633 = tpu.memref_slice %arg3[%add3A_66, %dma_wait3A_632] : memref<32768x768xf32, #tpu.memory_space<hbm>> -> memref<128x384xf32, #tpu.memory_space<hbm>>
    tpu.wait_dma2 semaphore(%arg5 : memref<!tpu.dma_semaphore, #tpu.memory_space<semaphore_mem>>) src(%arg4 : memref<128x384xf32, #tpu.memory_space<vmem_shared>>) dst(%dma_wait3A_633 : memref<128x384xf32, #tpu.memory_space<hbm>>)
    %dma_wait3A_634 = arith.constant 384 : i32
    %dma_wait3A_635 = tpu.memref_slice %arg3[%add3A_70, %dma_wait3A_634] : memref<32768x768xf32, #tpu.memory_space<hbm>> -> memref<128x384xf32, #tpu.memory_space<hbm>>
    tpu.wait_dma2 semaphore(%arg5 : memref<!tpu.dma_semaphore, #tpu.memory_space<semaphore_mem>>) src(%arg4 : memref<128x384xf32, #tpu.memory_space<vmem_shared>>) dst(%dma_wait3A_635 : memref<128x384xf32, #tpu.memory_space<hbm>>)
    %dma_wait3A_636 = arith.constant 384 : i32
    %dma_wait3A_637 = tpu.memref_slice %arg3[%add3A_80, %dma_wait3A_636] : memref<32768x768xf32, #tpu.memory_space<hbm>> -> memref<128x384xf32, #tpu.memory_space<hbm>>
    tpu.wait_dma2 semaphore(%arg5 : memref<!tpu.dma_semaphore, #tpu.memory_space<semaphore_mem>>) src(%arg4 : memref<128x384xf32, #tpu.memory_space<vmem_shared>>) dst(%dma_wait3A_637 : memref<128x384xf32, #tpu.memory_space<hbm>>)
    %dma_wait3A_638 = arith.constant 384 : i32
    %dma_wait3A_639 = tpu.memref_slice %arg3[%add3A_84, %dma_wait3A_638] : memref<32768x768xf32, #tpu.memory_space<hbm>> -> memref<128x384xf32, #tpu.memory_space<hbm>>
    tpu.wait_dma2 semaphore(%arg5 : memref<!tpu.dma_semaphore, #tpu.memory_space<semaphore_mem>>) src(%arg4 : memref<128x384xf32, #tpu.memory_space<vmem_shared>>) dst(%dma_wait3A_639 : memref<128x384xf32, #tpu.memory_space<hbm>>)
    %dma_wait3A_640 = arith.constant 384 : i32
    %dma_wait3A_641 = tpu.memref_slice %arg3[%add3A_88, %dma_wait3A_640] : memref<32768x768xf32, #tpu.memory_space<hbm>> -> memref<128x384xf32, #tpu.memory_space<hbm>>
    tpu.wait_dma2 semaphore(%arg5 : memref<!tpu.dma_semaphore, #tpu.memory_space<semaphore_mem>>) src(%arg4 : memref<128x384xf32, #tpu.memory_space<vmem_shared>>) dst(%dma_wait3A_641 : memref<128x384xf32, #tpu.memory_space<hbm>>)
    %dma_wait3A_642 = arith.constant 384 : i32
    %dma_wait3A_643 = tpu.memref_slice %arg3[%add3A_92, %dma_wait3A_642] : memref<32768x768xf32, #tpu.memory_space<hbm>> -> memref<128x384xf32, #tpu.memory_space<hbm>>
    tpu.wait_dma2 semaphore(%arg5 : memref<!tpu.dma_semaphore, #tpu.memory_space<semaphore_mem>>) src(%arg4 : memref<128x384xf32, #tpu.memory_space<vmem_shared>>) dst(%dma_wait3A_643 : memref<128x384xf32, #tpu.memory_space<hbm>>)
    %dma_wait3A_644 = arith.constant 384 : i32
    %dma_wait3A_645 = tpu.memref_slice %arg3[%add3A_96, %dma_wait3A_644] : memref<32768x768xf32, #tpu.memory_space<hbm>> -> memref<128x384xf32, #tpu.memory_space<hbm>>
    tpu.wait_dma2 semaphore(%arg5 : memref<!tpu.dma_semaphore, #tpu.memory_space<semaphore_mem>>) src(%arg4 : memref<128x384xf32, #tpu.memory_space<vmem_shared>>) dst(%dma_wait3A_645 : memref<128x384xf32, #tpu.memory_space<hbm>>)
    %dma_wait3A_646 = arith.constant 384 : i32
    %dma_wait3A_647 = tpu.memref_slice %arg3[%add3A_100, %dma_wait3A_646] : memref<32768x768xf32, #tpu.memory_space<hbm>> -> memref<128x384xf32, #tpu.memory_space<hbm>>
    tpu.wait_dma2 semaphore(%arg5 : memref<!tpu.dma_semaphore, #tpu.memory_space<semaphore_mem>>) src(%arg4 : memref<128x384xf32, #tpu.memory_space<vmem_shared>>) dst(%dma_wait3A_647 : memref<128x384xf32, #tpu.memory_space<hbm>>)
    %dma_wait3A_648 = arith.constant 384 : i32
    %dma_wait3A_649 = tpu.memref_slice %arg3[%add3A_104, %dma_wait3A_648] : memref<32768x768xf32, #tpu.memory_space<hbm>> -> memref<128x384xf32, #tpu.memory_space<hbm>>
    tpu.wait_dma2 semaphore(%arg5 : memref<!tpu.dma_semaphore, #tpu.memory_space<semaphore_mem>>) src(%arg4 : memref<128x384xf32, #tpu.memory_space<vmem_shared>>) dst(%dma_wait3A_649 : memref<128x384xf32, #tpu.memory_space<hbm>>)
    %dma_wait3A_650 = arith.constant 384 : i32
    %dma_wait3A_651 = tpu.memref_slice %arg3[%add3A_108, %dma_wait3A_650] : memref<32768x768xf32, #tpu.memory_space<hbm>> -> memref<128x384xf32, #tpu.memory_space<hbm>>
    tpu.wait_dma2 semaphore(%arg5 : memref<!tpu.dma_semaphore, #tpu.memory_space<semaphore_mem>>) src(%arg4 : memref<128x384xf32, #tpu.memory_space<vmem_shared>>) dst(%dma_wait3A_651 : memref<128x384xf32, #tpu.memory_space<hbm>>)
    %dma_wait3A_652 = arith.constant 384 : i32
    %dma_wait3A_653 = tpu.memref_slice %arg3[%add3A_118, %dma_wait3A_652] : memref<32768x768xf32, #tpu.memory_space<hbm>> -> memref<128x384xf32, #tpu.memory_space<hbm>>
    tpu.wait_dma2 semaphore(%arg5 : memref<!tpu.dma_semaphore, #tpu.memory_space<semaphore_mem>>) src(%arg4 : memref<128x384xf32, #tpu.memory_space<vmem_shared>>) dst(%dma_wait3A_653 : memref<128x384xf32, #tpu.memory_space<hbm>>)
    %dma_wait3A_654 = arith.constant 384 : i32
    %dma_wait3A_655 = tpu.memref_slice %arg3[%add3A_122, %dma_wait3A_654] : memref<32768x768xf32, #tpu.memory_space<hbm>> -> memref<128x384xf32, #tpu.memory_space<hbm>>
    tpu.wait_dma2 semaphore(%arg5 : memref<!tpu.dma_semaphore, #tpu.memory_space<semaphore_mem>>) src(%arg4 : memref<128x384xf32, #tpu.memory_space<vmem_shared>>) dst(%dma_wait3A_655 : memref<128x384xf32, #tpu.memory_space<hbm>>)
    %dma_wait3A_656 = arith.constant 384 : i32
    %dma_wait3A_657 = tpu.memref_slice %arg3[%add3A_126, %dma_wait3A_656] : memref<32768x768xf32, #tpu.memory_space<hbm>> -> memref<128x384xf32, #tpu.memory_space<hbm>>
    tpu.wait_dma2 semaphore(%arg5 : memref<!tpu.dma_semaphore, #tpu.memory_space<semaphore_mem>>) src(%arg4 : memref<128x384xf32, #tpu.memory_space<vmem_shared>>) dst(%dma_wait3A_657 : memref<128x384xf32, #tpu.memory_space<hbm>>)
    %dma_wait3A_658 = arith.constant 384 : i32
    %dma_wait3A_659 = tpu.memref_slice %arg3[%add3A_130, %dma_wait3A_658] : memref<32768x768xf32, #tpu.memory_space<hbm>> -> memref<128x384xf32, #tpu.memory_space<hbm>>
    tpu.wait_dma2 semaphore(%arg5 : memref<!tpu.dma_semaphore, #tpu.memory_space<semaphore_mem>>) src(%arg4 : memref<128x384xf32, #tpu.memory_space<vmem_shared>>) dst(%dma_wait3A_659 : memref<128x384xf32, #tpu.memory_space<hbm>>)
    %dma_wait3A_660 = arith.constant 384 : i32
    %dma_wait3A_661 = tpu.memref_slice %arg3[%add3A_134, %dma_wait3A_660] : memref<32768x768xf32, #tpu.memory_space<hbm>> -> memref<128x384xf32, #tpu.memory_space<hbm>>
    tpu.wait_dma2 semaphore(%arg5 : memref<!tpu.dma_semaphore, #tpu.memory_space<semaphore_mem>>) src(%arg4 : memref<128x384xf32, #tpu.memory_space<vmem_shared>>) dst(%dma_wait3A_661 : memref<128x384xf32, #tpu.memory_space<hbm>>)
    %dma_wait3A_662 = arith.constant 384 : i32
    %dma_wait3A_663 = tpu.memref_slice %arg3[%add3A_138, %dma_wait3A_662] : memref<32768x768xf32, #tpu.memory_space<hbm>> -> memref<128x384xf32, #tpu.memory_space<hbm>>
    tpu.wait_dma2 semaphore(%arg5 : memref<!tpu.dma_semaphore, #tpu.memory_space<semaphore_mem>>) src(%arg4 : memref<128x384xf32, #tpu.memory_space<vmem_shared>>) dst(%dma_wait3A_663 : memref<128x384xf32, #tpu.memory_space<hbm>>)
    %dma_wait3A_664 = arith.constant 384 : i32
    %dma_wait3A_665 = tpu.memref_slice %arg3[%add3A_142, %dma_wait3A_664] : memref<32768x768xf32, #tpu.memory_space<hbm>> -> memref<128x384xf32, #tpu.memory_space<hbm>>
    tpu.wait_dma2 semaphore(%arg5 : memref<!tpu.dma_semaphore, #tpu.memory_space<semaphore_mem>>) src(%arg4 : memref<128x384xf32, #tpu.memory_space<vmem_shared>>) dst(%dma_wait3A_665 : memref<128x384xf32, #tpu.memory_space<hbm>>)
    %dma_wait3A_666 = arith.constant 384 : i32
    %dma_wait3A_667 = tpu.memref_slice %arg3[%add3A_146, %dma_wait3A_666] : memref<32768x768xf32, #tpu.memory_space<hbm>> -> memref<128x384xf32, #tpu.memory_space<hbm>>
    tpu.wait_dma2 semaphore(%arg5 : memref<!tpu.dma_semaphore, #tpu.memory_space<semaphore_mem>>) src(%arg4 : memref<128x384xf32, #tpu.memory_space<vmem_shared>>) dst(%dma_wait3A_667 : memref<128x384xf32, #tpu.memory_space<hbm>>)
    %dma_wait3A_668 = arith.constant 384 : i32
    %dma_wait3A_669 = tpu.memref_slice %arg3[%add3A_156, %dma_wait3A_668] : memref<32768x768xf32, #tpu.memory_space<hbm>> -> memref<128x384xf32, #tpu.memory_space<hbm>>
    tpu.wait_dma2 semaphore(%arg5 : memref<!tpu.dma_semaphore, #tpu.memory_space<semaphore_mem>>) src(%arg4 : memref<128x384xf32, #tpu.memory_space<vmem_shared>>) dst(%dma_wait3A_669 : memref<128x384xf32, #tpu.memory_space<hbm>>)
    %dma_wait3A_670 = arith.constant 384 : i32
    %dma_wait3A_671 = tpu.memref_slice %arg3[%add3A_160, %dma_wait3A_670] : memref<32768x768xf32, #tpu.memory_space<hbm>> -> memref<128x384xf32, #tpu.memory_space<hbm>>
    tpu.wait_dma2 semaphore(%arg5 : memref<!tpu.dma_semaphore, #tpu.memory_space<semaphore_mem>>) src(%arg4 : memref<128x384xf32, #tpu.memory_space<vmem_shared>>) dst(%dma_wait3A_671 : memref<128x384xf32, #tpu.memory_space<hbm>>)
    %dma_wait3A_672 = arith.constant 384 : i32
    %dma_wait3A_673 = tpu.memref_slice %arg3[%add3A_164, %dma_wait3A_672] : memref<32768x768xf32, #tpu.memory_space<hbm>> -> memref<128x384xf32, #tpu.memory_space<hbm>>
    tpu.wait_dma2 semaphore(%arg5 : memref<!tpu.dma_semaphore, #tpu.memory_space<semaphore_mem>>) src(%arg4 : memref<128x384xf32, #tpu.memory_space<vmem_shared>>) dst(%dma_wait3A_673 : memref<128x384xf32, #tpu.memory_space<hbm>>)
    %dma_wait3A_674 = arith.constant 384 : i32
    %dma_wait3A_675 = tpu.memref_slice %arg3[%add3A_168, %dma_wait3A_674] : memref<32768x768xf32, #tpu.memory_space<hbm>> -> memref<128x384xf32, #tpu.memory_space<hbm>>
    tpu.wait_dma2 semaphore(%arg5 : memref<!tpu.dma_semaphore, #tpu.memory_space<semaphore_mem>>) src(%arg4 : memref<128x384xf32, #tpu.memory_space<vmem_shared>>) dst(%dma_wait3A_675 : memref<128x384xf32, #tpu.memory_space<hbm>>)
    %dma_wait3A_676 = arith.constant 384 : i32
    %dma_wait3A_677 = tpu.memref_slice %arg3[%add3A_172, %dma_wait3A_676] : memref<32768x768xf32, #tpu.memory_space<hbm>> -> memref<128x384xf32, #tpu.memory_space<hbm>>
    tpu.wait_dma2 semaphore(%arg5 : memref<!tpu.dma_semaphore, #tpu.memory_space<semaphore_mem>>) src(%arg4 : memref<128x384xf32, #tpu.memory_space<vmem_shared>>) dst(%dma_wait3A_677 : memref<128x384xf32, #tpu.memory_space<hbm>>)
    %dma_wait3A_678 = arith.constant 384 : i32
    %dma_wait3A_679 = tpu.memref_slice %arg3[%add3A_176, %dma_wait3A_678] : memref<32768x768xf32, #tpu.memory_space<hbm>> -> memref<128x384xf32, #tpu.memory_space<hbm>>
    tpu.wait_dma2 semaphore(%arg5 : memref<!tpu.dma_semaphore, #tpu.memory_space<semaphore_mem>>) src(%arg4 : memref<128x384xf32, #tpu.memory_space<vmem_shared>>) dst(%dma_wait3A_679 : memref<128x384xf32, #tpu.memory_space<hbm>>)
    %dma_wait3A_680 = arith.constant 384 : i32
    %dma_wait3A_681 = tpu.memref_slice %arg3[%add3A_180, %dma_wait3A_680] : memref<32768x768xf32, #tpu.memory_space<hbm>> -> memref<128x384xf32, #tpu.memory_space<hbm>>
    tpu.wait_dma2 semaphore(%arg5 : memref<!tpu.dma_semaphore, #tpu.memory_space<semaphore_mem>>) src(%arg4 : memref<128x384xf32, #tpu.memory_space<vmem_shared>>) dst(%dma_wait3A_681 : memref<128x384xf32, #tpu.memory_space<hbm>>)
    %dma_wait3A_682 = arith.constant 384 : i32
    %dma_wait3A_683 = tpu.memref_slice %arg3[%add3A_184, %dma_wait3A_682] : memref<32768x768xf32, #tpu.memory_space<hbm>> -> memref<128x384xf32, #tpu.memory_space<hbm>>
    tpu.wait_dma2 semaphore(%arg5 : memref<!tpu.dma_semaphore, #tpu.memory_space<semaphore_mem>>) src(%arg4 : memref<128x384xf32, #tpu.memory_space<vmem_shared>>) dst(%dma_wait3A_683 : memref<128x384xf32, #tpu.memory_space<hbm>>)
    %dma_wait3A_684 = arith.constant 384 : i32
    %dma_wait3A_685 = tpu.memref_slice %arg3[%add3A_194, %dma_wait3A_684] : memref<32768x768xf32, #tpu.memory_space<hbm>> -> memref<128x384xf32, #tpu.memory_space<hbm>>
    tpu.wait_dma2 semaphore(%arg5 : memref<!tpu.dma_semaphore, #tpu.memory_space<semaphore_mem>>) src(%arg4 : memref<128x384xf32, #tpu.memory_space<vmem_shared>>) dst(%dma_wait3A_685 : memref<128x384xf32, #tpu.memory_space<hbm>>)
    %dma_wait3A_686 = arith.constant 384 : i32
    %dma_wait3A_687 = tpu.memref_slice %arg3[%add3A_198, %dma_wait3A_686] : memref<32768x768xf32, #tpu.memory_space<hbm>> -> memref<128x384xf32, #tpu.memory_space<hbm>>
    tpu.wait_dma2 semaphore(%arg5 : memref<!tpu.dma_semaphore, #tpu.memory_space<semaphore_mem>>) src(%arg4 : memref<128x384xf32, #tpu.memory_space<vmem_shared>>) dst(%dma_wait3A_687 : memref<128x384xf32, #tpu.memory_space<hbm>>)
    %dma_wait3A_688 = arith.constant 384 : i32
    %dma_wait3A_689 = tpu.memref_slice %arg3[%add3A_202, %dma_wait3A_688] : memref<32768x768xf32, #tpu.memory_space<hbm>> -> memref<128x384xf32, #tpu.memory_space<hbm>>
    tpu.wait_dma2 semaphore(%arg5 : memref<!tpu.dma_semaphore, #tpu.memory_space<semaphore_mem>>) src(%arg4 : memref<128x384xf32, #tpu.memory_space<vmem_shared>>) dst(%dma_wait3A_689 : memref<128x384xf32, #tpu.memory_space<hbm>>)
    %dma_wait3A_690 = arith.constant 384 : i32
    %dma_wait3A_691 = tpu.memref_slice %arg3[%add3A_206, %dma_wait3A_690] : memref<32768x768xf32, #tpu.memory_space<hbm>> -> memref<128x384xf32, #tpu.memory_space<hbm>>
    tpu.wait_dma2 semaphore(%arg5 : memref<!tpu.dma_semaphore, #tpu.memory_space<semaphore_mem>>) src(%arg4 : memref<128x384xf32, #tpu.memory_space<vmem_shared>>) dst(%dma_wait3A_691 : memref<128x384xf32, #tpu.memory_space<hbm>>)
    %dma_wait3A_692 = arith.constant 384 : i32
    %dma_wait3A_693 = tpu.memref_slice %arg3[%add3A_210, %dma_wait3A_692] : memref<32768x768xf32, #tpu.memory_space<hbm>> -> memref<128x384xf32, #tpu.memory_space<hbm>>
    tpu.wait_dma2 semaphore(%arg5 : memref<!tpu.dma_semaphore, #tpu.memory_space<semaphore_mem>>) src(%arg4 : memref<128x384xf32, #tpu.memory_space<vmem_shared>>) dst(%dma_wait3A_693 : memref<128x384xf32, #tpu.memory_space<hbm>>)
    %dma_wait3A_694 = arith.constant 384 : i32
    %dma_wait3A_695 = tpu.memref_slice %arg3[%add3A_214, %dma_wait3A_694] : memref<32768x768xf32, #tpu.memory_space<hbm>> -> memref<128x384xf32, #tpu.memory_space<hbm>>
    tpu.wait_dma2 semaphore(%arg5 : memref<!tpu.dma_semaphore, #tpu.memory_space<semaphore_mem>>) src(%arg4 : memref<128x384xf32, #tpu.memory_space<vmem_shared>>) dst(%dma_wait3A_695 : memref<128x384xf32, #tpu.memory_space<hbm>>)
    %dma_wait3A_696 = arith.constant 384 : i32
    %dma_wait3A_697 = tpu.memref_slice %arg3[%add3A_218, %dma_wait3A_696] : memref<32768x768xf32, #tpu.memory_space<hbm>> -> memref<128x384xf32, #tpu.memory_space<hbm>>
    tpu.wait_dma2 semaphore(%arg5 : memref<!tpu.dma_semaphore, #tpu.memory_space<semaphore_mem>>) src(%arg4 : memref<128x384xf32, #tpu.memory_space<vmem_shared>>) dst(%dma_wait3A_697 : memref<128x384xf32, #tpu.memory_space<hbm>>)
    %dma_wait3A_698 = arith.constant 384 : i32
    %dma_wait3A_699 = tpu.memref_slice %arg3[%add3A_222, %dma_wait3A_698] : memref<32768x768xf32, #tpu.memory_space<hbm>> -> memref<128x384xf32, #tpu.memory_space<hbm>>
    tpu.wait_dma2 semaphore(%arg5 : memref<!tpu.dma_semaphore, #tpu.memory_space<semaphore_mem>>) src(%arg4 : memref<128x384xf32, #tpu.memory_space<vmem_shared>>) dst(%dma_wait3A_699 : memref<128x384xf32, #tpu.memory_space<hbm>>)
    %dma_wait3A_700 = arith.constant 384 : i32
    %dma_wait3A_701 = tpu.memref_slice %arg3[%add3A_232, %dma_wait3A_700] : memref<32768x768xf32, #tpu.memory_space<hbm>> -> memref<128x384xf32, #tpu.memory_space<hbm>>
    tpu.wait_dma2 semaphore(%arg5 : memref<!tpu.dma_semaphore, #tpu.memory_space<semaphore_mem>>) src(%arg4 : memref<128x384xf32, #tpu.memory_space<vmem_shared>>) dst(%dma_wait3A_701 : memref<128x384xf32, #tpu.memory_space<hbm>>)
    %dma_wait3A_702 = arith.constant 384 : i32
    %dma_wait3A_703 = tpu.memref_slice %arg3[%add3A_236, %dma_wait3A_702] : memref<32768x768xf32, #tpu.memory_space<hbm>> -> memref<128x384xf32, #tpu.memory_space<hbm>>
    tpu.wait_dma2 semaphore(%arg5 : memref<!tpu.dma_semaphore, #tpu.memory_space<semaphore_mem>>) src(%arg4 : memref<128x384xf32, #tpu.memory_space<vmem_shared>>) dst(%dma_wait3A_703 : memref<128x384xf32, #tpu.memory_space<hbm>>)
    %dma_wait3A_704 = arith.constant 384 : i32
    %dma_wait3A_705 = tpu.memref_slice %arg3[%add3A_240, %dma_wait3A_704] : memref<32768x768xf32, #tpu.memory_space<hbm>> -> memref<128x384xf32, #tpu.memory_space<hbm>>
    tpu.wait_dma2 semaphore(%arg5 : memref<!tpu.dma_semaphore, #tpu.memory_space<semaphore_mem>>) src(%arg4 : memref<128x384xf32, #tpu.memory_space<vmem_shared>>) dst(%dma_wait3A_705 : memref<128x384xf32, #tpu.memory_space<hbm>>)
    %dma_wait3A_706 = arith.constant 384 : i32
    %dma_wait3A_707 = tpu.memref_slice %arg3[%add3A_244, %dma_wait3A_706] : memref<32768x768xf32, #tpu.memory_space<hbm>> -> memref<128x384xf32, #tpu.memory_space<hbm>>
    tpu.wait_dma2 semaphore(%arg5 : memref<!tpu.dma_semaphore, #tpu.memory_space<semaphore_mem>>) src(%arg4 : memref<128x384xf32, #tpu.memory_space<vmem_shared>>) dst(%dma_wait3A_707 : memref<128x384xf32, #tpu.memory_space<hbm>>)
    %dma_wait3A_708 = arith.constant 384 : i32
    %dma_wait3A_709 = tpu.memref_slice %arg3[%add3A_248, %dma_wait3A_708] : memref<32768x768xf32, #tpu.memory_space<hbm>> -> memref<128x384xf32, #tpu.memory_space<hbm>>
    tpu.wait_dma2 semaphore(%arg5 : memref<!tpu.dma_semaphore, #tpu.memory_space<semaphore_mem>>) src(%arg4 : memref<128x384xf32, #tpu.memory_space<vmem_shared>>) dst(%dma_wait3A_709 : memref<128x384xf32, #tpu.memory_space<hbm>>)
    %dma_wait3A_710 = arith.constant 384 : i32
    %dma_wait3A_711 = tpu.memref_slice %arg3[%add3A_252, %dma_wait3A_710] : memref<32768x768xf32, #tpu.memory_space<hbm>> -> memref<128x384xf32, #tpu.memory_space<hbm>>
    tpu.wait_dma2 semaphore(%arg5 : memref<!tpu.dma_semaphore, #tpu.memory_space<semaphore_mem>>) src(%arg4 : memref<128x384xf32, #tpu.memory_space<vmem_shared>>) dst(%dma_wait3A_711 : memref<128x384xf32, #tpu.memory_space<hbm>>)
    %dma_wait3A_712 = arith.constant 384 : i32
    %dma_wait3A_713 = tpu.memref_slice %arg3[%add3A_256, %dma_wait3A_712] : memref<32768x768xf32, #tpu.memory_space<hbm>> -> memref<128x384xf32, #tpu.memory_space<hbm>>
    tpu.wait_dma2 semaphore(%arg5 : memref<!tpu.dma_semaphore, #tpu.memory_space<semaphore_mem>>) src(%arg4 : memref<128x384xf32, #tpu.memory_space<vmem_shared>>) dst(%dma_wait3A_713 : memref<128x384xf32, #tpu.memory_space<hbm>>)
    %dma_wait3A_714 = arith.constant 384 : i32
    %dma_wait3A_715 = tpu.memref_slice %arg3[%add3A_260, %dma_wait3A_714] : memref<32768x768xf32, #tpu.memory_space<hbm>> -> memref<128x384xf32, #tpu.memory_space<hbm>>
    tpu.wait_dma2 semaphore(%arg5 : memref<!tpu.dma_semaphore, #tpu.memory_space<semaphore_mem>>) src(%arg4 : memref<128x384xf32, #tpu.memory_space<vmem_shared>>) dst(%dma_wait3A_715 : memref<128x384xf32, #tpu.memory_space<hbm>>)
    %dma_wait3A_716 = arith.constant 384 : i32
    %dma_wait3A_717 = tpu.memref_slice %arg3[%add3A_270, %dma_wait3A_716] : memref<32768x768xf32, #tpu.memory_space<hbm>> -> memref<128x384xf32, #tpu.memory_space<hbm>>
    tpu.wait_dma2 semaphore(%arg5 : memref<!tpu.dma_semaphore, #tpu.memory_space<semaphore_mem>>) src(%arg4 : memref<128x384xf32, #tpu.memory_space<vmem_shared>>) dst(%dma_wait3A_717 : memref<128x384xf32, #tpu.memory_space<hbm>>)
    %dma_wait3A_718 = arith.constant 384 : i32
    %dma_wait3A_719 = tpu.memref_slice %arg3[%add3A_274, %dma_wait3A_718] : memref<32768x768xf32, #tpu.memory_space<hbm>> -> memref<128x384xf32, #tpu.memory_space<hbm>>
    tpu.wait_dma2 semaphore(%arg5 : memref<!tpu.dma_semaphore, #tpu.memory_space<semaphore_mem>>) src(%arg4 : memref<128x384xf32, #tpu.memory_space<vmem_shared>>) dst(%dma_wait3A_719 : memref<128x384xf32, #tpu.memory_space<hbm>>)
    %dma_wait3A_720 = arith.constant 384 : i32
    %dma_wait3A_721 = tpu.memref_slice %arg3[%add3A_278, %dma_wait3A_720] : memref<32768x768xf32, #tpu.memory_space<hbm>> -> memref<128x384xf32, #tpu.memory_space<hbm>>
    tpu.wait_dma2 semaphore(%arg5 : memref<!tpu.dma_semaphore, #tpu.memory_space<semaphore_mem>>) src(%arg4 : memref<128x384xf32, #tpu.memory_space<vmem_shared>>) dst(%dma_wait3A_721 : memref<128x384xf32, #tpu.memory_space<hbm>>)
    %dma_wait3A_722 = arith.constant 384 : i32
    %dma_wait3A_723 = tpu.memref_slice %arg3[%add3A_282, %dma_wait3A_722] : memref<32768x768xf32, #tpu.memory_space<hbm>> -> memref<128x384xf32, #tpu.memory_space<hbm>>
    tpu.wait_dma2 semaphore(%arg5 : memref<!tpu.dma_semaphore, #tpu.memory_space<semaphore_mem>>) src(%arg4 : memref<128x384xf32, #tpu.memory_space<vmem_shared>>) dst(%dma_wait3A_723 : memref<128x384xf32, #tpu.memory_space<hbm>>)
    %dma_wait3A_724 = arith.constant 384 : i32
    %dma_wait3A_725 = tpu.memref_slice %arg3[%add3A_286, %dma_wait3A_724] : memref<32768x768xf32, #tpu.memory_space<hbm>> -> memref<128x384xf32, #tpu.memory_space<hbm>>
    tpu.wait_dma2 semaphore(%arg5 : memref<!tpu.dma_semaphore, #tpu.memory_space<semaphore_mem>>) src(%arg4 : memref<128x384xf32, #tpu.memory_space<vmem_shared>>) dst(%dma_wait3A_725 : memref<128x384xf32, #tpu.memory_space<hbm>>)
    %dma_wait3A_726 = arith.constant 384 : i32
    %dma_wait3A_727 = tpu.memref_slice %arg3[%add3A_290, %dma_wait3A_726] : memref<32768x768xf32, #tpu.memory_space<hbm>> -> memref<128x384xf32, #tpu.memory_space<hbm>>
    tpu.wait_dma2 semaphore(%arg5 : memref<!tpu.dma_semaphore, #tpu.memory_space<semaphore_mem>>) src(%arg4 : memref<128x384xf32, #tpu.memory_space<vmem_shared>>) dst(%dma_wait3A_727 : memref<128x384xf32, #tpu.memory_space<hbm>>)
    %dma_wait3A_728 = arith.constant 384 : i32
    %dma_wait3A_729 = tpu.memref_slice %arg3[%add3A_294, %dma_wait3A_728] : memref<32768x768xf32, #tpu.memory_space<hbm>> -> memref<128x384xf32, #tpu.memory_space<hbm>>
    tpu.wait_dma2 semaphore(%arg5 : memref<!tpu.dma_semaphore, #tpu.memory_space<semaphore_mem>>) src(%arg4 : memref<128x384xf32, #tpu.memory_space<vmem_shared>>) dst(%dma_wait3A_729 : memref<128x384xf32, #tpu.memory_space<hbm>>)
    %dma_wait3A_730 = arith.constant 384 : i32
    %dma_wait3A_731 = tpu.memref_slice %arg3[%add3A_298, %dma_wait3A_730] : memref<32768x768xf32, #tpu.memory_space<hbm>> -> memref<128x384xf32, #tpu.memory_space<hbm>>
    tpu.wait_dma2 semaphore(%arg5 : memref<!tpu.dma_semaphore, #tpu.memory_space<semaphore_mem>>) src(%arg4 : memref<128x384xf32, #tpu.memory_space<vmem_shared>>) dst(%dma_wait3A_731 : memref<128x384xf32, #tpu.memory_space<hbm>>)
    %dma_wait3A_732 = arith.constant 384 : i32
    %dma_wait3A_733 = tpu.memref_slice %arg3[%add3A_308, %dma_wait3A_732] : memref<32768x768xf32, #tpu.memory_space<hbm>> -> memref<128x384xf32, #tpu.memory_space<hbm>>
    tpu.wait_dma2 semaphore(%arg5 : memref<!tpu.dma_semaphore, #tpu.memory_space<semaphore_mem>>) src(%arg4 : memref<128x384xf32, #tpu.memory_space<vmem_shared>>) dst(%dma_wait3A_733 : memref<128x384xf32, #tpu.memory_space<hbm>>)
    %dma_wait3A_734 = arith.constant 384 : i32
    %dma_wait3A_735 = tpu.memref_slice %arg3[%add3A_312, %dma_wait3A_734] : memref<32768x768xf32, #tpu.memory_space<hbm>> -> memref<128x384xf32, #tpu.memory_space<hbm>>
    tpu.wait_dma2 semaphore(%arg5 : memref<!tpu.dma_semaphore, #tpu.memory_space<semaphore_mem>>) src(%arg4 : memref<128x384xf32, #tpu.memory_space<vmem_shared>>) dst(%dma_wait3A_735 : memref<128x384xf32, #tpu.memory_space<hbm>>)
    %dma_wait3A_736 = arith.constant 384 : i32
    %dma_wait3A_737 = tpu.memref_slice %arg3[%add3A_316, %dma_wait3A_736] : memref<32768x768xf32, #tpu.memory_space<hbm>> -> memref<128x384xf32, #tpu.memory_space<hbm>>
    tpu.wait_dma2 semaphore(%arg5 : memref<!tpu.dma_semaphore, #tpu.memory_space<semaphore_mem>>) src(%arg4 : memref<128x384xf32, #tpu.memory_space<vmem_shared>>) dst(%dma_wait3A_737 : memref<128x384xf32, #tpu.memory_space<hbm>>)
    %dma_wait3A_738 = arith.constant 384 : i32
    %dma_wait3A_739 = tpu.memref_slice %arg3[%add3A_320, %dma_wait3A_738] : memref<32768x768xf32, #tpu.memory_space<hbm>> -> memref<128x384xf32, #tpu.memory_space<hbm>>
    tpu.wait_dma2 semaphore(%arg5 : memref<!tpu.dma_semaphore, #tpu.memory_space<semaphore_mem>>) src(%arg4 : memref<128x384xf32, #tpu.memory_space<vmem_shared>>) dst(%dma_wait3A_739 : memref<128x384xf32, #tpu.memory_space<hbm>>)
    %dma_wait3A_740 = arith.constant 384 : i32
    %dma_wait3A_741 = tpu.memref_slice %arg3[%add3A_324, %dma_wait3A_740] : memref<32768x768xf32, #tpu.memory_space<hbm>> -> memref<128x384xf32, #tpu.memory_space<hbm>>
    tpu.wait_dma2 semaphore(%arg5 : memref<!tpu.dma_semaphore, #tpu.memory_space<semaphore_mem>>) src(%arg4 : memref<128x384xf32, #tpu.memory_space<vmem_shared>>) dst(%dma_wait3A_741 : memref<128x384xf32, #tpu.memory_space<hbm>>)
    %dma_wait3A_742 = arith.constant 384 : i32
    %dma_wait3A_743 = tpu.memref_slice %arg3[%add3A_328, %dma_wait3A_742] : memref<32768x768xf32, #tpu.memory_space<hbm>> -> memref<128x384xf32, #tpu.memory_space<hbm>>
    tpu.wait_dma2 semaphore(%arg5 : memref<!tpu.dma_semaphore, #tpu.memory_space<semaphore_mem>>) src(%arg4 : memref<128x384xf32, #tpu.memory_space<vmem_shared>>) dst(%dma_wait3A_743 : memref<128x384xf32, #tpu.memory_space<hbm>>)
    %dma_wait3A_744 = arith.constant 384 : i32
    %dma_wait3A_745 = tpu.memref_slice %arg3[%add3A_332, %dma_wait3A_744] : memref<32768x768xf32, #tpu.memory_space<hbm>> -> memref<128x384xf32, #tpu.memory_space<hbm>>
    tpu.wait_dma2 semaphore(%arg5 : memref<!tpu.dma_semaphore, #tpu.memory_space<semaphore_mem>>) src(%arg4 : memref<128x384xf32, #tpu.memory_space<vmem_shared>>) dst(%dma_wait3A_745 : memref<128x384xf32, #tpu.memory_space<hbm>>)
    %dma_wait3A_746 = arith.constant 384 : i32
    %dma_wait3A_747 = tpu.memref_slice %arg3[%add3A_336, %dma_wait3A_746] : memref<32768x768xf32, #tpu.memory_space<hbm>> -> memref<128x384xf32, #tpu.memory_space<hbm>>
    tpu.wait_dma2 semaphore(%arg5 : memref<!tpu.dma_semaphore, #tpu.memory_space<semaphore_mem>>) src(%arg4 : memref<128x384xf32, #tpu.memory_space<vmem_shared>>) dst(%dma_wait3A_747 : memref<128x384xf32, #tpu.memory_space<hbm>>)
    %dma_wait3A_748 = arith.constant 384 : i32
    %dma_wait3A_749 = tpu.memref_slice %arg3[%add3A_346, %dma_wait3A_748] : memref<32768x768xf32, #tpu.memory_space<hbm>> -> memref<128x384xf32, #tpu.memory_space<hbm>>
    tpu.wait_dma2 semaphore(%arg5 : memref<!tpu.dma_semaphore, #tpu.memory_space<semaphore_mem>>) src(%arg4 : memref<128x384xf32, #tpu.memory_space<vmem_shared>>) dst(%dma_wait3A_749 : memref<128x384xf32, #tpu.memory_space<hbm>>)
    %dma_wait3A_750 = arith.constant 384 : i32
    %dma_wait3A_751 = tpu.memref_slice %arg3[%add3A_350, %dma_wait3A_750] : memref<32768x768xf32, #tpu.memory_space<hbm>> -> memref<128x384xf32, #tpu.memory_space<hbm>>
    tpu.wait_dma2 semaphore(%arg5 : memref<!tpu.dma_semaphore, #tpu.memory_space<semaphore_mem>>) src(%arg4 : memref<128x384xf32, #tpu.memory_space<vmem_shared>>) dst(%dma_wait3A_751 : memref<128x384xf32, #tpu.memory_space<hbm>>)
    %dma_wait3A_752 = arith.constant 384 : i32
    %dma_wait3A_753 = tpu.memref_slice %arg3[%add3A_354, %dma_wait3A_752] : memref<32768x768xf32, #tpu.memory_space<hbm>> -> memref<128x384xf32, #tpu.memory_space<hbm>>
    tpu.wait_dma2 semaphore(%arg5 : memref<!tpu.dma_semaphore, #tpu.memory_space<semaphore_mem>>) src(%arg4 : memref<128x384xf32, #tpu.memory_space<vmem_shared>>) dst(%dma_wait3A_753 : memref<128x384xf32, #tpu.memory_space<hbm>>)
    %dma_wait3A_754 = arith.constant 384 : i32
    %dma_wait3A_755 = tpu.memref_slice %arg3[%add3A_358, %dma_wait3A_754] : memref<32768x768xf32, #tpu.memory_space<hbm>> -> memref<128x384xf32, #tpu.memory_space<hbm>>
    tpu.wait_dma2 semaphore(%arg5 : memref<!tpu.dma_semaphore, #tpu.memory_space<semaphore_mem>>) src(%arg4 : memref<128x384xf32, #tpu.memory_space<vmem_shared>>) dst(%dma_wait3A_755 : memref<128x384xf32, #tpu.memory_space<hbm>>)
    %dma_wait3A_756 = arith.constant 384 : i32
    %dma_wait3A_757 = tpu.memref_slice %arg3[%add3A_362, %dma_wait3A_756] : memref<32768x768xf32, #tpu.memory_space<hbm>> -> memref<128x384xf32, #tpu.memory_space<hbm>>
    tpu.wait_dma2 semaphore(%arg5 : memref<!tpu.dma_semaphore, #tpu.memory_space<semaphore_mem>>) src(%arg4 : memref<128x384xf32, #tpu.memory_space<vmem_shared>>) dst(%dma_wait3A_757 : memref<128x384xf32, #tpu.memory_space<hbm>>)
    %dma_wait3A_758 = arith.constant 384 : i32
    %dma_wait3A_759 = tpu.memref_slice %arg3[%add3A_366, %dma_wait3A_758] : memref<32768x768xf32, #tpu.memory_space<hbm>> -> memref<128x384xf32, #tpu.memory_space<hbm>>
    tpu.wait_dma2 semaphore(%arg5 : memref<!tpu.dma_semaphore, #tpu.memory_space<semaphore_mem>>) src(%arg4 : memref<128x384xf32, #tpu.memory_space<vmem_shared>>) dst(%dma_wait3A_759 : memref<128x384xf32, #tpu.memory_space<hbm>>)
    %dma_wait3A_760 = arith.constant 384 : i32
    %dma_wait3A_761 = tpu.memref_slice %arg3[%add3A_370, %dma_wait3A_760] : memref<32768x768xf32, #tpu.memory_space<hbm>> -> memref<128x384xf32, #tpu.memory_space<hbm>>
    tpu.wait_dma2 semaphore(%arg5 : memref<!tpu.dma_semaphore, #tpu.memory_space<semaphore_mem>>) src(%arg4 : memref<128x384xf32, #tpu.memory_space<vmem_shared>>) dst(%dma_wait3A_761 : memref<128x384xf32, #tpu.memory_space<hbm>>)
    %dma_wait3A_762 = arith.constant 384 : i32
    %dma_wait3A_763 = tpu.memref_slice %arg3[%add3A_374, %dma_wait3A_762] : memref<32768x768xf32, #tpu.memory_space<hbm>> -> memref<128x384xf32, #tpu.memory_space<hbm>>
    tpu.wait_dma2 semaphore(%arg5 : memref<!tpu.dma_semaphore, #tpu.memory_space<semaphore_mem>>) src(%arg4 : memref<128x384xf32, #tpu.memory_space<vmem_shared>>) dst(%dma_wait3A_763 : memref<128x384xf32, #tpu.memory_space<hbm>>)
    %dma_wait3A_764 = arith.constant 384 : i32
    %dma_wait3A_765 = tpu.memref_slice %arg3[%add3A_384, %dma_wait3A_764] : memref<32768x768xf32, #tpu.memory_space<hbm>> -> memref<128x384xf32, #tpu.memory_space<hbm>>
    tpu.wait_dma2 semaphore(%arg5 : memref<!tpu.dma_semaphore, #tpu.memory_space<semaphore_mem>>) src(%arg4 : memref<128x384xf32, #tpu.memory_space<vmem_shared>>) dst(%dma_wait3A_765 : memref<128x384xf32, #tpu.memory_space<hbm>>)
    %dma_wait3A_766 = arith.constant 384 : i32
    %dma_wait3A_767 = tpu.memref_slice %arg3[%add3A_388, %dma_wait3A_766] : memref<32768x768xf32, #tpu.memory_space<hbm>> -> memref<128x384xf32, #tpu.memory_space<hbm>>
    tpu.wait_dma2 semaphore(%arg5 : memref<!tpu.dma_semaphore, #tpu.memory_space<semaphore_mem>>) src(%arg4 : memref<128x384xf32, #tpu.memory_space<vmem_shared>>) dst(%dma_wait3A_767 : memref<128x384xf32, #tpu.memory_space<hbm>>)
    %dma_wait3A_768 = arith.constant 384 : i32
    %dma_wait3A_769 = tpu.memref_slice %arg3[%add3A_392, %dma_wait3A_768] : memref<32768x768xf32, #tpu.memory_space<hbm>> -> memref<128x384xf32, #tpu.memory_space<hbm>>
    tpu.wait_dma2 semaphore(%arg5 : memref<!tpu.dma_semaphore, #tpu.memory_space<semaphore_mem>>) src(%arg4 : memref<128x384xf32, #tpu.memory_space<vmem_shared>>) dst(%dma_wait3A_769 : memref<128x384xf32, #tpu.memory_space<hbm>>)
    %dma_wait3A_770 = arith.constant 384 : i32
    %dma_wait3A_771 = tpu.memref_slice %arg3[%add3A_396, %dma_wait3A_770] : memref<32768x768xf32, #tpu.memory_space<hbm>> -> memref<128x384xf32, #tpu.memory_space<hbm>>
    tpu.wait_dma2 semaphore(%arg5 : memref<!tpu.dma_semaphore, #tpu.memory_space<semaphore_mem>>) src(%arg4 : memref<128x384xf32, #tpu.memory_space<vmem_shared>>) dst(%dma_wait3A_771 : memref<128x384xf32, #tpu.memory_space<hbm>>)
    %dma_wait3A_772 = arith.constant 384 : i32
    %dma_wait3A_773 = tpu.memref_slice %arg3[%add3A_400, %dma_wait3A_772] : memref<32768x768xf32, #tpu.memory_space<hbm>> -> memref<128x384xf32, #tpu.memory_space<hbm>>
    tpu.wait_dma2 semaphore(%arg5 : memref<!tpu.dma_semaphore, #tpu.memory_space<semaphore_mem>>) src(%arg4 : memref<128x384xf32, #tpu.memory_space<vmem_shared>>) dst(%dma_wait3A_773 : memref<128x384xf32, #tpu.memory_space<hbm>>)
    %dma_wait3A_774 = arith.constant 384 : i32
    %dma_wait3A_775 = tpu.memref_slice %arg3[%add3A_404, %dma_wait3A_774] : memref<32768x768xf32, #tpu.memory_space<hbm>> -> memref<128x384xf32, #tpu.memory_space<hbm>>
    tpu.wait_dma2 semaphore(%arg5 : memref<!tpu.dma_semaphore, #tpu.memory_space<semaphore_mem>>) src(%arg4 : memref<128x384xf32, #tpu.memory_space<vmem_shared>>) dst(%dma_wait3A_775 : memref<128x384xf32, #tpu.memory_space<hbm>>)
    %dma_wait3A_776 = arith.constant 384 : i32
    %dma_wait3A_777 = tpu.memref_slice %arg3[%add3A_408, %dma_wait3A_776] : memref<32768x768xf32, #tpu.memory_space<hbm>> -> memref<128x384xf32, #tpu.memory_space<hbm>>
    tpu.wait_dma2 semaphore(%arg5 : memref<!tpu.dma_semaphore, #tpu.memory_space<semaphore_mem>>) src(%arg4 : memref<128x384xf32, #tpu.memory_space<vmem_shared>>) dst(%dma_wait3A_777 : memref<128x384xf32, #tpu.memory_space<hbm>>)
    %dma_wait3A_778 = arith.constant 384 : i32
    %dma_wait3A_779 = tpu.memref_slice %arg3[%add3A_412, %dma_wait3A_778] : memref<32768x768xf32, #tpu.memory_space<hbm>> -> memref<128x384xf32, #tpu.memory_space<hbm>>
    tpu.wait_dma2 semaphore(%arg5 : memref<!tpu.dma_semaphore, #tpu.memory_space<semaphore_mem>>) src(%arg4 : memref<128x384xf32, #tpu.memory_space<vmem_shared>>) dst(%dma_wait3A_779 : memref<128x384xf32, #tpu.memory_space<hbm>>)
    %dma_wait3A_780 = arith.constant 384 : i32
    %dma_wait3A_781 = tpu.memref_slice %arg3[%add3A_422, %dma_wait3A_780] : memref<32768x768xf32, #tpu.memory_space<hbm>> -> memref<128x384xf32, #tpu.memory_space<hbm>>
    tpu.wait_dma2 semaphore(%arg5 : memref<!tpu.dma_semaphore, #tpu.memory_space<semaphore_mem>>) src(%arg4 : memref<128x384xf32, #tpu.memory_space<vmem_shared>>) dst(%dma_wait3A_781 : memref<128x384xf32, #tpu.memory_space<hbm>>)
    %dma_wait3A_782 = arith.constant 384 : i32
    %dma_wait3A_783 = tpu.memref_slice %arg3[%add3A_426, %dma_wait3A_782] : memref<32768x768xf32, #tpu.memory_space<hbm>> -> memref<128x384xf32, #tpu.memory_space<hbm>>
    tpu.wait_dma2 semaphore(%arg5 : memref<!tpu.dma_semaphore, #tpu.memory_space<semaphore_mem>>) src(%arg4 : memref<128x384xf32, #tpu.memory_space<vmem_shared>>) dst(%dma_wait3A_783 : memref<128x384xf32, #tpu.memory_space<hbm>>)
    %dma_wait3A_784 = arith.constant 384 : i32
    %dma_wait3A_785 = tpu.memref_slice %arg3[%add3A_430, %dma_wait3A_784] : memref<32768x768xf32, #tpu.memory_space<hbm>> -> memref<128x384xf32, #tpu.memory_space<hbm>>
    tpu.wait_dma2 semaphore(%arg5 : memref<!tpu.dma_semaphore, #tpu.memory_space<semaphore_mem>>) src(%arg4 : memref<128x384xf32, #tpu.memory_space<vmem_shared>>) dst(%dma_wait3A_785 : memref<128x384xf32, #tpu.memory_space<hbm>>)
    %dma_wait3A_786 = arith.constant 384 : i32
    %dma_wait3A_787 = tpu.memref_slice %arg3[%add3A_434, %dma_wait3A_786] : memref<32768x768xf32, #tpu.memory_space<hbm>> -> memref<128x384xf32, #tpu.memory_space<hbm>>
    tpu.wait_dma2 semaphore(%arg5 : memref<!tpu.dma_semaphore, #tpu.memory_space<semaphore_mem>>) src(%arg4 : memref<128x384xf32, #tpu.memory_space<vmem_shared>>) dst(%dma_wait3A_787 : memref<128x384xf32, #tpu.memory_space<hbm>>)
    %dma_wait3A_788 = arith.constant 384 : i32
    %dma_wait3A_789 = tpu.memref_slice %arg3[%add3A_438, %dma_wait3A_788] : memref<32768x768xf32, #tpu.memory_space<hbm>> -> memref<128x384xf32, #tpu.memory_space<hbm>>
    tpu.wait_dma2 semaphore(%arg5 : memref<!tpu.dma_semaphore, #tpu.memory_space<semaphore_mem>>) src(%arg4 : memref<128x384xf32, #tpu.memory_space<vmem_shared>>) dst(%dma_wait3A_789 : memref<128x384xf32, #tpu.memory_space<hbm>>)
    %dma_wait3A_790 = arith.constant 384 : i32
    %dma_wait3A_791 = tpu.memref_slice %arg3[%add3A_442, %dma_wait3A_790] : memref<32768x768xf32, #tpu.memory_space<hbm>> -> memref<128x384xf32, #tpu.memory_space<hbm>>
    tpu.wait_dma2 semaphore(%arg5 : memref<!tpu.dma_semaphore, #tpu.memory_space<semaphore_mem>>) src(%arg4 : memref<128x384xf32, #tpu.memory_space<vmem_shared>>) dst(%dma_wait3A_791 : memref<128x384xf32, #tpu.memory_space<hbm>>)
    %dma_wait3A_792 = arith.constant 384 : i32
    %dma_wait3A_793 = tpu.memref_slice %arg3[%add3A_446, %dma_wait3A_792] : memref<32768x768xf32, #tpu.memory_space<hbm>> -> memref<128x384xf32, #tpu.memory_space<hbm>>
    tpu.wait_dma2 semaphore(%arg5 : memref<!tpu.dma_semaphore, #tpu.memory_space<semaphore_mem>>) src(%arg4 : memref<128x384xf32, #tpu.memory_space<vmem_shared>>) dst(%dma_wait3A_793 : memref<128x384xf32, #tpu.memory_space<hbm>>)
    %dma_wait3A_794 = arith.constant 384 : i32
    %dma_wait3A_795 = tpu.memref_slice %arg3[%add3A_450, %dma_wait3A_794] : memref<32768x768xf32, #tpu.memory_space<hbm>> -> memref<128x384xf32, #tpu.memory_space<hbm>>
    tpu.wait_dma2 semaphore(%arg5 : memref<!tpu.dma_semaphore, #tpu.memory_space<semaphore_mem>>) src(%arg4 : memref<128x384xf32, #tpu.memory_space<vmem_shared>>) dst(%dma_wait3A_795 : memref<128x384xf32, #tpu.memory_space<hbm>>)
    %dma_wait3A_796 = arith.constant 384 : i32
    %dma_wait3A_797 = tpu.memref_slice %arg3[%add3A_460, %dma_wait3A_796] : memref<32768x768xf32, #tpu.memory_space<hbm>> -> memref<128x384xf32, #tpu.memory_space<hbm>>
    tpu.wait_dma2 semaphore(%arg5 : memref<!tpu.dma_semaphore, #tpu.memory_space<semaphore_mem>>) src(%arg4 : memref<128x384xf32, #tpu.memory_space<vmem_shared>>) dst(%dma_wait3A_797 : memref<128x384xf32, #tpu.memory_space<hbm>>)
    %dma_wait3A_798 = arith.constant 384 : i32
    %dma_wait3A_799 = tpu.memref_slice %arg3[%add3A_464, %dma_wait3A_798] : memref<32768x768xf32, #tpu.memory_space<hbm>> -> memref<128x384xf32, #tpu.memory_space<hbm>>
    tpu.wait_dma2 semaphore(%arg5 : memref<!tpu.dma_semaphore, #tpu.memory_space<semaphore_mem>>) src(%arg4 : memref<128x384xf32, #tpu.memory_space<vmem_shared>>) dst(%dma_wait3A_799 : memref<128x384xf32, #tpu.memory_space<hbm>>)
    %dma_wait3A_800 = arith.constant 384 : i32
    %dma_wait3A_801 = tpu.memref_slice %arg3[%add3A_468, %dma_wait3A_800] : memref<32768x768xf32, #tpu.memory_space<hbm>> -> memref<128x384xf32, #tpu.memory_space<hbm>>
    tpu.wait_dma2 semaphore(%arg5 : memref<!tpu.dma_semaphore, #tpu.memory_space<semaphore_mem>>) src(%arg4 : memref<128x384xf32, #tpu.memory_space<vmem_shared>>) dst(%dma_wait3A_801 : memref<128x384xf32, #tpu.memory_space<hbm>>)
    %dma_wait3A_802 = arith.constant 384 : i32
    %dma_wait3A_803 = tpu.memref_slice %arg3[%add3A_472, %dma_wait3A_802] : memref<32768x768xf32, #tpu.memory_space<hbm>> -> memref<128x384xf32, #tpu.memory_space<hbm>>
    tpu.wait_dma2 semaphore(%arg5 : memref<!tpu.dma_semaphore, #tpu.memory_space<semaphore_mem>>) src(%arg4 : memref<128x384xf32, #tpu.memory_space<vmem_shared>>) dst(%dma_wait3A_803 : memref<128x384xf32, #tpu.memory_space<hbm>>)
    %dma_wait3A_804 = arith.constant 384 : i32
    %dma_wait3A_805 = tpu.memref_slice %arg3[%add3A_476, %dma_wait3A_804] : memref<32768x768xf32, #tpu.memory_space<hbm>> -> memref<128x384xf32, #tpu.memory_space<hbm>>
    tpu.wait_dma2 semaphore(%arg5 : memref<!tpu.dma_semaphore, #tpu.memory_space<semaphore_mem>>) src(%arg4 : memref<128x384xf32, #tpu.memory_space<vmem_shared>>) dst(%dma_wait3A_805 : memref<128x384xf32, #tpu.memory_space<hbm>>)
    %dma_wait3A_806 = arith.constant 384 : i32
    %dma_wait3A_807 = tpu.memref_slice %arg3[%add3A_480, %dma_wait3A_806] : memref<32768x768xf32, #tpu.memory_space<hbm>> -> memref<128x384xf32, #tpu.memory_space<hbm>>
    tpu.wait_dma2 semaphore(%arg5 : memref<!tpu.dma_semaphore, #tpu.memory_space<semaphore_mem>>) src(%arg4 : memref<128x384xf32, #tpu.memory_space<vmem_shared>>) dst(%dma_wait3A_807 : memref<128x384xf32, #tpu.memory_space<hbm>>)
    %dma_wait3A_808 = arith.constant 384 : i32
    %dma_wait3A_809 = tpu.memref_slice %arg3[%add3A_484, %dma_wait3A_808] : memref<32768x768xf32, #tpu.memory_space<hbm>> -> memref<128x384xf32, #tpu.memory_space<hbm>>
    tpu.wait_dma2 semaphore(%arg5 : memref<!tpu.dma_semaphore, #tpu.memory_space<semaphore_mem>>) src(%arg4 : memref<128x384xf32, #tpu.memory_space<vmem_shared>>) dst(%dma_wait3A_809 : memref<128x384xf32, #tpu.memory_space<hbm>>)
    %dma_wait3A_810 = arith.constant 384 : i32
    %dma_wait3A_811 = tpu.memref_slice %arg3[%add3A_488, %dma_wait3A_810] : memref<32768x768xf32, #tpu.memory_space<hbm>> -> memref<128x384xf32, #tpu.memory_space<hbm>>
    tpu.wait_dma2 semaphore(%arg5 : memref<!tpu.dma_semaphore, #tpu.memory_space<semaphore_mem>>) src(%arg4 : memref<128x384xf32, #tpu.memory_space<vmem_shared>>) dst(%dma_wait3A_811 : memref<128x384xf32, #tpu.memory_space<hbm>>)
    %dma_wait3A_812 = arith.constant 384 : i32
    %dma_wait3A_813 = tpu.memref_slice %arg3[%add3A_498, %dma_wait3A_812] : memref<32768x768xf32, #tpu.memory_space<hbm>> -> memref<128x384xf32, #tpu.memory_space<hbm>>
    tpu.wait_dma2 semaphore(%arg5 : memref<!tpu.dma_semaphore, #tpu.memory_space<semaphore_mem>>) src(%arg4 : memref<128x384xf32, #tpu.memory_space<vmem_shared>>) dst(%dma_wait3A_813 : memref<128x384xf32, #tpu.memory_space<hbm>>)
    %dma_wait3A_814 = arith.constant 384 : i32
    %dma_wait3A_815 = tpu.memref_slice %arg3[%add3A_502, %dma_wait3A_814] : memref<32768x768xf32, #tpu.memory_space<hbm>> -> memref<128x384xf32, #tpu.memory_space<hbm>>
    tpu.wait_dma2 semaphore(%arg5 : memref<!tpu.dma_semaphore, #tpu.memory_space<semaphore_mem>>) src(%arg4 : memref<128x384xf32, #tpu.memory_space<vmem_shared>>) dst(%dma_wait3A_815 : memref<128x384xf32, #tpu.memory_space<hbm>>)
    %dma_wait3A_816 = arith.constant 384 : i32
    %dma_wait3A_817 = tpu.memref_slice %arg3[%add3A_506, %dma_wait3A_816] : memref<32768x768xf32, #tpu.memory_space<hbm>> -> memref<128x384xf32, #tpu.memory_space<hbm>>
    tpu.wait_dma2 semaphore(%arg5 : memref<!tpu.dma_semaphore, #tpu.memory_space<semaphore_mem>>) src(%arg4 : memref<128x384xf32, #tpu.memory_space<vmem_shared>>) dst(%dma_wait3A_817 : memref<128x384xf32, #tpu.memory_space<hbm>>)
    %dma_wait3A_818 = arith.constant 384 : i32
    %dma_wait3A_819 = tpu.memref_slice %arg3[%add3A_510, %dma_wait3A_818] : memref<32768x768xf32, #tpu.memory_space<hbm>> -> memref<128x384xf32, #tpu.memory_space<hbm>>
    tpu.wait_dma2 semaphore(%arg5 : memref<!tpu.dma_semaphore, #tpu.memory_space<semaphore_mem>>) src(%arg4 : memref<128x384xf32, #tpu.memory_space<vmem_shared>>) dst(%dma_wait3A_819 : memref<128x384xf32, #tpu.memory_space<hbm>>)
    %dma_wait3A_820 = arith.constant 384 : i32
    %dma_wait3A_821 = tpu.memref_slice %arg3[%add3A_514, %dma_wait3A_820] : memref<32768x768xf32, #tpu.memory_space<hbm>> -> memref<128x384xf32, #tpu.memory_space<hbm>>
    tpu.wait_dma2 semaphore(%arg5 : memref<!tpu.dma_semaphore, #tpu.memory_space<semaphore_mem>>) src(%arg4 : memref<128x384xf32, #tpu.memory_space<vmem_shared>>) dst(%dma_wait3A_821 : memref<128x384xf32, #tpu.memory_space<hbm>>)
    %dma_wait3A_822 = arith.constant 384 : i32
    %dma_wait3A_823 = tpu.memref_slice %arg3[%add3A_518, %dma_wait3A_822] : memref<32768x768xf32, #tpu.memory_space<hbm>> -> memref<128x384xf32, #tpu.memory_space<hbm>>
    tpu.wait_dma2 semaphore(%arg5 : memref<!tpu.dma_semaphore, #tpu.memory_space<semaphore_mem>>) src(%arg4 : memref<128x384xf32, #tpu.memory_space<vmem_shared>>) dst(%dma_wait3A_823 : memref<128x384xf32, #tpu.memory_space<hbm>>)
    %dma_wait3A_824 = arith.constant 384 : i32
    %dma_wait3A_825 = tpu.memref_slice %arg3[%add3A_522, %dma_wait3A_824] : memref<32768x768xf32, #tpu.memory_space<hbm>> -> memref<128x384xf32, #tpu.memory_space<hbm>>
    tpu.wait_dma2 semaphore(%arg5 : memref<!tpu.dma_semaphore, #tpu.memory_space<semaphore_mem>>) src(%arg4 : memref<128x384xf32, #tpu.memory_space<vmem_shared>>) dst(%dma_wait3A_825 : memref<128x384xf32, #tpu.memory_space<hbm>>)
    %dma_wait3A_826 = arith.constant 384 : i32
    %dma_wait3A_827 = tpu.memref_slice %arg3[%add3A_526, %dma_wait3A_826] : memref<32768x768xf32, #tpu.memory_space<hbm>> -> memref<128x384xf32, #tpu.memory_space<hbm>>
    tpu.wait_dma2 semaphore(%arg5 : memref<!tpu.dma_semaphore, #tpu.memory_space<semaphore_mem>>) src(%arg4 : memref<128x384xf32, #tpu.memory_space<vmem_shared>>) dst(%dma_wait3A_827 : memref<128x384xf32, #tpu.memory_space<hbm>>)
    %dma_wait3A_828 = arith.constant 384 : i32
    %dma_wait3A_829 = tpu.memref_slice %arg3[%add3A_536, %dma_wait3A_828] : memref<32768x768xf32, #tpu.memory_space<hbm>> -> memref<128x384xf32, #tpu.memory_space<hbm>>
    tpu.wait_dma2 semaphore(%arg5 : memref<!tpu.dma_semaphore, #tpu.memory_space<semaphore_mem>>) src(%arg4 : memref<128x384xf32, #tpu.memory_space<vmem_shared>>) dst(%dma_wait3A_829 : memref<128x384xf32, #tpu.memory_space<hbm>>)
    %dma_wait3A_830 = arith.constant 384 : i32
    %dma_wait3A_831 = tpu.memref_slice %arg3[%add3A_540, %dma_wait3A_830] : memref<32768x768xf32, #tpu.memory_space<hbm>> -> memref<128x384xf32, #tpu.memory_space<hbm>>
    tpu.wait_dma2 semaphore(%arg5 : memref<!tpu.dma_semaphore, #tpu.memory_space<semaphore_mem>>) src(%arg4 : memref<128x384xf32, #tpu.memory_space<vmem_shared>>) dst(%dma_wait3A_831 : memref<128x384xf32, #tpu.memory_space<hbm>>)
    %dma_wait3A_832 = arith.constant 384 : i32
    %dma_wait3A_833 = tpu.memref_slice %arg3[%add3A_544, %dma_wait3A_832] : memref<32768x768xf32, #tpu.memory_space<hbm>> -> memref<128x384xf32, #tpu.memory_space<hbm>>
    tpu.wait_dma2 semaphore(%arg5 : memref<!tpu.dma_semaphore, #tpu.memory_space<semaphore_mem>>) src(%arg4 : memref<128x384xf32, #tpu.memory_space<vmem_shared>>) dst(%dma_wait3A_833 : memref<128x384xf32, #tpu.memory_space<hbm>>)
    %dma_wait3A_834 = arith.constant 384 : i32
    %dma_wait3A_835 = tpu.memref_slice %arg3[%add3A_548, %dma_wait3A_834] : memref<32768x768xf32, #tpu.memory_space<hbm>> -> memref<128x384xf32, #tpu.memory_space<hbm>>
    tpu.wait_dma2 semaphore(%arg5 : memref<!tpu.dma_semaphore, #tpu.memory_space<semaphore_mem>>) src(%arg4 : memref<128x384xf32, #tpu.memory_space<vmem_shared>>) dst(%dma_wait3A_835 : memref<128x384xf32, #tpu.memory_space<hbm>>)
    %dma_wait3A_836 = arith.constant 384 : i32
    %dma_wait3A_837 = tpu.memref_slice %arg3[%add3A_552, %dma_wait3A_836] : memref<32768x768xf32, #tpu.memory_space<hbm>> -> memref<128x384xf32, #tpu.memory_space<hbm>>
    tpu.wait_dma2 semaphore(%arg5 : memref<!tpu.dma_semaphore, #tpu.memory_space<semaphore_mem>>) src(%arg4 : memref<128x384xf32, #tpu.memory_space<vmem_shared>>) dst(%dma_wait3A_837 : memref<128x384xf32, #tpu.memory_space<hbm>>)
    %dma_wait3A_838 = arith.constant 384 : i32
    %dma_wait3A_839 = tpu.memref_slice %arg3[%add3A_556, %dma_wait3A_838] : memref<32768x768xf32, #tpu.memory_space<hbm>> -> memref<128x384xf32, #tpu.memory_space<hbm>>
    tpu.wait_dma2 semaphore(%arg5 : memref<!tpu.dma_semaphore, #tpu.memory_space<semaphore_mem>>) src(%arg4 : memref<128x384xf32, #tpu.memory_space<vmem_shared>>) dst(%dma_wait3A_839 : memref<128x384xf32, #tpu.memory_space<hbm>>)
    %dma_wait3A_840 = arith.constant 384 : i32
    %dma_wait3A_841 = tpu.memref_slice %arg3[%add3A_560, %dma_wait3A_840] : memref<32768x768xf32, #tpu.memory_space<hbm>> -> memref<128x384xf32, #tpu.memory_space<hbm>>
    tpu.wait_dma2 semaphore(%arg5 : memref<!tpu.dma_semaphore, #tpu.memory_space<semaphore_mem>>) src(%arg4 : memref<128x384xf32, #tpu.memory_space<vmem_shared>>) dst(%dma_wait3A_841 : memref<128x384xf32, #tpu.memory_space<hbm>>)
    %dma_wait3A_842 = arith.constant 384 : i32
    %dma_wait3A_843 = tpu.memref_slice %arg3[%add3A_564, %dma_wait3A_842] : memref<32768x768xf32, #tpu.memory_space<hbm>> -> memref<128x384xf32, #tpu.memory_space<hbm>>
    tpu.wait_dma2 semaphore(%arg5 : memref<!tpu.dma_semaphore, #tpu.memory_space<semaphore_mem>>) src(%arg4 : memref<128x384xf32, #tpu.memory_space<vmem_shared>>) dst(%dma_wait3A_843 : memref<128x384xf32, #tpu.memory_space<hbm>>)
    %dma_wait3A_844 = arith.constant 384 : i32
    %dma_wait3A_845 = tpu.memref_slice %arg3[%add3A_574, %dma_wait3A_844] : memref<32768x768xf32, #tpu.memory_space<hbm>> -> memref<128x384xf32, #tpu.memory_space<hbm>>
    tpu.wait_dma2 semaphore(%arg5 : memref<!tpu.dma_semaphore, #tpu.memory_space<semaphore_mem>>) src(%arg4 : memref<128x384xf32, #tpu.memory_space<vmem_shared>>) dst(%dma_wait3A_845 : memref<128x384xf32, #tpu.memory_space<hbm>>)
    %dma_wait3A_846 = arith.constant 384 : i32
    %dma_wait3A_847 = tpu.memref_slice %arg3[%add3A_578, %dma_wait3A_846] : memref<32768x768xf32, #tpu.memory_space<hbm>> -> memref<128x384xf32, #tpu.memory_space<hbm>>
    tpu.wait_dma2 semaphore(%arg5 : memref<!tpu.dma_semaphore, #tpu.memory_space<semaphore_mem>>) src(%arg4 : memref<128x384xf32, #tpu.memory_space<vmem_shared>>) dst(%dma_wait3A_847 : memref<128x384xf32, #tpu.memory_space<hbm>>)
    %dma_wait3A_848 = arith.constant 384 : i32
    %dma_wait3A_849 = tpu.memref_slice %arg3[%add3A_582, %dma_wait3A_848] : memref<32768x768xf32, #tpu.memory_space<hbm>> -> memref<128x384xf32, #tpu.memory_space<hbm>>
    tpu.wait_dma2 semaphore(%arg5 : memref<!tpu.dma_semaphore, #tpu.memory_space<semaphore_mem>>) src(%arg4 : memref<128x384xf32, #tpu.memory_space<vmem_shared>>) dst(%dma_wait3A_849 : memref<128x384xf32, #tpu.memory_space<hbm>>)
    %dma_wait3A_850 = arith.constant 384 : i32
    %dma_wait3A_851 = tpu.memref_slice %arg3[%add3A_586, %dma_wait3A_850] : memref<32768x768xf32, #tpu.memory_space<hbm>> -> memref<128x384xf32, #tpu.memory_space<hbm>>
    tpu.wait_dma2 semaphore(%arg5 : memref<!tpu.dma_semaphore, #tpu.memory_space<semaphore_mem>>) src(%arg4 : memref<128x384xf32, #tpu.memory_space<vmem_shared>>) dst(%dma_wait3A_851 : memref<128x384xf32, #tpu.memory_space<hbm>>)
    %dma_wait3A_852 = arith.constant 384 : i32
    %dma_wait3A_853 = tpu.memref_slice %arg3[%add3A_590, %dma_wait3A_852] : memref<32768x768xf32, #tpu.memory_space<hbm>> -> memref<128x384xf32, #tpu.memory_space<hbm>>
    tpu.wait_dma2 semaphore(%arg5 : memref<!tpu.dma_semaphore, #tpu.memory_space<semaphore_mem>>) src(%arg4 : memref<128x384xf32, #tpu.memory_space<vmem_shared>>) dst(%dma_wait3A_853 : memref<128x384xf32, #tpu.memory_space<hbm>>)
    %dma_wait3A_854 = arith.constant 384 : i32
    %dma_wait3A_855 = tpu.memref_slice %arg3[%add3A_594, %dma_wait3A_854] : memref<32768x768xf32, #tpu.memory_space<hbm>> -> memref<128x384xf32, #tpu.memory_space<hbm>>
    tpu.wait_dma2 semaphore(%arg5 : memref<!tpu.dma_semaphore, #tpu.memory_space<semaphore_mem>>) src(%arg4 : memref<128x384xf32, #tpu.memory_space<vmem_shared>>) dst(%dma_wait3A_855 : memref<128x384xf32, #tpu.memory_space<hbm>>)
    %dma_wait3A_856 = arith.constant 384 : i32
    %dma_wait3A_857 = tpu.memref_slice %arg3[%add3A_598, %dma_wait3A_856] : memref<32768x768xf32, #tpu.memory_space<hbm>> -> memref<128x384xf32, #tpu.memory_space<hbm>>
    tpu.wait_dma2 semaphore(%arg5 : memref<!tpu.dma_semaphore, #tpu.memory_space<semaphore_mem>>) src(%arg4 : memref<128x384xf32, #tpu.memory_space<vmem_shared>>) dst(%dma_wait3A_857 : memref<128x384xf32, #tpu.memory_space<hbm>>)
    %dma_wait3A_858 = arith.constant 384 : i32
    %dma_wait3A_859 = tpu.memref_slice %arg3[%add3A_602, %dma_wait3A_858] : memref<32768x768xf32, #tpu.memory_space<hbm>> -> memref<128x384xf32, #tpu.memory_space<hbm>>
    tpu.wait_dma2 semaphore(%arg5 : memref<!tpu.dma_semaphore, #tpu.memory_space<semaphore_mem>>) src(%arg4 : memref<128x384xf32, #tpu.memory_space<vmem_shared>>) dst(%dma_wait3A_859 : memref<128x384xf32, #tpu.memory_space<hbm>>)
    return
  }
  func.func @_tec_fn(%arg0: i32, %arg1: i32, %arg2: memref<32768x384xf32, #tpu.memory_space<hbm>>, %arg3: memref<128x384xf32, #tpu.memory_space<hbm>>, %arg4: memref<32768x768xf32, #tpu.memory_space<hbm>>, %arg5: memref<128x384xf32, #tpu.memory_space<vmem_shared>>, %arg6: memref<!tpu.dma_semaphore, #tpu.memory_space<semaphore_mem, sc_scalar_subcore>>, %arg7: memref<128x384xf32, #tpu.memory_space<vmem>>, %arg8: memref<128x384xf32, #tpu.memory_space<vmem>>, %arg9: memref<!tpu.dma_semaphore, #tpu.memory_space<semaphore_mem>>, %arg10: memref<!tpu.dma_semaphore, #tpu.memory_space<semaphore_mem>>, %arg11: memref<!tpu.dma_semaphore, #tpu.memory_space<semaphore_mem>>, %arg12: memref<!tpu.dma_semaphore, #tpu.memory_space<semaphore_mem>>) attributes {dimension_semantics = [#tpu.dimension_semantics<core_parallel>, #tpu.dimension_semantics<subcore_parallel>], iteration_bounds = array<i64: 2, 16>, scalar_prefetch = 0 : i64, scratch_operands = 8 : i64, tpu.core_type = #tpu.core_type<sc_vector_subcore>, window_params = [{transform_indices = #map1}, {transform_indices = #map1}, {transform_indices = #map1}]} {
    %mul3A = arith.constant 16 : i32
    %mul3A_0 = arith.muli %arg0, %mul3A : i32
    %add3A = arith.addi %mul3A_0, %arg1 : i32
    %mul3A_1 = arith.constant 1024 : i32
    %mul3A_2 = arith.muli %add3A, %mul3A_1 : i32
    %dma_start3A = arith.constant 0 : i32
    %dma_start3A_3 = tpu.memref_slice %arg2[%mul3A_2, %dma_start3A] : memref<32768x384xf32, #tpu.memory_space<hbm>> -> memref<128x384xf32, #tpu.memory_space<hbm>>
    %dma_start3A_4 = arith.constant 0 : i32
    %dma_start3A_5 = tpu.memref_slice %arg2[%mul3A_2, %dma_start3A_4] : memref<32768x384xf32, #tpu.memory_space<hbm>> -> memref<128x384xf32, #tpu.memory_space<hbm>>
    tpu.enqueue_dma source(%dma_start3A_5 : memref<128x384xf32, #tpu.memory_space<hbm>>) target(%arg7 : memref<128x384xf32, #tpu.memory_space<vmem>>) target_semaphore(%arg9 : memref<!tpu.dma_semaphore, #tpu.memory_space<semaphore_mem>>)
    %add3A_6 = arith.constant 128 : i32
    %add3A_7 = arith.addi %mul3A_2, %add3A_6 : i32
    %dma_start3A_8 = arith.constant 0 : i32
    %dma_start3A_9 = tpu.memref_slice %arg2[%add3A_7, %dma_start3A_8] : memref<32768x384xf32, #tpu.memory_space<hbm>> -> memref<128x384xf32, #tpu.memory_space<hbm>>
    %dma_start3A_10 = arith.constant 0 : i32
    %dma_start3A_11 = tpu.memref_slice %arg2[%add3A_7, %dma_start3A_10] : memref<32768x384xf32, #tpu.memory_space<hbm>> -> memref<128x384xf32, #tpu.memory_space<hbm>>
    tpu.enqueue_dma source(%dma_start3A_11 : memref<128x384xf32, #tpu.memory_space<hbm>>) target(%arg8 : memref<128x384xf32, #tpu.memory_space<vmem>>) target_semaphore(%arg10 : memref<!tpu.dma_semaphore, #tpu.memory_space<semaphore_mem>>)
    %dma_wait3A = arith.constant 0 : i32
    %dma_wait3A_12 = tpu.memref_slice %arg2[%mul3A_2, %dma_wait3A] : memref<32768x384xf32, #tpu.memory_space<hbm>> -> memref<128x384xf32, #tpu.memory_space<hbm>>
    %dma_wait3A_13 = arith.constant 0 : i32
    %dma_wait3A_14 = tpu.memref_slice %arg2[%mul3A_2, %dma_wait3A_13] : memref<32768x384xf32, #tpu.memory_space<hbm>> -> memref<128x384xf32, #tpu.memory_space<hbm>>
    tpu.wait_dma2 semaphore(%arg9 : memref<!tpu.dma_semaphore, #tpu.memory_space<semaphore_mem>>) src(%dma_wait3A_14 : memref<128x384xf32, #tpu.memory_space<hbm>>) dst(%arg7 : memref<128x384xf32, #tpu.memory_space<vmem>>)
    %add3A_15 = arith.constant 0 : i32
    %add3A_16 = arith.addi %mul3A_2, %add3A_15 : i32
    %dma_start3A_17 = arith.constant 0 : i32
    %dma_start3A_18 = tpu.memref_slice %arg4[%add3A_16, %dma_start3A_17] : memref<32768x768xf32, #tpu.memory_space<hbm>> -> memref<128x384xf32, #tpu.memory_space<hbm>>
    %dma_start3A_19 = arith.constant 0 : i32
    %dma_start3A_20 = tpu.memref_slice %arg4[%add3A_16, %dma_start3A_19] : memref<32768x768xf32, #tpu.memory_space<hbm>> -> memref<128x384xf32, #tpu.memory_space<hbm>>
    tpu.enqueue_dma source(%arg7 : memref<128x384xf32, #tpu.memory_space<vmem>>) target(%dma_start3A_20 : memref<128x384xf32, #tpu.memory_space<hbm>>) target_semaphore(%arg11 : memref<!tpu.dma_semaphore, #tpu.memory_space<semaphore_mem>>)
    %dma_wait3A_21 = arith.constant 0 : i32
    %dma_wait3A_22 = tpu.memref_slice %arg4[%add3A_16, %dma_wait3A_21] : memref<32768x768xf32, #tpu.memory_space<hbm>> -> memref<128x384xf32, #tpu.memory_space<hbm>>
    %dma_wait3A_23 = arith.constant 0 : i32
    %dma_wait3A_24 = tpu.memref_slice %arg4[%add3A_16, %dma_wait3A_23] : memref<32768x768xf32, #tpu.memory_space<hbm>> -> memref<128x384xf32, #tpu.memory_space<hbm>>
    tpu.wait_dma2 semaphore(%arg11 : memref<!tpu.dma_semaphore, #tpu.memory_space<semaphore_mem>>) src(%arg7 : memref<128x384xf32, #tpu.memory_space<vmem>>) dst(%dma_wait3A_24 : memref<128x384xf32, #tpu.memory_space<hbm>>)
    %add3A_25 = arith.constant 256 : i32
    %add3A_26 = arith.addi %mul3A_2, %add3A_25 : i32
    %dma_start3A_27 = arith.constant 0 : i32
    %dma_start3A_28 = tpu.memref_slice %arg2[%add3A_26, %dma_start3A_27] : memref<32768x384xf32, #tpu.memory_space<hbm>> -> memref<128x384xf32, #tpu.memory_space<hbm>>
    %dma_start3A_29 = arith.constant 0 : i32
    %dma_start3A_30 = tpu.memref_slice %arg2[%add3A_26, %dma_start3A_29] : memref<32768x384xf32, #tpu.memory_space<hbm>> -> memref<128x384xf32, #tpu.memory_space<hbm>>
    tpu.enqueue_dma source(%dma_start3A_30 : memref<128x384xf32, #tpu.memory_space<hbm>>) target(%arg7 : memref<128x384xf32, #tpu.memory_space<vmem>>) target_semaphore(%arg9 : memref<!tpu.dma_semaphore, #tpu.memory_space<semaphore_mem>>)
    %dma_wait3A_31 = arith.constant 0 : i32
    %dma_wait3A_32 = tpu.memref_slice %arg2[%add3A_7, %dma_wait3A_31] : memref<32768x384xf32, #tpu.memory_space<hbm>> -> memref<128x384xf32, #tpu.memory_space<hbm>>
    %dma_wait3A_33 = arith.constant 0 : i32
    %dma_wait3A_34 = tpu.memref_slice %arg2[%add3A_7, %dma_wait3A_33] : memref<32768x384xf32, #tpu.memory_space<hbm>> -> memref<128x384xf32, #tpu.memory_space<hbm>>
    tpu.wait_dma2 semaphore(%arg10 : memref<!tpu.dma_semaphore, #tpu.memory_space<semaphore_mem>>) src(%dma_wait3A_34 : memref<128x384xf32, #tpu.memory_space<hbm>>) dst(%arg8 : memref<128x384xf32, #tpu.memory_space<vmem>>)
    %add3A_35 = arith.constant 128 : i32
    %add3A_36 = arith.addi %mul3A_2, %add3A_35 : i32
    %dma_start3A_37 = arith.constant 0 : i32
    %dma_start3A_38 = tpu.memref_slice %arg4[%add3A_36, %dma_start3A_37] : memref<32768x768xf32, #tpu.memory_space<hbm>> -> memref<128x384xf32, #tpu.memory_space<hbm>>
    %dma_start3A_39 = arith.constant 0 : i32
    %dma_start3A_40 = tpu.memref_slice %arg4[%add3A_36, %dma_start3A_39] : memref<32768x768xf32, #tpu.memory_space<hbm>> -> memref<128x384xf32, #tpu.memory_space<hbm>>
    tpu.enqueue_dma source(%arg8 : memref<128x384xf32, #tpu.memory_space<vmem>>) target(%dma_start3A_40 : memref<128x384xf32, #tpu.memory_space<hbm>>) target_semaphore(%arg12 : memref<!tpu.dma_semaphore, #tpu.memory_space<semaphore_mem>>)
    %dma_wait3A_41 = arith.constant 0 : i32
    %dma_wait3A_42 = tpu.memref_slice %arg4[%add3A_36, %dma_wait3A_41] : memref<32768x768xf32, #tpu.memory_space<hbm>> -> memref<128x384xf32, #tpu.memory_space<hbm>>
    %dma_wait3A_43 = arith.constant 0 : i32
    %dma_wait3A_44 = tpu.memref_slice %arg4[%add3A_36, %dma_wait3A_43] : memref<32768x768xf32, #tpu.memory_space<hbm>> -> memref<128x384xf32, #tpu.memory_space<hbm>>
    tpu.wait_dma2 semaphore(%arg12 : memref<!tpu.dma_semaphore, #tpu.memory_space<semaphore_mem>>) src(%arg8 : memref<128x384xf32, #tpu.memory_space<vmem>>) dst(%dma_wait3A_44 : memref<128x384xf32, #tpu.memory_space<hbm>>)
    %add3A_45 = arith.constant 384 : i32
    %add3A_46 = arith.addi %mul3A_2, %add3A_45 : i32
    %dma_start3A_47 = arith.constant 0 : i32
    %dma_start3A_48 = tpu.memref_slice %arg2[%add3A_46, %dma_start3A_47] : memref<32768x384xf32, #tpu.memory_space<hbm>> -> memref<128x384xf32, #tpu.memory_space<hbm>>
    %dma_start3A_49 = arith.constant 0 : i32
    %dma_start3A_50 = tpu.memref_slice %arg2[%add3A_46, %dma_start3A_49] : memref<32768x384xf32, #tpu.memory_space<hbm>> -> memref<128x384xf32, #tpu.memory_space<hbm>>
    tpu.enqueue_dma source(%dma_start3A_50 : memref<128x384xf32, #tpu.memory_space<hbm>>) target(%arg8 : memref<128x384xf32, #tpu.memory_space<vmem>>) target_semaphore(%arg10 : memref<!tpu.dma_semaphore, #tpu.memory_space<semaphore_mem>>)
    %dma_wait3A_51 = arith.constant 0 : i32
    %dma_wait3A_52 = tpu.memref_slice %arg2[%add3A_26, %dma_wait3A_51] : memref<32768x384xf32, #tpu.memory_space<hbm>> -> memref<128x384xf32, #tpu.memory_space<hbm>>
    %dma_wait3A_53 = arith.constant 0 : i32
    %dma_wait3A_54 = tpu.memref_slice %arg2[%add3A_26, %dma_wait3A_53] : memref<32768x384xf32, #tpu.memory_space<hbm>> -> memref<128x384xf32, #tpu.memory_space<hbm>>
    tpu.wait_dma2 semaphore(%arg9 : memref<!tpu.dma_semaphore, #tpu.memory_space<semaphore_mem>>) src(%dma_wait3A_54 : memref<128x384xf32, #tpu.memory_space<hbm>>) dst(%arg7 : memref<128x384xf32, #tpu.memory_space<vmem>>)
    %add3A_55 = arith.constant 256 : i32
    %add3A_56 = arith.addi %mul3A_2, %add3A_55 : i32
    %dma_start3A_57 = arith.constant 0 : i32
    %dma_start3A_58 = tpu.memref_slice %arg4[%add3A_56, %dma_start3A_57] : memref<32768x768xf32, #tpu.memory_space<hbm>> -> memref<128x384xf32, #tpu.memory_space<hbm>>
    %dma_start3A_59 = arith.constant 0 : i32
    %dma_start3A_60 = tpu.memref_slice %arg4[%add3A_56, %dma_start3A_59] : memref<32768x768xf32, #tpu.memory_space<hbm>> -> memref<128x384xf32, #tpu.memory_space<hbm>>
    tpu.enqueue_dma source(%arg7 : memref<128x384xf32, #tpu.memory_space<vmem>>) target(%dma_start3A_60 : memref<128x384xf32, #tpu.memory_space<hbm>>) target_semaphore(%arg11 : memref<!tpu.dma_semaphore, #tpu.memory_space<semaphore_mem>>)
    %dma_wait3A_61 = arith.constant 0 : i32
    %dma_wait3A_62 = tpu.memref_slice %arg4[%add3A_56, %dma_wait3A_61] : memref<32768x768xf32, #tpu.memory_space<hbm>> -> memref<128x384xf32, #tpu.memory_space<hbm>>
    %dma_wait3A_63 = arith.constant 0 : i32
    %dma_wait3A_64 = tpu.memref_slice %arg4[%add3A_56, %dma_wait3A_63] : memref<32768x768xf32, #tpu.memory_space<hbm>> -> memref<128x384xf32, #tpu.memory_space<hbm>>
    tpu.wait_dma2 semaphore(%arg11 : memref<!tpu.dma_semaphore, #tpu.memory_space<semaphore_mem>>) src(%arg7 : memref<128x384xf32, #tpu.memory_space<vmem>>) dst(%dma_wait3A_64 : memref<128x384xf32, #tpu.memory_space<hbm>>)
    %add3A_65 = arith.constant 512 : i32
    %add3A_66 = arith.addi %mul3A_2, %add3A_65 : i32
    %dma_start3A_67 = arith.constant 0 : i32
    %dma_start3A_68 = tpu.memref_slice %arg2[%add3A_66, %dma_start3A_67] : memref<32768x384xf32, #tpu.memory_space<hbm>> -> memref<128x384xf32, #tpu.memory_space<hbm>>
    %dma_start3A_69 = arith.constant 0 : i32
    %dma_start3A_70 = tpu.memref_slice %arg2[%add3A_66, %dma_start3A_69] : memref<32768x384xf32, #tpu.memory_space<hbm>> -> memref<128x384xf32, #tpu.memory_space<hbm>>
    tpu.enqueue_dma source(%dma_start3A_70 : memref<128x384xf32, #tpu.memory_space<hbm>>) target(%arg7 : memref<128x384xf32, #tpu.memory_space<vmem>>) target_semaphore(%arg9 : memref<!tpu.dma_semaphore, #tpu.memory_space<semaphore_mem>>)
    %dma_wait3A_71 = arith.constant 0 : i32
    %dma_wait3A_72 = tpu.memref_slice %arg2[%add3A_46, %dma_wait3A_71] : memref<32768x384xf32, #tpu.memory_space<hbm>> -> memref<128x384xf32, #tpu.memory_space<hbm>>
    %dma_wait3A_73 = arith.constant 0 : i32
    %dma_wait3A_74 = tpu.memref_slice %arg2[%add3A_46, %dma_wait3A_73] : memref<32768x384xf32, #tpu.memory_space<hbm>> -> memref<128x384xf32, #tpu.memory_space<hbm>>
    tpu.wait_dma2 semaphore(%arg10 : memref<!tpu.dma_semaphore, #tpu.memory_space<semaphore_mem>>) src(%dma_wait3A_74 : memref<128x384xf32, #tpu.memory_space<hbm>>) dst(%arg8 : memref<128x384xf32, #tpu.memory_space<vmem>>)
    %add3A_75 = arith.constant 384 : i32
    %add3A_76 = arith.addi %mul3A_2, %add3A_75 : i32
    %dma_start3A_77 = arith.constant 0 : i32
    %dma_start3A_78 = tpu.memref_slice %arg4[%add3A_76, %dma_start3A_77] : memref<32768x768xf32, #tpu.memory_space<hbm>> -> memref<128x384xf32, #tpu.memory_space<hbm>>
    %dma_start3A_79 = arith.constant 0 : i32
    %dma_start3A_80 = tpu.memref_slice %arg4[%add3A_76, %dma_start3A_79] : memref<32768x768xf32, #tpu.memory_space<hbm>> -> memref<128x384xf32, #tpu.memory_space<hbm>>
    tpu.enqueue_dma source(%arg8 : memref<128x384xf32, #tpu.memory_space<vmem>>) target(%dma_start3A_80 : memref<128x384xf32, #tpu.memory_space<hbm>>) target_semaphore(%arg12 : memref<!tpu.dma_semaphore, #tpu.memory_space<semaphore_mem>>)
    %dma_wait3A_81 = arith.constant 0 : i32
    %dma_wait3A_82 = tpu.memref_slice %arg4[%add3A_76, %dma_wait3A_81] : memref<32768x768xf32, #tpu.memory_space<hbm>> -> memref<128x384xf32, #tpu.memory_space<hbm>>
    %dma_wait3A_83 = arith.constant 0 : i32
    %dma_wait3A_84 = tpu.memref_slice %arg4[%add3A_76, %dma_wait3A_83] : memref<32768x768xf32, #tpu.memory_space<hbm>> -> memref<128x384xf32, #tpu.memory_space<hbm>>
    tpu.wait_dma2 semaphore(%arg12 : memref<!tpu.dma_semaphore, #tpu.memory_space<semaphore_mem>>) src(%arg8 : memref<128x384xf32, #tpu.memory_space<vmem>>) dst(%dma_wait3A_84 : memref<128x384xf32, #tpu.memory_space<hbm>>)
    %add3A_85 = arith.constant 640 : i32
    %add3A_86 = arith.addi %mul3A_2, %add3A_85 : i32
    %dma_start3A_87 = arith.constant 0 : i32
    %dma_start3A_88 = tpu.memref_slice %arg2[%add3A_86, %dma_start3A_87] : memref<32768x384xf32, #tpu.memory_space<hbm>> -> memref<128x384xf32, #tpu.memory_space<hbm>>
    %dma_start3A_89 = arith.constant 0 : i32
    %dma_start3A_90 = tpu.memref_slice %arg2[%add3A_86, %dma_start3A_89] : memref<32768x384xf32, #tpu.memory_space<hbm>> -> memref<128x384xf32, #tpu.memory_space<hbm>>
    tpu.enqueue_dma source(%dma_start3A_90 : memref<128x384xf32, #tpu.memory_space<hbm>>) target(%arg8 : memref<128x384xf32, #tpu.memory_space<vmem>>) target_semaphore(%arg10 : memref<!tpu.dma_semaphore, #tpu.memory_space<semaphore_mem>>)
    %dma_wait3A_91 = arith.constant 0 : i32
    %dma_wait3A_92 = tpu.memref_slice %arg2[%add3A_66, %dma_wait3A_91] : memref<32768x384xf32, #tpu.memory_space<hbm>> -> memref<128x384xf32, #tpu.memory_space<hbm>>
    %dma_wait3A_93 = arith.constant 0 : i32
    %dma_wait3A_94 = tpu.memref_slice %arg2[%add3A_66, %dma_wait3A_93] : memref<32768x384xf32, #tpu.memory_space<hbm>> -> memref<128x384xf32, #tpu.memory_space<hbm>>
    tpu.wait_dma2 semaphore(%arg9 : memref<!tpu.dma_semaphore, #tpu.memory_space<semaphore_mem>>) src(%dma_wait3A_94 : memref<128x384xf32, #tpu.memory_space<hbm>>) dst(%arg7 : memref<128x384xf32, #tpu.memory_space<vmem>>)
    %add3A_95 = arith.constant 512 : i32
    %add3A_96 = arith.addi %mul3A_2, %add3A_95 : i32
    %dma_start3A_97 = arith.constant 0 : i32
    %dma_start3A_98 = tpu.memref_slice %arg4[%add3A_96, %dma_start3A_97] : memref<32768x768xf32, #tpu.memory_space<hbm>> -> memref<128x384xf32, #tpu.memory_space<hbm>>
    %dma_start3A_99 = arith.constant 0 : i32
    %dma_start3A_100 = tpu.memref_slice %arg4[%add3A_96, %dma_start3A_99] : memref<32768x768xf32, #tpu.memory_space<hbm>> -> memref<128x384xf32, #tpu.memory_space<hbm>>
    tpu.enqueue_dma source(%arg7 : memref<128x384xf32, #tpu.memory_space<vmem>>) target(%dma_start3A_100 : memref<128x384xf32, #tpu.memory_space<hbm>>) target_semaphore(%arg11 : memref<!tpu.dma_semaphore, #tpu.memory_space<semaphore_mem>>)
    %dma_wait3A_101 = arith.constant 0 : i32
    %dma_wait3A_102 = tpu.memref_slice %arg4[%add3A_96, %dma_wait3A_101] : memref<32768x768xf32, #tpu.memory_space<hbm>> -> memref<128x384xf32, #tpu.memory_space<hbm>>
    %dma_wait3A_103 = arith.constant 0 : i32
    %dma_wait3A_104 = tpu.memref_slice %arg4[%add3A_96, %dma_wait3A_103] : memref<32768x768xf32, #tpu.memory_space<hbm>> -> memref<128x384xf32, #tpu.memory_space<hbm>>
    tpu.wait_dma2 semaphore(%arg11 : memref<!tpu.dma_semaphore, #tpu.memory_space<semaphore_mem>>) src(%arg7 : memref<128x384xf32, #tpu.memory_space<vmem>>) dst(%dma_wait3A_104 : memref<128x384xf32, #tpu.memory_space<hbm>>)
    %add3A_105 = arith.constant 768 : i32
    %add3A_106 = arith.addi %mul3A_2, %add3A_105 : i32
    %dma_start3A_107 = arith.constant 0 : i32
    %dma_start3A_108 = tpu.memref_slice %arg2[%add3A_106, %dma_start3A_107] : memref<32768x384xf32, #tpu.memory_space<hbm>> -> memref<128x384xf32, #tpu.memory_space<hbm>>
    %dma_start3A_109 = arith.constant 0 : i32
    %dma_start3A_110 = tpu.memref_slice %arg2[%add3A_106, %dma_start3A_109] : memref<32768x384xf32, #tpu.memory_space<hbm>> -> memref<128x384xf32, #tpu.memory_space<hbm>>
    tpu.enqueue_dma source(%dma_start3A_110 : memref<128x384xf32, #tpu.memory_space<hbm>>) target(%arg7 : memref<128x384xf32, #tpu.memory_space<vmem>>) target_semaphore(%arg9 : memref<!tpu.dma_semaphore, #tpu.memory_space<semaphore_mem>>)
    %dma_wait3A_111 = arith.constant 0 : i32
    %dma_wait3A_112 = tpu.memref_slice %arg2[%add3A_86, %dma_wait3A_111] : memref<32768x384xf32, #tpu.memory_space<hbm>> -> memref<128x384xf32, #tpu.memory_space<hbm>>
    %dma_wait3A_113 = arith.constant 0 : i32
    %dma_wait3A_114 = tpu.memref_slice %arg2[%add3A_86, %dma_wait3A_113] : memref<32768x384xf32, #tpu.memory_space<hbm>> -> memref<128x384xf32, #tpu.memory_space<hbm>>
    tpu.wait_dma2 semaphore(%arg10 : memref<!tpu.dma_semaphore, #tpu.memory_space<semaphore_mem>>) src(%dma_wait3A_114 : memref<128x384xf32, #tpu.memory_space<hbm>>) dst(%arg8 : memref<128x384xf32, #tpu.memory_space<vmem>>)
    %add3A_115 = arith.constant 640 : i32
    %add3A_116 = arith.addi %mul3A_2, %add3A_115 : i32
    %dma_start3A_117 = arith.constant 0 : i32
    %dma_start3A_118 = tpu.memref_slice %arg4[%add3A_116, %dma_start3A_117] : memref<32768x768xf32, #tpu.memory_space<hbm>> -> memref<128x384xf32, #tpu.memory_space<hbm>>
    %dma_start3A_119 = arith.constant 0 : i32
    %dma_start3A_120 = tpu.memref_slice %arg4[%add3A_116, %dma_start3A_119] : memref<32768x768xf32, #tpu.memory_space<hbm>> -> memref<128x384xf32, #tpu.memory_space<hbm>>
    tpu.enqueue_dma source(%arg8 : memref<128x384xf32, #tpu.memory_space<vmem>>) target(%dma_start3A_120 : memref<128x384xf32, #tpu.memory_space<hbm>>) target_semaphore(%arg12 : memref<!tpu.dma_semaphore, #tpu.memory_space<semaphore_mem>>)
    %dma_wait3A_121 = arith.constant 0 : i32
    %dma_wait3A_122 = tpu.memref_slice %arg4[%add3A_116, %dma_wait3A_121] : memref<32768x768xf32, #tpu.memory_space<hbm>> -> memref<128x384xf32, #tpu.memory_space<hbm>>
    %dma_wait3A_123 = arith.constant 0 : i32
    %dma_wait3A_124 = tpu.memref_slice %arg4[%add3A_116, %dma_wait3A_123] : memref<32768x768xf32, #tpu.memory_space<hbm>> -> memref<128x384xf32, #tpu.memory_space<hbm>>
    tpu.wait_dma2 semaphore(%arg12 : memref<!tpu.dma_semaphore, #tpu.memory_space<semaphore_mem>>) src(%arg8 : memref<128x384xf32, #tpu.memory_space<vmem>>) dst(%dma_wait3A_124 : memref<128x384xf32, #tpu.memory_space<hbm>>)
    %add3A_125 = arith.constant 896 : i32
    %add3A_126 = arith.addi %mul3A_2, %add3A_125 : i32
    %dma_start3A_127 = arith.constant 0 : i32
    %dma_start3A_128 = tpu.memref_slice %arg2[%add3A_126, %dma_start3A_127] : memref<32768x384xf32, #tpu.memory_space<hbm>> -> memref<128x384xf32, #tpu.memory_space<hbm>>
    %dma_start3A_129 = arith.constant 0 : i32
    %dma_start3A_130 = tpu.memref_slice %arg2[%add3A_126, %dma_start3A_129] : memref<32768x384xf32, #tpu.memory_space<hbm>> -> memref<128x384xf32, #tpu.memory_space<hbm>>
    tpu.enqueue_dma source(%dma_start3A_130 : memref<128x384xf32, #tpu.memory_space<hbm>>) target(%arg8 : memref<128x384xf32, #tpu.memory_space<vmem>>) target_semaphore(%arg10 : memref<!tpu.dma_semaphore, #tpu.memory_space<semaphore_mem>>)
    %dma_wait3A_131 = arith.constant 0 : i32
    %dma_wait3A_132 = tpu.memref_slice %arg2[%add3A_106, %dma_wait3A_131] : memref<32768x384xf32, #tpu.memory_space<hbm>> -> memref<128x384xf32, #tpu.memory_space<hbm>>
    %dma_wait3A_133 = arith.constant 0 : i32
    %dma_wait3A_134 = tpu.memref_slice %arg2[%add3A_106, %dma_wait3A_133] : memref<32768x384xf32, #tpu.memory_space<hbm>> -> memref<128x384xf32, #tpu.memory_space<hbm>>
    tpu.wait_dma2 semaphore(%arg9 : memref<!tpu.dma_semaphore, #tpu.memory_space<semaphore_mem>>) src(%dma_wait3A_134 : memref<128x384xf32, #tpu.memory_space<hbm>>) dst(%arg7 : memref<128x384xf32, #tpu.memory_space<vmem>>)
    %add3A_135 = arith.constant 768 : i32
    %add3A_136 = arith.addi %mul3A_2, %add3A_135 : i32
    %dma_start3A_137 = arith.constant 0 : i32
    %dma_start3A_138 = tpu.memref_slice %arg4[%add3A_136, %dma_start3A_137] : memref<32768x768xf32, #tpu.memory_space<hbm>> -> memref<128x384xf32, #tpu.memory_space<hbm>>
    %dma_start3A_139 = arith.constant 0 : i32
    %dma_start3A_140 = tpu.memref_slice %arg4[%add3A_136, %dma_start3A_139] : memref<32768x768xf32, #tpu.memory_space<hbm>> -> memref<128x384xf32, #tpu.memory_space<hbm>>
    tpu.enqueue_dma source(%arg7 : memref<128x384xf32, #tpu.memory_space<vmem>>) target(%dma_start3A_140 : memref<128x384xf32, #tpu.memory_space<hbm>>) target_semaphore(%arg11 : memref<!tpu.dma_semaphore, #tpu.memory_space<semaphore_mem>>)
    %dma_wait3A_141 = arith.constant 0 : i32
    %dma_wait3A_142 = tpu.memref_slice %arg2[%add3A_126, %dma_wait3A_141] : memref<32768x384xf32, #tpu.memory_space<hbm>> -> memref<128x384xf32, #tpu.memory_space<hbm>>
    %dma_wait3A_143 = arith.constant 0 : i32
    %dma_wait3A_144 = tpu.memref_slice %arg2[%add3A_126, %dma_wait3A_143] : memref<32768x384xf32, #tpu.memory_space<hbm>> -> memref<128x384xf32, #tpu.memory_space<hbm>>
    tpu.wait_dma2 semaphore(%arg10 : memref<!tpu.dma_semaphore, #tpu.memory_space<semaphore_mem>>) src(%dma_wait3A_144 : memref<128x384xf32, #tpu.memory_space<hbm>>) dst(%arg8 : memref<128x384xf32, #tpu.memory_space<vmem>>)
    %add3A_145 = arith.constant 896 : i32
    %add3A_146 = arith.addi %mul3A_2, %add3A_145 : i32
    %dma_start3A_147 = arith.constant 0 : i32
    %dma_start3A_148 = tpu.memref_slice %arg4[%add3A_146, %dma_start3A_147] : memref<32768x768xf32, #tpu.memory_space<hbm>> -> memref<128x384xf32, #tpu.memory_space<hbm>>
    %dma_start3A_149 = arith.constant 0 : i32
    %dma_start3A_150 = tpu.memref_slice %arg4[%add3A_146, %dma_start3A_149] : memref<32768x768xf32, #tpu.memory_space<hbm>> -> memref<128x384xf32, #tpu.memory_space<hbm>>
    tpu.enqueue_dma source(%arg8 : memref<128x384xf32, #tpu.memory_space<vmem>>) target(%dma_start3A_150 : memref<128x384xf32, #tpu.memory_space<hbm>>) target_semaphore(%arg12 : memref<!tpu.dma_semaphore, #tpu.memory_space<semaphore_mem>>)
    %dma_wait3A_151 = arith.constant 0 : i32
    %dma_wait3A_152 = tpu.memref_slice %arg4[%add3A_136, %dma_wait3A_151] : memref<32768x768xf32, #tpu.memory_space<hbm>> -> memref<128x384xf32, #tpu.memory_space<hbm>>
    %dma_wait3A_153 = arith.constant 0 : i32
    %dma_wait3A_154 = tpu.memref_slice %arg4[%add3A_136, %dma_wait3A_153] : memref<32768x768xf32, #tpu.memory_space<hbm>> -> memref<128x384xf32, #tpu.memory_space<hbm>>
    tpu.wait_dma2 semaphore(%arg11 : memref<!tpu.dma_semaphore, #tpu.memory_space<semaphore_mem>>) src(%arg7 : memref<128x384xf32, #tpu.memory_space<vmem>>) dst(%dma_wait3A_154 : memref<128x384xf32, #tpu.memory_space<hbm>>)
    %dma_wait3A_155 = arith.constant 0 : i32
    %dma_wait3A_156 = tpu.memref_slice %arg4[%add3A_146, %dma_wait3A_155] : memref<32768x768xf32, #tpu.memory_space<hbm>> -> memref<128x384xf32, #tpu.memory_space<hbm>>
    %dma_wait3A_157 = arith.constant 0 : i32
    %dma_wait3A_158 = tpu.memref_slice %arg4[%add3A_146, %dma_wait3A_157] : memref<32768x768xf32, #tpu.memory_space<hbm>> -> memref<128x384xf32, #tpu.memory_space<hbm>>
    tpu.wait_dma2 semaphore(%arg12 : memref<!tpu.dma_semaphore, #tpu.memory_space<semaphore_mem>>) src(%arg8 : memref<128x384xf32, #tpu.memory_space<vmem>>) dst(%dma_wait3A_158 : memref<128x384xf32, #tpu.memory_space<hbm>>)
    return
  }
}

</mosaic_0001>

<sc_bundles>
// kernel: kernel.3.cloned.1.call-start
scs
__scs_entry_jumppad:
0x0: {  	(pc) =	sbr.rel $0x88, $3  }
0x1: {  	(tag) =	ssettag $0x0;
	lr =	simm.s32 $0x1  }
0x2: {  	[smem:$0x3FA0] =	sst lr;
	_ =	strace $0xD0000000  }
0x3: {  	_ = 	snop  }
0x4: {  	_ = 	snop  }
0x5: {  	_ = 	snop  }
0x6: {  	_ = 	snop  }
0x7: {  	_ = 	snop  }
__scs_overlays_trampoline_lowered:
0x8: {  	[smem:$0x3FAF] =	sst s0  }
0x9: {  	[smem:$0x3FB0] =	sst s1  }
0xa: {  	[smem:$0x3FB1] =	sst s2  }
0xb: {  	[smem:$0x3FB2] =	sst s3  }
0xc: {  	[smem:$0x3FB3] =	sst s4  }
0xd: {  	[smem:$0x3FB4] =	sst s5  }
0xe: {  	[smem:$0x3FB5] =	sst s6  }
0xf: {  	[smem:$0x3FB6] =	sst s7  }
0x10: {  	[smem:$0x3FB7] =	sst s8  }
0x11: {  	[smem:$0x3FB8] =	sst s9;
	s0 =	simm.s32 @!p0 $0x0  }
0x12: {  	s1 =	sld [smem:$0x3F9E];
	s0 =	simm.s32 @p0 $0x1  }
0x13: {  	[smem:$0x3FB9] =	sst s0;
	s0 =	simm.s32 @!p1 $0x0  }
0x14: {  	s2 =	sld [smem:$0x3F9D];
	s0 =	simm.s32 @p1 $0x1  }
0x15: {  	[smem:$0x3FBA] =	sst s0;
	s0 =	simm.s32 @!p2 $0x0  }
0x16: {  	s3 =	sld [smem:$0x3FDB];
	s0 =	simm.s32 @p2 $0x1  }
0x17: {  	s4 =	simm.s32 $0x1BF5;
	[smem:$0x3FBC] =	sst s0  }
0x18: {  	s0 =	sld [smem:$0x3F9F];
	_ =	swait.ge [sflag:s4], $0x0  }
0x19: {  	s7 =	sld [smem:$0x3FA0]  }
0x1a: {  	s8 =	sadd.s32 $0xFFFFE003, lr  }
0x1b: {  	s9 =	sadd.s32 $0xFFFFFEF7, lr;
	s5 =	simm.s32 $0xFFFFFFFF;
	p2 =	slt.u32 s8, $0xFFFFF086  }
0x1c: {  	p1 =	slt.u32 s9, $0xF7A;
	s5 =	simm.s32 @!p2 $0x0  }
0x1d: {  	s5 =	simm.s32 @p1 $0x1;
	p0 =	seq.s32 s7, s2  }
0x1e: {  	s7 =	smul.u32 @!p0 $0xF7A, s2;
	p2 =	seq.s32 @!p0 s5, $0x0  }
0x1f: {  	s9 =	smul.u32 $0xF7A, s1;
	s8 =	simm.s32 @!p0 $0x1BF5;
	p2 =	por !p2, p0  }
0x20: {  	[sflag:s8] =	ssyncset.s32 @!p0 $0xFFFFF086;
	s6 =	sadd.s32 @!p0 s3, s7;
	s7 =	simm.s32 @!p0 $0x108  }
0x21: {  	s3 =	sadd.s32 s3, s9;
	s6 =	sadd.s32 @!p0 $0x88, s6;
	s7 =	simm.s32 @p2 $0x1082  }
0x22: {  	[simem:s7], [sflag:s8] =	dma.local @!p0 [hbm:s6], $0xF7A  }
0x23: {  	s9 =	sor.u32 $0xD0000000, s2;
	s6 =	simm.s32 $0x108;
	_ =	swait.ge @!p0 [sflag:s8], $0x0  }
0x24: {  	s3 =	sadd.s32 $0x88, s3;
	s6 =	simm.s32 @!p1 $0x1082;
	[sflag:s4] =	ssyncset.s32 $0xFFFFF086  }
0x25: {  	[simem:s6], [sflag:s4] =	dma.local [hbm:s3], $0xF7A  }
0x26: {  	[smem:$0x3FA0] =	sst s1;
	(tag) =	ssettag s2;
	_ =	strace s9  }
0x27: {  	s1 =	sld [smem:$0x3FB0]  }
0x28: {  	s2 =	sld [smem:$0x3FB1]  }
0x29: {  	s4 =	sld [smem:$0x3FB3]  }
0x2a: {  	p0 =	seq.s32 s5, $0x0;
	s5 =	sld [smem:$0x3FB4]  }
0x2b: {  	s6 =	sld [smem:$0x3FB5]  }
0x2c: {  	s7 =	sld [smem:$0x3FB6]  }
0x2d: {  	s3 =	simm.s32 $0x108;
	s8 =	sld [smem:$0x3FB7]  }
0x2e: {  	s3 =	simm.s32 @!p0 $0x1082;
	s9 =	sld [smem:$0x3FB8]  }
0x2f: {  	lr =	sadd.s32 s0, s3;
	s0 =	sld [smem:$0x3FAF]  }
0x30: {  	s3 =	sld [smem:$0x3FB2]  }
0x31: {  	[smem:$0x3FBB] =	sst s10  }
0x32: {  	s10 =	sld [smem:$0x3FB9];
	_ =	sdelay $0x3  }
0x33: {  	p0 =	seq.s32 s10, $0x1;
	s10 =	sld [smem:$0x3FBB];
	_ =	sdelay $0x3  }
0x34: {  	[smem:$0x3FBB] =	sst s10  }
0x35: {  	s10 =	sld [smem:$0x3FBA];
	_ =	sdelay $0x3  }
0x36: {  	p1 =	seq.s32 s10, $0x1;
	s10 =	sld [smem:$0x3FBB];
	_ =	sdelay $0x3  }
0x37: {  	[smem:$0x3FBB] =	sst s10  }
0x38: {  	s10 =	sld [smem:$0x3FBC]  }
0x39: {  	_ = 	snop;
	(pc) =	sbr.ind lr, $3  }
0x3a: {  	_ = 	snop  }
0x3b: {  	_ = 	snop  }
0x3c: {  	p2 =	seq.s32 s10, $0x1;
	s10 =	sld [smem:$0x3FBB]  }
0x3d: {  	_ =	shalt  }
0x3e: {  	_ =	shalt  }
0x3f: {  	_ =	shalt  }
0x40: {  	_ =	shalt  }
0x41: {  	_ =	shalt  }
0x42: {  	_ =	shalt  }
0x43: {  	_ =	shalt  }
0x44: {  	_ =	shalt  }
0x45: {  	_ =	shalt  }
0x46: {  	_ =	shalt  }
0x47: {  	_ =	shalt  }
0x48: {  	_ =	shalt  }
0x49: {  	_ =	shalt  }
0x4a: {  	_ =	shalt  }
0x4b: {  	_ =	shalt  }
0x4c: {  	_ =	shalt  }
0x4d: {  	_ =	shalt  }
0x4e: {  	_ =	shalt  }
0x4f: {  	_ =	shalt  }
0x50: {  	_ =	shalt  }
0x51: {  	_ =	shalt  }
0x52: {  	_ =	shalt  }
0x53: {  	_ =	shalt  }
0x54: {  	_ =	shalt  }
0x55: {  	_ =	shalt  }
0x56: {  	_ =	shalt  }
0x57: {  	_ =	shalt  }
0x58: {  	_ =	shalt  }
0x59: {  	_ =	shalt  }
0x5a: {  	_ =	shalt  }
0x5b: {  	_ =	shalt  }
0x5c: {  	_ =	shalt  }
0x5d: {  	_ =	shalt  }
0x5e: {  	_ =	shalt  }
0x5f: {  	_ =	shalt  }
0x60: {  	_ =	shalt  }
0x61: {  	_ =	shalt  }
0x62: {  	_ =	shalt  }
0x63: {  	_ =	shalt  }
0x64: {  	_ =	shalt  }
0x65: {  	_ =	shalt  }
0x66: {  	_ =	shalt  }
0x67: {  	_ =	shalt  }
0x68: {  	_ =	shalt  }
0x69: {  	_ =	shalt  }
0x6a: {  	_ =	shalt  }
0x6b: {  	_ =	shalt  }
0x6c: {  	_ =	shalt  }
0x6d: {  	_ =	shalt  }
0x6e: {  	_ =	shalt  }
0x6f: {  	_ =	shalt  }
0x70: {  	_ =	shalt  }
0x71: {  	_ =	shalt  }
0x72: {  	_ =	shalt  }
0x73: {  	_ =	shalt  }
0x74: {  	_ =	shalt  }
0x75: {  	_ =	shalt  }
0x76: {  	_ =	shalt  }
0x77: {  	_ =	shalt  }
0x78: {  	_ =	shalt  }
0x79: {  	_ =	shalt  }
0x7a: {  	_ =	shalt  }
0x7b: {  	_ =	shalt  }
0x7c: {  	_ =	shalt  }
0x7d: {  	_ =	shalt  }
0x7e: {  	_ =	shalt  }
0x7f: {  	_ =	shalt  }
0x80: {  	_ =	shalt  }
0x81: {  	_ =	shalt  }
0x82: {  	_ =	shalt  }
0x83: {  	_ =	shalt  }
0x84: {  	_ =	shalt  }
0x85: {  	_ =	shalt  }
0x86: {  	_ =	shalt  }
0x87: {  	_ =	shalt  }
.Lfunc_end0:
.L_simem_size_0:
called_computation_lowered:
.L_overlay_start_0:
0x88: {  	s1 =	sld [smem:$0x3FD9]  }
0x89: {  	s3 =	sld [smem:$0x3FFE];
	_ =	sdelay $0x1  }
0x8a: {  	s2 =	srdreg.scid  }
0x8b: {  	s0 =	sand.u32 $0x1, s2  }
0x8c: {  	s17 =	sshll.u32 s0, $0xA;
	s1 =	sadd.s32 s3, s1  }
0x8d: {  	s1 =	sadd.s32 s1, s17  }
0x8e: {  	[smem:$0x3FC7] =	sst s1  }
0x8f: {  	_ = 	snop  }
0x90: {  	s1 =	simm.s32 $0x0;
	s18 =	sld [smem:$0x3FC9]  }
0x91: {  	[smem:$0xF] =	sst s1  }
0x92: {  	s8 =	sld [smem:$0x3FD0];
	(tm) =	ssettm $0x1  }
0x93: {  	s4 =	sld [smem:$0x3FFB];
	_ =	sdelay $0x3  }
0x94: {  	_ =	strace s4  }
0x95: {  	s4 =	sld [smem:$0x3FFC];
	_ =	sdelay $0x3  }
0x96: {  	_ =	strace s4  }
0x97: {  	s4 =	sld [smem:$0x3FFD];
	_ =	sdelay $0x3  }
0x98: {  	_ =	strace s4  }
0x99: {  	_ =	strace $0x8FFFFFFF  }
0x9a: {  	s19 =	sld [smem:$0x3FDB];
	_ =	sdelay $0x2  }
0x9b: {  	s5 =	simm.s32 $_scs_section_size;
	s6 =	simm.s32 $_tile_overlayer_lowered  }
0x9c: {  	s20 =	simm.s32 $_size__tile_overlayer_lowered;
	s6 =	sshll.u32 s6, $0x1;
	s4 =	sadd.s32 s5, s19  }
0x9d: {  	s7 =	simm.s32 $0x1BFF;
	s5 =	sshll.u32 s20, $0x1;
	s6 =	sadd.s32 s6, s4  }
0x9e: {  	[timem:s1], [sflag:s7] =	dma.local [hbm:s6], s5  }
0x9f: {  	_ =	swait.ge [sflag:s7], s5  }
0xa0: {  	s5 =	ssub.s32 $0x0, s5;
	[sflag:s7] =	ssyncset.done $0x0  }
0xa1: {  	[sflag:s7] =	ssyncadd.s32 s5;
	_ =	sdelay $0x1  }
0xa2: {  	s21 =	simm.s32 $0x1B8B  }
0xa3: {  	_ =	swait.ge [sflag:s21], $0x1  }
0xa4: {  	s23 =	simm.s32 $0x1B8E;
	[sflag:s21] =	ssyncset.done $0x0  }
0xa5: {  	s24 =	simm.s32 $execute0_lowered;
	s22 =	sld [smem:$0x3FFE];
	[sflag:s21] =	ssyncadd.s32 $0xFFFFFFFF  }
0xa6: {  	s25 =	simm.s32 $_size_execute0_lowered;
	s28 =	smul.u32 $0x180000, s0;
	[smem:$0x3FD2] =	sst s23  }
0xa7: {  	s6 =	sshll.u32 s24, $0x1;
	_ =	strace $0x80000046;
	[dreg:$0x1] =	wrdreg $0xFFFFFFFF  }
0xa8: {  	s3 =	simm.s32 $0xA;
	s4 =	sadd.s32 s4, s6;
	[dreg:$0x0] =	wrdreg $0x0  }
0xa9: {  	s6 =	sshll.u32 s25, $0x1;
	s7 =	sadd.s32 s28, s8;
	[dreg:$0x2] =	wrdreg s4  }
0xaa: {  	s5 =	simm.s32 $0x300;
	s9 =	sadd.s32 $0x180, s7;
	[dreg:$0x3] =	wrdreg s6  }
0xab: {  	s29 =	sadd.s32 $0x3180, s7;
	s30 =	sadd.s32 $0x6180, s7;
	[dreg:$0x4] =	wrdreg $0xC0  }
0xac: {  	s31 =	sadd.s32 $0x9180, s7;
	s10 =	sadd.s32 $0xC180, s7;
	_ =	task [dreg:s1], $0x5FFFF  }
0xad: {  	s11 =	sadd.s32 $0xF180, s7;
	s12 =	sadd.s32 $0x12180, s7;
	[dreg:$0x1] =	wrdreg $0xFFFFFFFF  }
0xae: {  	s13 =	sadd.s32 $0x15180, s7;
	s14 =	sadd.s32 $0x18180, s7;
	[dreg:$0x0] =	wrdreg $0x60  }
0xaf: {  	s15 =	sadd.s32 $0x1B180, s7;
	s16 =	sadd.s32 $0x1E180, s7;
	[dreg:$0x2] =	wrdreg s18  }
0xb0: {  	s17 =	sadd.s32 $0x21180, s7;
	s19 =	sadd.s32 $0x27180, s7;
	[dreg:$0x3] =	wrdreg s8  }
0xb1: {  	s20 =	sadd.s32 $0x2A180, s7;
	s24 =	sadd.s32 $0x36180, s7;
	[dreg:$0x4] =	wrdreg $0x9  }
0xb2: {  	s25 =	sadd.s32 $0x39180, s7;
	s26 =	sadd.s32 $0x400, s22;
	_ =	task.clear_ibuf [dreg:s1], $0x5FFFF  }
0xb3: {  	[spmem:s1], [sflag:s3] =	dma.local [hbm:s26], $0x1800  }
0xb4: {  	s28 =	sadd.s32 $0x3F180, s7;
	s21 =	sadd.s32 $0x2D180, s7;
	_ =	swait.ge [sflag:s3], $0x1800  }
0xb5: {  	s23 =	sadd.s32 $0x33180, s7;
	s22 =	sadd.s32 $0x30180, s7;
	[sflag:s3] =	ssyncset.done $0x0  }
0xb6: {  	s4 =	simm.s32 $0x18;
	s6 =	simm.s32 $0x180;
	[sflag:s3] =	ssyncadd.s32 $0xFFFFE800  }
0xb7: {  	[hbm:s9@s5], [sflag:s3] =	dma.strided [spmem:s1@s6], $0x1800, s4, $0x10   }
0xb8: {  	[hbm:s29@s5], [sflag:s3] =	dma.strided [spmem:s1@s6], $0x1800, s4, $0x10   }
0xb9: {  	s18 =	sadd.s32 $0x24180, s7;
	s26 =	sadd.s32 $0x3C180, s7;
	s29 =	sadd.s32 $0x42180, s7  }
0xba: {  	[hbm:s30@s5], [sflag:s3] =	dma.strided [spmem:s1@s6], $0x1800, s4, $0x10   }
0xbb: {  	[hbm:s31@s5], [sflag:s3] =	dma.strided [spmem:s1@s6], $0x1800, s4, $0x10   }
0xbc: {  	[hbm:s10@s5], [sflag:s3] =	dma.strided [spmem:s1@s6], $0x1800, s4, $0x10   }
0xbd: {  	s30 =	sadd.s32 $0x45180, s7;
	s31 =	sadd.s32 $0x48180, s7;
	s10 =	sadd.s32 $0x4B180, s7  }
0xbe: {  	[hbm:s11@s5], [sflag:s3] =	dma.strided [spmem:s1@s6], $0x1800, s4, $0x10   }
0xbf: {  	[hbm:s12@s5], [sflag:s3] =	dma.strided [spmem:s1@s6], $0x1800, s4, $0x10   }
0xc0: {  	[hbm:s13@s5], [sflag:s3] =	dma.strided [spmem:s1@s6], $0x1800, s4, $0x10   }
0xc1: {  	s11 =	sadd.s32 $0x4E180, s7;
	s12 =	sadd.s32 $0x51180, s7;
	s13 =	sadd.s32 $0x54180, s7  }
0xc2: {  	[hbm:s14@s5], [sflag:s3] =	dma.strided [spmem:s1@s6], $0x1800, s4, $0x10   }
0xc3: {  	[hbm:s15@s5], [sflag:s3] =	dma.strided [spmem:s1@s6], $0x1800, s4, $0x10   }
0xc4: {  	[hbm:s16@s5], [sflag:s3] =	dma.strided [spmem:s1@s6], $0x1800, s4, $0x10   }
0xc5: {  	s14 =	sadd.s32 $0x57180, s7;
	s15 =	sadd.s32 $0x5A180, s7;
	s16 =	sadd.s32 $0x5D180, s7  }
0xc6: {  	[hbm:s17@s5], [sflag:s3] =	dma.strided [spmem:s1@s6], $0x1800, s4, $0x10   }
0xc7: {  	[hbm:s18@s5], [sflag:s3] =	dma.strided [spmem:s1@s6], $0x1800, s4, $0x10   }
0xc8: {  	[hbm:s19@s5], [sflag:s3] =	dma.strided [spmem:s1@s6], $0x1800, s4, $0x10   }
0xc9: {  	s17 =	sadd.s32 $0x60180, s7;
	s18 =	sadd.s32 $0x63180, s7;
	s19 =	sadd.s32 $0x66180, s7  }
0xca: {  	[hbm:s20@s5], [sflag:s3] =	dma.strided [spmem:s1@s6], $0x1800, s4, $0x10   }
0xcb: {  	[hbm:s21@s5], [sflag:s3] =	dma.strided [spmem:s1@s6], $0x1800, s4, $0x10   }
0xcc: {  	[hbm:s22@s5], [sflag:s3] =	dma.strided [spmem:s1@s6], $0x1800, s4, $0x10   }
0xcd: {  	s20 =	sadd.s32 $0x69180, s7;
	s21 =	sadd.s32 $0x6C180, s7;
	s22 =	sadd.s32 $0x6F180, s7  }
0xce: {  	[hbm:s23@s5], [sflag:s3] =	dma.strided [spmem:s1@s6], $0x1800, s4, $0x10   }
0xcf: {  	[hbm:s24@s5], [sflag:s3] =	dma.strided [spmem:s1@s6], $0x1800, s4, $0x10   }
0xd0: {  	[hbm:s25@s5], [sflag:s3] =	dma.strided [spmem:s1@s6], $0x1800, s4, $0x10   }
0xd1: {  	[hbm:s26@s5], [sflag:s3] =	dma.strided [spmem:s1@s6], $0x1800, s4, $0x10   }
0xd2: {  	[hbm:s28@s5], [sflag:s3] =	dma.strided [spmem:s1@s6], $0x1800, s4, $0x10   }
0xd3: {  	[hbm:s29@s5], [sflag:s3] =	dma.strided [spmem:s1@s6], $0x1800, s4, $0x10   }
0xd4: {  	[hbm:s30@s5], [sflag:s3] =	dma.strided [spmem:s1@s6], $0x1800, s4, $0x10   }
0xd5: {  	[hbm:s31@s5], [sflag:s3] =	dma.strided [spmem:s1@s6], $0x1800, s4, $0x10   }
0xd6: {  	[hbm:s10@s5], [sflag:s3] =	dma.strided [spmem:s1@s6], $0x1800, s4, $0x10   }
0xd7: {  	s23 =	sadd.s32 $0x72180, s7;
	s24 =	sadd.s32 $0x75180, s7;
	s10 =	smul.u32 $0xC00000, s0  }
0xd8: {  	[hbm:s11@s5], [sflag:s3] =	dma.strided [spmem:s1@s6], $0x1800, s4, $0x10   }
0xd9: {  	[hbm:s12@s5], [sflag:s3] =	dma.strided [spmem:s1@s6], $0x1800, s4, $0x10   }
0xda: {  	s25 =	sadd.s32 $0x78180, s7;
	s26 =	sadd.s32 $0x7B180, s7;
	s29 =	sshrl.u32 s10, $0x3  }
0xdb: {  	[hbm:s13@s5], [sflag:s3] =	dma.strided [spmem:s1@s6], $0x1800, s4, $0x10   }
0xdc: {  	s28 =	sadd.s32 $0x7E180, s7;
	s12 =	sadd.s32 $0x90180, s7;
	s8 =	sadd.s32 s8, s29  }
0xdd: {  	[hbm:s14@s5], [sflag:s3] =	dma.strided [spmem:s1@s6], $0x1800, s4, $0x10   }
0xde: {  	s29 =	sadd.s32 $0xC0180, s7;
	s9 =	sadd.s32 $0x81180, s8;
	s30 =	sadd.s32 $0x84180, s8  }
0xdf: {  	s31 =	sadd.s32 $0x87180, s8;
	s10 =	sadd.s32 $0x8A180, s8;
	s11 =	sadd.s32 $0x8D180, s8  }
0xe0: {  	[hbm:s15@s5], [sflag:s3] =	dma.strided [spmem:s1@s6], $0x1800, s4, $0x10   }
0xe1: {  	s13 =	sadd.s32 $0x93180, s8;
	s14 =	sadd.s32 $0x96180, s8;
	s15 =	sadd.s32 $0x99180, s8  }
0xe2: {  	[hbm:s16@s5], [sflag:s3] =	dma.strided [spmem:s1@s6], $0x1800, s4, $0x10   }
0xe3: {  	[hbm:s17@s5], [sflag:s3] =	dma.strided [spmem:s1@s6], $0x1800, s4, $0x10   }
0xe4: {  	[hbm:s18@s5], [sflag:s3] =	dma.strided [spmem:s1@s6], $0x1800, s4, $0x10   }
0xe5: {  	s16 =	sadd.s32 $0x9C180, s8;
	s17 =	sadd.s32 $0x9F180, s8;
	s18 =	sadd.s32 $0xA2180, s8  }
0xe6: {  	[hbm:s19@s5], [sflag:s3] =	dma.strided [spmem:s1@s6], $0x1800, s4, $0x10   }
0xe7: {  	[hbm:s20@s5], [sflag:s3] =	dma.strided [spmem:s1@s6], $0x1800, s4, $0x10   }
0xe8: {  	[hbm:s21@s5], [sflag:s3] =	dma.strided [spmem:s1@s6], $0x1800, s4, $0x10   }
0xe9: {  	s19 =	sadd.s32 $0xA5180, s8;
	s20 =	sadd.s32 $0xA8180, s7;
	s21 =	sadd.s32 $0xAB180, s8  }
0xea: {  	[hbm:s22@s5], [sflag:s3] =	dma.strided [spmem:s1@s6], $0x1800, s4, $0x10   }
0xeb: {  	[hbm:s23@s5], [sflag:s3] =	dma.strided [spmem:s1@s6], $0x1800, s4, $0x10   }
0xec: {  	[hbm:s24@s5], [sflag:s3] =	dma.strided [spmem:s1@s6], $0x1800, s4, $0x10   }
0xed: {  	s22 =	sadd.s32 $0xAE180, s8;
	s23 =	sadd.s32 $0xB1180, s8;
	s24 =	sadd.s32 $0xB4180, s8  }
0xee: {  	[hbm:s25@s5], [sflag:s3] =	dma.strided [spmem:s1@s6], $0x1800, s4, $0x10   }
0xef: {  	[hbm:s26@s5], [sflag:s3] =	dma.strided [spmem:s1@s6], $0x1800, s4, $0x10   }
0xf0: {  	[hbm:s28@s5], [sflag:s3] =	dma.strided [spmem:s1@s6], $0x1800, s4, $0x10   }
0xf1: {  	s25 =	sadd.s32 $0xB7180, s8;
	s26 =	sadd.s32 $0xBA180, s8;
	s28 =	sadd.s32 $0xBD180, s8  }
0xf2: {  	[hbm:s9@s5], [sflag:s3] =	dma.strided [spmem:s1@s6], $0x1800, s4, $0x10   }
0xf3: {  	[hbm:s30@s5], [sflag:s3] =	dma.strided [spmem:s1@s6], $0x1800, s4, $0x10   }
0xf4: {  	[hbm:s31@s5], [sflag:s3] =	dma.strided [spmem:s1@s6], $0x1800, s4, $0x10   }
0xf5: {  	[hbm:s10@s5], [sflag:s3] =	dma.strided [spmem:s1@s6], $0x1800, s4, $0x10   }
0xf6: {  	s30 =	sadd.s32 $0xC3180, s8;
	s31 =	sadd.s32 $0xC6180, s8;
	s10 =	sadd.s32 $0xC9180, s8  }
0xf7: {  	[hbm:s11@s5], [sflag:s3] =	dma.strided [spmem:s1@s6], $0x1800, s4, $0x10   }
0xf8: {  	[hbm:s12@s5], [sflag:s3] =	dma.strided [spmem:s1@s6], $0x1800, s4, $0x10   }
0xf9: {  	[hbm:s13@s5], [sflag:s3] =	dma.strided [spmem:s1@s6], $0x1800, s4, $0x10   }
0xfa: {  	s11 =	sadd.s32 $0xCC180, s8;
	s12 =	sadd.s32 $0xCF180, s8;
	s13 =	sadd.s32 $0xD2180, s8  }
0xfb: {  	[hbm:s14@s5], [sflag:s3] =	dma.strided [spmem:s1@s6], $0x1800, s4, $0x10   }
0xfc: {  	[hbm:s15@s5], [sflag:s3] =	dma.strided [spmem:s1@s6], $0x1800, s4, $0x10   }
0xfd: {  	[hbm:s16@s5], [sflag:s3] =	dma.strided [spmem:s1@s6], $0x1800, s4, $0x10   }
0xfe: {  	s14 =	sadd.s32 $0xD5180, s8;
	s15 =	sadd.s32 $0xD8180, s7;
	s16 =	sadd.s32 $0xDB180, s8  }
0xff: {  	[hbm:s17@s5], [sflag:s3] =	dma.strided [spmem:s1@s6], $0x1800, s4, $0x10   }
0x100: {  	[hbm:s18@s5], [sflag:s3] =	dma.strided [spmem:s1@s6], $0x1800, s4, $0x10   }
0x101: {  	[hbm:s19@s5], [sflag:s3] =	dma.strided [spmem:s1@s6], $0x1800, s4, $0x10   }
0x102: {  	s17 =	sadd.s32 $0xDE180, s8;
	s18 =	sadd.s32 $0xE1180, s8;
	s19 =	sadd.s32 $0xE4180, s8  }
0x103: {  	[hbm:s20@s5], [sflag:s3] =	dma.strided [spmem:s1@s6], $0x1800, s4, $0x10   }
0x104: {  	[hbm:s21@s5], [sflag:s3] =	dma.strided [spmem:s1@s6], $0x1800, s4, $0x10   }
0x105: {  	[hbm:s22@s5], [sflag:s3] =	dma.strided [spmem:s1@s6], $0x1800, s4, $0x10   }
0x106: {  	s20 =	sadd.s32 $0xE7180, s8;
	s21 =	sadd.s32 $0xEA180, s8;
	s22 =	sadd.s32 $0xED180, s8  }
0x107: {  	[hbm:s23@s5], [sflag:s3] =	dma.strided [spmem:s1@s6], $0x1800, s4, $0x10   }
0x108: {  	[hbm:s24@s5], [sflag:s3] =	dma.strided [spmem:s1@s6], $0x1800, s4, $0x10   }
0x109: {  	[hbm:s25@s5], [sflag:s3] =	dma.strided [spmem:s1@s6], $0x1800, s4, $0x10   }
0x10a: {  	s23 =	sadd.s32 $0xF0180, s7;
	s24 =	sadd.s32 $0xF3180, s8;
	s25 =	sadd.s32 $0xF6180, s8  }
0x10b: {  	[hbm:s26@s5], [sflag:s3] =	dma.strided [spmem:s1@s6], $0x1800, s4, $0x10   }
0x10c: {  	[hbm:s28@s5], [sflag:s3] =	dma.strided [spmem:s1@s6], $0x1800, s4, $0x10   }
0x10d: {  	[hbm:s29@s5], [sflag:s3] =	dma.strided [spmem:s1@s6], $0x1800, s4, $0x10   }
0x10e: {  	s26 =	sadd.s32 $0xF9180, s8;
	s28 =	sadd.s32 $0xFC180, s8;
	s29 =	sadd.s32 $0xFF180, s8  }
0x10f: {  	[hbm:s30@s5], [sflag:s3] =	dma.strided [spmem:s1@s6], $0x1800, s4, $0x10   }
0x110: {  	[hbm:s31@s5], [sflag:s3] =	dma.strided [spmem:s1@s6], $0x1800, s4, $0x10   }
0x111: {  	s30 =	sadd.s32 $0x102180, s8;
	s31 =	sadd.s32 $0x105180, s8  }
0x112: {  	[hbm:s10@s5], [sflag:s3] =	dma.strided [spmem:s1@s6], $0x1800, s4, $0x10   }
0x113: {  	[hbm:s11@s5], [sflag:s3] =	dma.strided [spmem:s1@s6], $0x1800, s4, $0x10   }
0x114: {  	s10 =	sadd.s32 $0x108180, s7;
	s11 =	sadd.s32 $0x10B180, s8  }
0x115: {  	[hbm:s12@s5], [sflag:s3] =	dma.strided [spmem:s1@s6], $0x1800, s4, $0x10   }
0x116: {  	[hbm:s13@s5], [sflag:s3] =	dma.strided [spmem:s1@s6], $0x1800, s4, $0x10   }
0x117: {  	s12 =	sadd.s32 $0x10E180, s8;
	s13 =	sadd.s32 $0x111180, s8  }
0x118: {  	[hbm:s14@s5], [sflag:s3] =	dma.strided [spmem:s1@s6], $0x1800, s4, $0x10   }
0x119: {  	[hbm:s15@s5], [sflag:s3] =	dma.strided [spmem:s1@s6], $0x1800, s4, $0x10   }
0x11a: {  	s14 =	sadd.s32 $0x114180, s8;
	s15 =	sadd.s32 $0x117180, s8  }
0x11b: {  	[hbm:s16@s5], [sflag:s3] =	dma.strided [spmem:s1@s6], $0x1800, s4, $0x10   }
0x11c: {  	[hbm:s17@s5], [sflag:s3] =	dma.strided [spmem:s1@s6], $0x1800, s4, $0x10   }
0x11d: {  	s16 =	sadd.s32 $0x11A180, s8;
	s17 =	sadd.s32 $0x11D180, s8  }
0x11e: {  	[hbm:s18@s5], [sflag:s3] =	dma.strided [spmem:s1@s6], $0x1800, s4, $0x10   }
0x11f: {  	[hbm:s19@s5], [sflag:s3] =	dma.strided [spmem:s1@s6], $0x1800, s4, $0x10   }
0x120: {  	s18 =	sadd.s32 $0x120180, s7;
	s19 =	sadd.s32 $0x123180, s8  }
0x121: {  	[hbm:s20@s5], [sflag:s3] =	dma.strided [spmem:s1@s6], $0x1800, s4, $0x10   }
0x122: {  	[hbm:s21@s5], [sflag:s3] =	dma.strided [spmem:s1@s6], $0x1800, s4, $0x10   }
0x123: {  	s20 =	sadd.s32 $0x126180, s8;
	s21 =	sadd.s32 $0x129180, s8  }
0x124: {  	[hbm:s22@s5], [sflag:s3] =	dma.strided [spmem:s1@s6], $0x1800, s4, $0x10   }
0x125: {  	[hbm:s23@s5], [sflag:s3] =	dma.strided [spmem:s1@s6], $0x1800, s4, $0x10   }
0x126: {  	s22 =	sadd.s32 $0x12C180, s8;
	s23 =	sadd.s32 $0x12F180, s8  }
0x127: {  	[hbm:s24@s5], [sflag:s3] =	dma.strided [spmem:s1@s6], $0x1800, s4, $0x10   }
0x128: {  	[hbm:s25@s5], [sflag:s3] =	dma.strided [spmem:s1@s6], $0x1800, s4, $0x10   }
0x129: {  	s24 =	sadd.s32 $0x132180, s8;
	s25 =	sadd.s32 $0x135180, s8  }
0x12a: {  	[hbm:s26@s5], [sflag:s3] =	dma.strided [spmem:s1@s6], $0x1800, s4, $0x10   }
0x12b: {  	[hbm:s28@s5], [sflag:s3] =	dma.strided [spmem:s1@s6], $0x1800, s4, $0x10   }
0x12c: {  	s26 =	sadd.s32 $0x138180, s7;
	s28 =	sadd.s32 $0x13B180, s8  }
0x12d: {  	[hbm:s29@s5], [sflag:s3] =	dma.strided [spmem:s1@s6], $0x1800, s4, $0x10   }
0x12e: {  	[hbm:s30@s5], [sflag:s3] =	dma.strided [spmem:s1@s6], $0x1800, s4, $0x10   }
0x12f: {  	s29 =	sadd.s32 $0x13E180, s8;
	s30 =	sadd.s32 $0x141180, s8  }
0x130: {  	[hbm:s31@s5], [sflag:s3] =	dma.strided [spmem:s1@s6], $0x1800, s4, $0x10   }
0x131: {  	[hbm:s10@s5], [sflag:s3] =	dma.strided [spmem:s1@s6], $0x1800, s4, $0x10   }
0x132: {  	s31 =	sadd.s32 $0x144180, s8;
	s10 =	sadd.s32 $0x147180, s8  }
0x133: {  	[hbm:s11@s5], [sflag:s3] =	dma.strided [spmem:s1@s6], $0x1800, s4, $0x10   }
0x134: {  	[hbm:s12@s5], [sflag:s3] =	dma.strided [spmem:s1@s6], $0x1800, s4, $0x10   }
0x135: {  	s11 =	sadd.s32 $0x14A180, s8;
	s12 =	sadd.s32 $0x14D180, s8  }
0x136: {  	[hbm:s13@s5], [sflag:s3] =	dma.strided [spmem:s1@s6], $0x1800, s4, $0x10   }
0x137: {  	s13 =	sadd.s32 $0x150180, s7;
	s7 =	sadd.s32 $0x168180, s7  }
0x138: {  	[hbm:s14@s5], [sflag:s3] =	dma.strided [spmem:s1@s6], $0x1800, s4, $0x10   }
0x139: {  	[hbm:s15@s5], [sflag:s3] =	dma.strided [spmem:s1@s6], $0x1800, s4, $0x10   }
0x13a: {  	s14 =	sadd.s32 $0x153180, s8;
	s15 =	sadd.s32 $0x156180, s8  }
0x13b: {  	[hbm:s16@s5], [sflag:s3] =	dma.strided [spmem:s1@s6], $0x1800, s4, $0x10   }
0x13c: {  	[hbm:s17@s5], [sflag:s3] =	dma.strided [spmem:s1@s6], $0x1800, s4, $0x10   }
0x13d: {  	s16 =	sadd.s32 $0x159180, s8;
	s17 =	sadd.s32 $0x15C180, s8  }
0x13e: {  	[hbm:s18@s5], [sflag:s3] =	dma.strided [spmem:s1@s6], $0x1800, s4, $0x10   }
0x13f: {  	[hbm:s19@s5], [sflag:s3] =	dma.strided [spmem:s1@s6], $0x1800, s4, $0x10   }
0x140: {  	s18 =	sadd.s32 $0x15F180, s8;
	s19 =	sadd.s32 $0x162180, s8  }
0x141: {  	[hbm:s20@s5], [sflag:s3] =	dma.strided [spmem:s1@s6], $0x1800, s4, $0x10   }
0x142: {  	[hbm:s21@s5], [sflag:s3] =	dma.strided [spmem:s1@s6], $0x1800, s4, $0x10   }
0x143: {  	s20 =	sadd.s32 $0x165180, s8;
	s21 =	sadd.s32 $0x16B180, s8  }
0x144: {  	[hbm:s22@s5], [sflag:s3] =	dma.strided [spmem:s1@s6], $0x1800, s4, $0x10   }
0x145: {  	[hbm:s23@s5], [sflag:s3] =	dma.strided [spmem:s1@s6], $0x1800, s4, $0x10   }
0x146: {  	s22 =	sadd.s32 $0x16E180, s8;
	s23 =	sadd.s32 $0x171180, s8  }
0x147: {  	[hbm:s24@s5], [sflag:s3] =	dma.strided [spmem:s1@s6], $0x1800, s4, $0x10   }
0x148: {  	[hbm:s25@s5], [sflag:s3] =	dma.strided [spmem:s1@s6], $0x1800, s4, $0x10   }
0x149: {  	s24 =	sadd.s32 $0x174180, s8;
	s25 =	sadd.s32 $0x177180, s8  }
0x14a: {  	[hbm:s26@s5], [sflag:s3] =	dma.strided [spmem:s1@s6], $0x1800, s4, $0x10   }
0x14b: {  	[hbm:s28@s5], [sflag:s3] =	dma.strided [spmem:s1@s6], $0x1800, s4, $0x10   }
0x14c: {  	s26 =	sadd.s32 $0x17A180, s8;
	s28 =	sadd.s32 $0x17D180, s8  }
0x14d: {  	[hbm:s29@s5], [sflag:s3] =	dma.strided [spmem:s1@s6], $0x1800, s4, $0x10   }
0x14e: {  	[hbm:s30@s5], [sflag:s3] =	dma.strided [spmem:s1@s6], $0x1800, s4, $0x10   }
0x14f: {  	[hbm:s31@s5], [sflag:s3] =	dma.strided [spmem:s1@s6], $0x1800, s4, $0x10   }
0x150: {  	[hbm:s10@s5], [sflag:s3] =	dma.strided [spmem:s1@s6], $0x1800, s4, $0x10   }
0x151: {  	[hbm:s11@s5], [sflag:s3] =	dma.strided [spmem:s1@s6], $0x1800, s4, $0x10   }
0x152: {  	[hbm:s12@s5], [sflag:s3] =	dma.strided [spmem:s1@s6], $0x1800, s4, $0x10   }
0x153: {  	[hbm:s13@s5], [sflag:s3] =	dma.strided [spmem:s1@s6], $0x1800, s4, $0x10   }
0x154: {  	[hbm:s14@s5], [sflag:s3] =	dma.strided [spmem:s1@s6], $0x1800, s4, $0x10   }
0x155: {  	[hbm:s15@s5], [sflag:s3] =	dma.strided [spmem:s1@s6], $0x1800, s4, $0x10   }
0x156: {  	[hbm:s16@s5], [sflag:s3] =	dma.strided [spmem:s1@s6], $0x1800, s4, $0x10   }
0x157: {  	[hbm:s17@s5], [sflag:s3] =	dma.strided [spmem:s1@s6], $0x1800, s4, $0x10   }
0x158: {  	[hbm:s18@s5], [sflag:s3] =	dma.strided [spmem:s1@s6], $0x1800, s4, $0x10   }
0x159: {  	[hbm:s19@s5], [sflag:s3] =	dma.strided [spmem:s1@s6], $0x1800, s4, $0x10   }
0x15a: {  	[hbm:s20@s5], [sflag:s3] =	dma.strided [spmem:s1@s6], $0x1800, s4, $0x10   }
0x15b: {  	[hbm:s7@s5], [sflag:s3] =	dma.strided [spmem:s1@s6], $0x1800, s4, $0x10   }
0x15c: {  	[hbm:s21@s5], [sflag:s3] =	dma.strided [spmem:s1@s6], $0x1800, s4, $0x10   }
0x15d: {  	[hbm:s22@s5], [sflag:s3] =	dma.strided [spmem:s1@s6], $0x1800, s4, $0x10   }
0x15e: {  	[hbm:s23@s5], [sflag:s3] =	dma.strided [spmem:s1@s6], $0x1800, s4, $0x10   }
0x15f: {  	[hbm:s24@s5], [sflag:s3] =	dma.strided [spmem:s1@s6], $0x1800, s4, $0x10   }
0x160: {  	[hbm:s25@s5], [sflag:s3] =	dma.strided [spmem:s1@s6], $0x1800, s4, $0x10   }
0x161: {  	[hbm:s26@s5], [sflag:s3] =	dma.strided [spmem:s1@s6], $0x1800, s4, $0x10   }
0x162: {  	[hbm:s28@s5], [sflag:s3] =	dma.strided [spmem:s1@s6], $0x1800, s4, $0x10   }
0x163: {  	_ =	swait.ge [sflag:s3], $0x1800  }
0x164: {  	[sflag:s3] =	ssyncset.done $0x0  }
0x165: {  	[sflag:s3] =	ssyncadd.s32 $0xFFFFE800;
	_ =	sdelay $0x2  }
0x166: {  	_ =	swait.ge [sflag:s3], $0x1800  }
0x167: {  	[sflag:s3] =	ssyncset.done $0x0  }
0x168: {  	[sflag:s3] =	ssyncadd.s32 $0xFFFFE800;
	_ =	sdelay $0x2  }
0x169: {  	_ =	swait.ge [sflag:s3], $0x1800  }
0x16a: {  	[sflag:s3] =	ssyncset.done $0x0  }
0x16b: {  	[sflag:s3] =	ssyncadd.s32 $0xFFFFE800;
	_ =	sdelay $0x2  }
0x16c: {  	_ =	swait.ge [sflag:s3], $0x1800  }
0x16d: {  	[sflag:s3] =	ssyncset.done $0x0  }
0x16e: {  	[sflag:s3] =	ssyncadd.s32 $0xFFFFE800;
	_ =	sdelay $0x2  }
0x16f: {  	_ =	swait.ge [sflag:s3], $0x1800  }
0x170: {  	[sflag:s3] =	ssyncset.done $0x0  }
0x171: {  	[sflag:s3] =	ssyncadd.s32 $0xFFFFE800;
	_ =	sdelay $0x2  }
0x172: {  	_ =	swait.ge [sflag:s3], $0x1800  }
0x173: {  	[sflag:s3] =	ssyncset.done $0x0  }
0x174: {  	[sflag:s3] =	ssyncadd.s32 $0xFFFFE800;
	_ =	sdelay $0x2  }
0x175: {  	_ =	swait.ge [sflag:s3], $0x1800  }
0x176: {  	[sflag:s3] =	ssyncset.done $0x0  }
0x177: {  	[sflag:s3] =	ssyncadd.s32 $0xFFFFE800;
	_ =	sdelay $0x2  }
0x178: {  	_ =	swait.ge [sflag:s3], $0x1800  }
0x179: {  	[sflag:s3] =	ssyncset.done $0x0  }
0x17a: {  	[sflag:s3] =	ssyncadd.s32 $0xFFFFE800;
	_ =	sdelay $0x2  }
0x17b: {  	_ =	swait.ge [sflag:s3], $0x1800  }
0x17c: {  	[sflag:s3] =	ssyncset.done $0x0  }
0x17d: {  	[sflag:s3] =	ssyncadd.s32 $0xFFFFE800;
	_ =	sdelay $0x2  }
0x17e: {  	_ =	swait.ge [sflag:s3], $0x1800  }
0x17f: {  	[sflag:s3] =	ssyncset.done $0x0  }
0x180: {  	[sflag:s3] =	ssyncadd.s32 $0xFFFFE800;
	_ =	sdelay $0x2  }
0x181: {  	_ =	swait.ge [sflag:s3], $0x1800  }
0x182: {  	[sflag:s3] =	ssyncset.done $0x0  }
0x183: {  	[sflag:s3] =	ssyncadd.s32 $0xFFFFE800;
	_ =	sdelay $0x2  }
0x184: {  	_ =	swait.ge [sflag:s3], $0x1800  }
0x185: {  	[sflag:s3] =	ssyncset.done $0x0  }
0x186: {  	[sflag:s3] =	ssyncadd.s32 $0xFFFFE800;
	_ =	sdelay $0x2  }
0x187: {  	_ =	swait.ge [sflag:s3], $0x1800  }
0x188: {  	[sflag:s3] =	ssyncset.done $0x0  }
0x189: {  	[sflag:s3] =	ssyncadd.s32 $0xFFFFE800;
	_ =	sdelay $0x2  }
0x18a: {  	_ =	swait.ge [sflag:s3], $0x1800  }
0x18b: {  	[sflag:s3] =	ssyncset.done $0x0  }
0x18c: {  	[sflag:s3] =	ssyncadd.s32 $0xFFFFE800;
	_ =	sdelay $0x2  }
0x18d: {  	_ =	swait.ge [sflag:s3], $0x1800  }
0x18e: {  	[sflag:s3] =	ssyncset.done $0x0  }
0x18f: {  	[sflag:s3] =	ssyncadd.s32 $0xFFFFE800;
	_ =	sdelay $0x2  }
0x190: {  	_ =	swait.ge [sflag:s3], $0x1800  }
0x191: {  	[sflag:s3] =	ssyncset.done $0x0  }
0x192: {  	[sflag:s3] =	ssyncadd.s32 $0xFFFFE800;
	_ =	sdelay $0x2  }
0x193: {  	_ =	swait.ge [sflag:s3], $0x1800  }
0x194: {  	[sflag:s3] =	ssyncset.done $0x0  }
0x195: {  	[sflag:s3] =	ssyncadd.s32 $0xFFFFE800;
	_ =	sdelay $0x2  }
0x196: {  	_ =	swait.ge [sflag:s3], $0x1800  }
0x197: {  	[sflag:s3] =	ssyncset.done $0x0  }
0x198: {  	[sflag:s3] =	ssyncadd.s32 $0xFFFFE800;
	_ =	sdelay $0x2  }
0x199: {  	_ =	swait.ge [sflag:s3], $0x1800  }
0x19a: {  	[sflag:s3] =	ssyncset.done $0x0  }
0x19b: {  	[sflag:s3] =	ssyncadd.s32 $0xFFFFE800;
	_ =	sdelay $0x2  }
0x19c: {  	_ =	swait.ge [sflag:s3], $0x1800  }
0x19d: {  	[sflag:s3] =	ssyncset.done $0x0  }
0x19e: {  	[sflag:s3] =	ssyncadd.s32 $0xFFFFE800;
	_ =	sdelay $0x2  }
0x19f: {  	_ =	swait.ge [sflag:s3], $0x1800  }
0x1a0: {  	[sflag:s3] =	ssyncset.done $0x0  }
0x1a1: {  	[sflag:s3] =	ssyncadd.s32 $0xFFFFE800;
	_ =	sdelay $0x2  }
0x1a2: {  	_ =	swait.ge [sflag:s3], $0x1800  }
0x1a3: {  	[sflag:s3] =	ssyncset.done $0x0  }
0x1a4: {  	[sflag:s3] =	ssyncadd.s32 $0xFFFFE800;
	_ =	sdelay $0x2  }
0x1a5: {  	_ =	swait.ge [sflag:s3], $0x1800  }
0x1a6: {  	[sflag:s3] =	ssyncset.done $0x0  }
0x1a7: {  	[sflag:s3] =	ssyncadd.s32 $0xFFFFE800;
	_ =	sdelay $0x2  }
0x1a8: {  	_ =	swait.ge [sflag:s3], $0x1800  }
0x1a9: {  	[sflag:s3] =	ssyncset.done $0x0  }
0x1aa: {  	[sflag:s3] =	ssyncadd.s32 $0xFFFFE800;
	_ =	sdelay $0x2  }
0x1ab: {  	_ =	swait.ge [sflag:s3], $0x1800  }
0x1ac: {  	[sflag:s3] =	ssyncset.done $0x0  }
0x1ad: {  	[sflag:s3] =	ssyncadd.s32 $0xFFFFE800;
	_ =	sdelay $0x2  }
0x1ae: {  	_ =	swait.ge [sflag:s3], $0x1800  }
0x1af: {  	[sflag:s3] =	ssyncset.done $0x0  }
0x1b0: {  	[sflag:s3] =	ssyncadd.s32 $0xFFFFE800;
	_ =	sdelay $0x2  }
0x1b1: {  	_ =	swait.ge [sflag:s3], $0x1800  }
0x1b2: {  	[sflag:s3] =	ssyncset.done $0x0  }
0x1b3: {  	[sflag:s3] =	ssyncadd.s32 $0xFFFFE800;
	_ =	sdelay $0x2  }
0x1b4: {  	_ =	swait.ge [sflag:s3], $0x1800  }
0x1b5: {  	[sflag:s3] =	ssyncset.done $0x0  }
0x1b6: {  	[sflag:s3] =	ssyncadd.s32 $0xFFFFE800;
	_ =	sdelay $0x2  }
0x1b7: {  	_ =	swait.ge [sflag:s3], $0x1800  }
0x1b8: {  	[sflag:s3] =	ssyncset.done $0x0  }
0x1b9: {  	[sflag:s3] =	ssyncadd.s32 $0xFFFFE800;
	_ =	sdelay $0x2  }
0x1ba: {  	_ =	swait.ge [sflag:s3], $0x1800  }
0x1bb: {  	[sflag:s3] =	ssyncset.done $0x0  }
0x1bc: {  	[sflag:s3] =	ssyncadd.s32 $0xFFFFE800;
	_ =	sdelay $0x2  }
0x1bd: {  	_ =	swait.ge [sflag:s3], $0x1800  }
0x1be: {  	[sflag:s3] =	ssyncset.done $0x0  }
0x1bf: {  	[sflag:s3] =	ssyncadd.s32 $0xFFFFE800;
	_ =	sdelay $0x2  }
0x1c0: {  	_ =	swait.ge [sflag:s3], $0x1800  }
0x1c1: {  	[sflag:s3] =	ssyncset.done $0x0  }
0x1c2: {  	[sflag:s3] =	ssyncadd.s32 $0xFFFFE800;
	_ =	sdelay $0x2  }
0x1c3: {  	_ =	swait.ge [sflag:s3], $0x1800  }
0x1c4: {  	[sflag:s3] =	ssyncset.done $0x0  }
0x1c5: {  	[sflag:s3] =	ssyncadd.s32 $0xFFFFE800;
	_ =	sdelay $0x2  }
0x1c6: {  	_ =	swait.ge [sflag:s3], $0x1800  }
0x1c7: {  	[sflag:s3] =	ssyncset.done $0x0  }
0x1c8: {  	[sflag:s3] =	ssyncadd.s32 $0xFFFFE800;
	_ =	sdelay $0x2  }
0x1c9: {  	_ =	swait.ge [sflag:s3], $0x1800  }
0x1ca: {  	[sflag:s3] =	ssyncset.done $0x0  }
0x1cb: {  	[sflag:s3] =	ssyncadd.s32 $0xFFFFE800;
	_ =	sdelay $0x2  }
0x1cc: {  	_ =	swait.ge [sflag:s3], $0x1800  }
0x1cd: {  	[sflag:s3] =	ssyncset.done $0x0  }
0x1ce: {  	[sflag:s3] =	ssyncadd.s32 $0xFFFFE800;
	_ =	sdelay $0x2  }
0x1cf: {  	_ =	swait.ge [sflag:s3], $0x1800  }
0x1d0: {  	[sflag:s3] =	ssyncset.done $0x0  }
0x1d1: {  	[sflag:s3] =	ssyncadd.s32 $0xFFFFE800;
	_ =	sdelay $0x2  }
0x1d2: {  	_ =	swait.ge [sflag:s3], $0x1800  }
0x1d3: {  	[sflag:s3] =	ssyncset.done $0x0  }
0x1d4: {  	[sflag:s3] =	ssyncadd.s32 $0xFFFFE800;
	_ =	sdelay $0x2  }
0x1d5: {  	_ =	swait.ge [sflag:s3], $0x1800  }
0x1d6: {  	[sflag:s3] =	ssyncset.done $0x0  }
0x1d7: {  	[sflag:s3] =	ssyncadd.s32 $0xFFFFE800;
	_ =	sdelay $0x2  }
0x1d8: {  	_ =	swait.ge [sflag:s3], $0x1800  }
0x1d9: {  	[sflag:s3] =	ssyncset.done $0x0  }
0x1da: {  	[sflag:s3] =	ssyncadd.s32 $0xFFFFE800;
	_ =	sdelay $0x2  }
0x1db: {  	_ =	swait.ge [sflag:s3], $0x1800  }
0x1dc: {  	[sflag:s3] =	ssyncset.done $0x0  }
0x1dd: {  	[sflag:s3] =	ssyncadd.s32 $0xFFFFE800;
	_ =	sdelay $0x2  }
0x1de: {  	_ =	swait.ge [sflag:s3], $0x1800  }
0x1df: {  	[sflag:s3] =	ssyncset.done $0x0  }
0x1e0: {  	[sflag:s3] =	ssyncadd.s32 $0xFFFFE800;
	_ =	sdelay $0x2  }
0x1e1: {  	_ =	swait.ge [sflag:s3], $0x1800  }
0x1e2: {  	[sflag:s3] =	ssyncset.done $0x0  }
0x1e3: {  	[sflag:s3] =	ssyncadd.s32 $0xFFFFE800;
	_ =	sdelay $0x2  }
0x1e4: {  	_ =	swait.ge [sflag:s3], $0x1800  }
0x1e5: {  	[sflag:s3] =	ssyncset.done $0x0  }
0x1e6: {  	[sflag:s3] =	ssyncadd.s32 $0xFFFFE800;
	_ =	sdelay $0x2  }
0x1e7: {  	_ =	swait.ge [sflag:s3], $0x1800  }
0x1e8: {  	[sflag:s3] =	ssyncset.done $0x0  }
0x1e9: {  	[sflag:s3] =	ssyncadd.s32 $0xFFFFE800;
	_ =	sdelay $0x2  }
0x1ea: {  	_ =	swait.ge [sflag:s3], $0x1800  }
0x1eb: {  	[sflag:s3] =	ssyncset.done $0x0  }
0x1ec: {  	[sflag:s3] =	ssyncadd.s32 $0xFFFFE800;
	_ =	sdelay $0x2  }
0x1ed: {  	_ =	swait.ge [sflag:s3], $0x1800  }
0x1ee: {  	[sflag:s3] =	ssyncset.done $0x0  }
0x1ef: {  	[sflag:s3] =	ssyncadd.s32 $0xFFFFE800;
	_ =	sdelay $0x2  }
0x1f0: {  	_ =	swait.ge [sflag:s3], $0x1800  }
0x1f1: {  	[sflag:s3] =	ssyncset.done $0x0  }
0x1f2: {  	[sflag:s3] =	ssyncadd.s32 $0xFFFFE800;
	_ =	sdelay $0x2  }
0x1f3: {  	_ =	swait.ge [sflag:s3], $0x1800  }
0x1f4: {  	[sflag:s3] =	ssyncset.done $0x0  }
0x1f5: {  	[sflag:s3] =	ssyncadd.s32 $0xFFFFE800;
	_ =	sdelay $0x2  }
0x1f6: {  	_ =	swait.ge [sflag:s3], $0x1800  }
0x1f7: {  	[sflag:s3] =	ssyncset.done $0x0  }
0x1f8: {  	[sflag:s3] =	ssyncadd.s32 $0xFFFFE800;
	_ =	sdelay $0x2  }
0x1f9: {  	_ =	swait.ge [sflag:s3], $0x1800  }
0x1fa: {  	[sflag:s3] =	ssyncset.done $0x0  }
0x1fb: {  	[sflag:s3] =	ssyncadd.s32 $0xFFFFE800;
	_ =	sdelay $0x2  }
0x1fc: {  	_ =	swait.ge [sflag:s3], $0x1800  }
0x1fd: {  	[sflag:s3] =	ssyncset.done $0x0  }
0x1fe: {  	[sflag:s3] =	ssyncadd.s32 $0xFFFFE800;
	_ =	sdelay $0x2  }
0x1ff: {  	_ =	swait.ge [sflag:s3], $0x1800  }
0x200: {  	[sflag:s3] =	ssyncset.done $0x0  }
0x201: {  	[sflag:s3] =	ssyncadd.s32 $0xFFFFE800;
	_ =	sdelay $0x2  }
0x202: {  	_ =	swait.ge [sflag:s3], $0x1800  }
0x203: {  	[sflag:s3] =	ssyncset.done $0x0  }
0x204: {  	[sflag:s3] =	ssyncadd.s32 $0xFFFFE800;
	_ =	sdelay $0x2  }
0x205: {  	_ =	swait.ge [sflag:s3], $0x1800  }
0x206: {  	[sflag:s3] =	ssyncset.done $0x0  }
0x207: {  	[sflag:s3] =	ssyncadd.s32 $0xFFFFE800;
	_ =	sdelay $0x2  }
0x208: {  	_ =	swait.ge [sflag:s3], $0x1800  }
0x209: {  	[sflag:s3] =	ssyncset.done $0x0  }
0x20a: {  	[sflag:s3] =	ssyncadd.s32 $0xFFFFE800;
	_ =	sdelay $0x2  }
0x20b: {  	_ =	swait.ge [sflag:s3], $0x1800  }
0x20c: {  	[sflag:s3] =	ssyncset.done $0x0  }
0x20d: {  	[sflag:s3] =	ssyncadd.s32 $0xFFFFE800;
	_ =	sdelay $0x2  }
0x20e: {  	_ =	swait.ge [sflag:s3], $0x1800  }
0x20f: {  	[sflag:s3] =	ssyncset.done $0x0  }
0x210: {  	[sflag:s3] =	ssyncadd.s32 $0xFFFFE800;
	_ =	sdelay $0x2  }
0x211: {  	_ =	swait.ge [sflag:s3], $0x1800  }
0x212: {  	[sflag:s3] =	ssyncset.done $0x0  }
0x213: {  	[sflag:s3] =	ssyncadd.s32 $0xFFFFE800;
	_ =	sdelay $0x2  }
0x214: {  	_ =	swait.ge [sflag:s3], $0x1800  }
0x215: {  	[sflag:s3] =	ssyncset.done $0x0  }
0x216: {  	[sflag:s3] =	ssyncadd.s32 $0xFFFFE800;
	_ =	sdelay $0x2  }
0x217: {  	_ =	swait.ge [sflag:s3], $0x1800  }
0x218: {  	[sflag:s3] =	ssyncset.done $0x0  }
0x219: {  	[sflag:s3] =	ssyncadd.s32 $0xFFFFE800;
	_ =	sdelay $0x2  }
0x21a: {  	_ =	swait.ge [sflag:s3], $0x1800  }
0x21b: {  	[sflag:s3] =	ssyncset.done $0x0  }
0x21c: {  	[sflag:s3] =	ssyncadd.s32 $0xFFFFE800;
	_ =	sdelay $0x2  }
0x21d: {  	_ =	swait.ge [sflag:s3], $0x1800  }
0x21e: {  	[sflag:s3] =	ssyncset.done $0x0  }
0x21f: {  	[sflag:s3] =	ssyncadd.s32 $0xFFFFE800;
	_ =	sdelay $0x2  }
0x220: {  	_ =	swait.ge [sflag:s3], $0x1800  }
0x221: {  	[sflag:s3] =	ssyncset.done $0x0  }
0x222: {  	[sflag:s3] =	ssyncadd.s32 $0xFFFFE800;
	_ =	sdelay $0x2  }
0x223: {  	_ =	swait.ge [sflag:s3], $0x1800  }
0x224: {  	[sflag:s3] =	ssyncset.done $0x0  }
0x225: {  	[sflag:s3] =	ssyncadd.s32 $0xFFFFE800;
	_ =	sdelay $0x2  }
0x226: {  	_ =	swait.ge [sflag:s3], $0x1800  }
0x227: {  	[sflag:s3] =	ssyncset.done $0x0  }
0x228: {  	[sflag:s3] =	ssyncadd.s32 $0xFFFFE800;
	_ =	sdelay $0x2  }
0x229: {  	_ =	swait.ge [sflag:s3], $0x1800  }
0x22a: {  	[sflag:s3] =	ssyncset.done $0x0  }
0x22b: {  	[sflag:s3] =	ssyncadd.s32 $0xFFFFE800;
	_ =	sdelay $0x2  }
0x22c: {  	_ =	swait.ge [sflag:s3], $0x1800  }
0x22d: {  	[sflag:s3] =	ssyncset.done $0x0  }
0x22e: {  	[sflag:s3] =	ssyncadd.s32 $0xFFFFE800;
	_ =	sdelay $0x2  }
0x22f: {  	_ =	swait.ge [sflag:s3], $0x1800  }
0x230: {  	[sflag:s3] =	ssyncset.done $0x0  }
0x231: {  	[sflag:s3] =	ssyncadd.s32 $0xFFFFE800;
	_ =	sdelay $0x2  }
0x232: {  	_ =	swait.ge [sflag:s3], $0x1800  }
0x233: {  	[sflag:s3] =	ssyncset.done $0x0  }
0x234: {  	[sflag:s3] =	ssyncadd.s32 $0xFFFFE800;
	_ =	sdelay $0x2  }
0x235: {  	_ =	swait.ge [sflag:s3], $0x1800  }
0x236: {  	[sflag:s3] =	ssyncset.done $0x0  }
0x237: {  	[sflag:s3] =	ssyncadd.s32 $0xFFFFE800;
	_ =	sdelay $0x2  }
0x238: {  	_ =	swait.ge [sflag:s3], $0x1800  }
0x239: {  	[sflag:s3] =	ssyncset.done $0x0  }
0x23a: {  	[sflag:s3] =	ssyncadd.s32 $0xFFFFE800;
	_ =	sdelay $0x2  }
0x23b: {  	_ =	swait.ge [sflag:s3], $0x1800  }
0x23c: {  	[sflag:s3] =	ssyncset.done $0x0  }
0x23d: {  	[sflag:s3] =	ssyncadd.s32 $0xFFFFE800;
	_ =	sdelay $0x2  }
0x23e: {  	_ =	swait.ge [sflag:s3], $0x1800  }
0x23f: {  	[sflag:s3] =	ssyncset.done $0x0  }
0x240: {  	[sflag:s3] =	ssyncadd.s32 $0xFFFFE800;
	_ =	sdelay $0x2  }
0x241: {  	_ =	swait.ge [sflag:s3], $0x1800  }
0x242: {  	[sflag:s3] =	ssyncset.done $0x0  }
0x243: {  	[sflag:s3] =	ssyncadd.s32 $0xFFFFE800;
	_ =	sdelay $0x2  }
0x244: {  	_ =	swait.ge [sflag:s3], $0x1800  }
0x245: {  	[sflag:s3] =	ssyncset.done $0x0  }
0x246: {  	[sflag:s3] =	ssyncadd.s32 $0xFFFFE800;
	_ =	sdelay $0x2  }
0x247: {  	_ =	swait.ge [sflag:s3], $0x1800  }
0x248: {  	[sflag:s3] =	ssyncset.done $0x0  }
0x249: {  	[sflag:s3] =	ssyncadd.s32 $0xFFFFE800;
	_ =	sdelay $0x2  }
0x24a: {  	_ =	swait.ge [sflag:s3], $0x1800  }
0x24b: {  	[sflag:s3] =	ssyncset.done $0x0  }
0x24c: {  	[sflag:s3] =	ssyncadd.s32 $0xFFFFE800;
	_ =	sdelay $0x2  }
0x24d: {  	_ =	swait.ge [sflag:s3], $0x1800  }
0x24e: {  	[sflag:s3] =	ssyncset.done $0x0  }
0x24f: {  	[sflag:s3] =	ssyncadd.s32 $0xFFFFE800;
	_ =	sdelay $0x2  }
0x250: {  	_ =	swait.ge [sflag:s3], $0x1800  }
0x251: {  	[sflag:s3] =	ssyncset.done $0x0  }
0x252: {  	[sflag:s3] =	ssyncadd.s32 $0xFFFFE800;
	_ =	sdelay $0x2  }
0x253: {  	_ =	swait.ge [sflag:s3], $0x1800  }
0x254: {  	[sflag:s3] =	ssyncset.done $0x0  }
0x255: {  	[sflag:s3] =	ssyncadd.s32 $0xFFFFE800;
	_ =	sdelay $0x2  }
0x256: {  	_ =	swait.ge [sflag:s3], $0x1800  }
0x257: {  	[sflag:s3] =	ssyncset.done $0x0  }
0x258: {  	[sflag:s3] =	ssyncadd.s32 $0xFFFFE800;
	_ =	sdelay $0x2  }
0x259: {  	_ =	swait.ge [sflag:s3], $0x1800  }
0x25a: {  	[sflag:s3] =	ssyncset.done $0x0  }
0x25b: {  	[sflag:s3] =	ssyncadd.s32 $0xFFFFE800;
	_ =	sdelay $0x2  }
0x25c: {  	_ =	swait.ge [sflag:s3], $0x1800  }
0x25d: {  	[sflag:s3] =	ssyncset.done $0x0  }
0x25e: {  	[sflag:s3] =	ssyncadd.s32 $0xFFFFE800;
	_ =	sdelay $0x2  }
0x25f: {  	_ =	swait.ge [sflag:s3], $0x1800  }
0x260: {  	[sflag:s3] =	ssyncset.done $0x0  }
0x261: {  	[sflag:s3] =	ssyncadd.s32 $0xFFFFE800;
	_ =	sdelay $0x2  }
0x262: {  	_ =	swait.ge [sflag:s3], $0x1800  }
0x263: {  	[sflag:s3] =	ssyncset.done $0x0  }
0x264: {  	[sflag:s3] =	ssyncadd.s32 $0xFFFFE800;
	_ =	sdelay $0x2  }
0x265: {  	_ =	swait.ge [sflag:s3], $0x1800  }
0x266: {  	[sflag:s3] =	ssyncset.done $0x0  }
0x267: {  	[sflag:s3] =	ssyncadd.s32 $0xFFFFE800;
	_ =	sdelay $0x2  }
0x268: {  	_ =	swait.ge [sflag:s3], $0x1800  }
0x269: {  	[sflag:s3] =	ssyncset.done $0x0  }
0x26a: {  	[sflag:s3] =	ssyncadd.s32 $0xFFFFE800;
	_ =	sdelay $0x2  }
0x26b: {  	_ =	swait.ge [sflag:s3], $0x1800  }
0x26c: {  	[sflag:s3] =	ssyncset.done $0x0  }
0x26d: {  	[sflag:s3] =	ssyncadd.s32 $0xFFFFE800;
	_ =	sdelay $0x2  }
0x26e: {  	_ =	swait.ge [sflag:s3], $0x1800  }
0x26f: {  	[sflag:s3] =	ssyncset.done $0x0  }
0x270: {  	[sflag:s3] =	ssyncadd.s32 $0xFFFFE800;
	_ =	sdelay $0x2  }
0x271: {  	_ =	swait.ge [sflag:s3], $0x1800  }
0x272: {  	[sflag:s3] =	ssyncset.done $0x0  }
0x273: {  	[sflag:s3] =	ssyncadd.s32 $0xFFFFE800;
	_ =	sdelay $0x2  }
0x274: {  	_ =	swait.ge [sflag:s3], $0x1800  }
0x275: {  	[sflag:s3] =	ssyncset.done $0x0  }
0x276: {  	[sflag:s3] =	ssyncadd.s32 $0xFFFFE800;
	_ =	sdelay $0x2  }
0x277: {  	_ =	swait.ge [sflag:s3], $0x1800  }
0x278: {  	[sflag:s3] =	ssyncset.done $0x0  }
0x279: {  	[sflag:s3] =	ssyncadd.s32 $0xFFFFE800;
	_ =	sdelay $0x2  }
0x27a: {  	_ =	swait.ge [sflag:s3], $0x1800  }
0x27b: {  	[sflag:s3] =	ssyncset.done $0x0  }
0x27c: {  	[sflag:s3] =	ssyncadd.s32 $0xFFFFE800;
	_ =	sdelay $0x2  }
0x27d: {  	_ =	swait.ge [sflag:s3], $0x1800  }
0x27e: {  	[sflag:s3] =	ssyncset.done $0x0  }
0x27f: {  	[sflag:s3] =	ssyncadd.s32 $0xFFFFE800;
	_ =	sdelay $0x2  }
0x280: {  	_ =	swait.ge [sflag:s3], $0x1800  }
0x281: {  	[sflag:s3] =	ssyncset.done $0x0  }
0x282: {  	[sflag:s3] =	ssyncadd.s32 $0xFFFFE800;
	_ =	sdelay $0x2  }
0x283: {  	_ =	swait.ge [sflag:s3], $0x1800  }
0x284: {  	[sflag:s3] =	ssyncset.done $0x0  }
0x285: {  	[sflag:s3] =	ssyncadd.s32 $0xFFFFE800;
	_ =	sdelay $0x2  }
0x286: {  	_ =	swait.ge [sflag:s3], $0x1800  }
0x287: {  	[sflag:s3] =	ssyncset.done $0x0  }
0x288: {  	[sflag:s3] =	ssyncadd.s32 $0xFFFFE800;
	_ =	sdelay $0x2  }
0x289: {  	_ =	swait.ge [sflag:s3], $0x1800  }
0x28a: {  	[sflag:s3] =	ssyncset.done $0x0  }
0x28b: {  	[sflag:s3] =	ssyncadd.s32 $0xFFFFE800;
	_ =	sdelay $0x2  }
0x28c: {  	_ =	swait.ge [sflag:s3], $0x1800  }
0x28d: {  	[sflag:s3] =	ssyncset.done $0x0  }
0x28e: {  	[sflag:s3] =	ssyncadd.s32 $0xFFFFE800;
	_ =	sdelay $0x2  }
0x28f: {  	_ =	swait.ge [sflag:s3], $0x1800  }
0x290: {  	[sflag:s3] =	ssyncset.done $0x0  }
0x291: {  	[sflag:s3] =	ssyncadd.s32 $0xFFFFE800;
	_ =	sdelay $0x2  }
0x292: {  	_ =	swait.ge [sflag:s3], $0x1800  }
0x293: {  	[sflag:s3] =	ssyncset.done $0x0  }
0x294: {  	[sflag:s3] =	ssyncadd.s32 $0xFFFFE800;
	_ =	sdelay $0x2  }
0x295: {  	_ =	swait.ge [sflag:s3], $0x1800  }
0x296: {  	[sflag:s3] =	ssyncset.done $0x0  }
0x297: {  	[sflag:s3] =	ssyncadd.s32 $0xFFFFE800;
	_ =	sdelay $0x2  }
0x298: {  	_ =	swait.ge [sflag:s3], $0x1800  }
0x299: {  	[sflag:s3] =	ssyncset.done $0x0  }
0x29a: {  	[sflag:s3] =	ssyncadd.s32 $0xFFFFE800;
	_ =	sdelay $0x2  }
0x29b: {  	_ =	swait.ge [sflag:s3], $0x1800  }
0x29c: {  	[sflag:s3] =	ssyncset.done $0x0  }
0x29d: {  	[sflag:s3] =	ssyncadd.s32 $0xFFFFE800;
	_ =	sdelay $0x2  }
0x29e: {  	_ =	swait.ge [sflag:s3], $0x1800  }
0x29f: {  	[sflag:s3] =	ssyncset.done $0x0  }
0x2a0: {  	[sflag:s3] =	ssyncadd.s32 $0xFFFFE800;
	_ =	sdelay $0x2  }
0x2a1: {  	_ =	swait.ge [sflag:s3], $0x1800  }
0x2a2: {  	[sflag:s3] =	ssyncset.done $0x0  }
0x2a3: {  	[sflag:s3] =	ssyncadd.s32 $0xFFFFE800;
	_ =	sdelay $0x2  }
0x2a4: {  	_ =	swait.ge [sflag:s3], $0x1800  }
0x2a5: {  	[sflag:s3] =	ssyncset.done $0x0  }
0x2a6: {  	[sflag:s3] =	ssyncadd.s32 $0xFFFFE800;
	_ =	sdelay $0x2  }
0x2a7: {  	_ =	swait.ge [sflag:s3], $0x1800  }
0x2a8: {  	[sflag:s3] =	ssyncset.done $0x0  }
0x2a9: {  	[sflag:s3] =	ssyncadd.s32 $0xFFFFE800;
	_ =	sdelay $0x2  }
0x2aa: {  	_ =	swait.ge [sflag:s3], $0x1800  }
0x2ab: {  	[sflag:s3] =	ssyncset.done $0x0  }
0x2ac: {  	[sflag:s3] =	ssyncadd.s32 $0xFFFFE800;
	_ =	sdelay $0x2  }
0x2ad: {  	_ =	swait.ge [sflag:s3], $0x1800  }
0x2ae: {  	[sflag:s3] =	ssyncset.done $0x0  }
0x2af: {  	[sflag:s3] =	ssyncadd.s32 $0xFFFFE800;
	_ =	sdelay $0x2  }
0x2b0: {  	_ =	swait.ge [sflag:s3], $0x1800  }
0x2b1: {  	[sflag:s3] =	ssyncset.done $0x0  }
0x2b2: {  	[sflag:s3] =	ssyncadd.s32 $0xFFFFE800;
	_ =	sdelay $0x2  }
0x2b3: {  	_ =	swait.ge [sflag:s3], $0x1800  }
0x2b4: {  	[sflag:s3] =	ssyncset.done $0x0  }
0x2b5: {  	[sflag:s3] =	ssyncadd.s32 $0xFFFFE800;
	_ =	sdelay $0x2  }
0x2b6: {  	_ =	swait.ge [sflag:s3], $0x1800  }
0x2b7: {  	[sflag:s3] =	ssyncset.done $0x0  }
0x2b8: {  	[sflag:s3] =	ssyncadd.s32 $0xFFFFE800;
	_ =	sdelay $0x2  }
0x2b9: {  	_ =	swait.ge [sflag:s3], $0x1800  }
0x2ba: {  	[sflag:s3] =	ssyncset.done $0x0  }
0x2bb: {  	[sflag:s3] =	ssyncadd.s32 $0xFFFFE800;
	_ =	sdelay $0x2  }
0x2bc: {  	_ =	swait.ge [sflag:s3], $0x1800  }
0x2bd: {  	[sflag:s3] =	ssyncset.done $0x0  }
0x2be: {  	[sflag:s3] =	ssyncadd.s32 $0xFFFFE800;
	_ =	sdelay $0x2  }
0x2bf: {  	_ =	swait.ge [sflag:s3], $0x1800  }
0x2c0: {  	[sflag:s3] =	ssyncset.done $0x0  }
0x2c1: {  	[sflag:s3] =	ssyncadd.s32 $0xFFFFE800;
	_ =	sdelay $0x2  }
0x2c2: {  	_ =	swait.ge [sflag:s3], $0x1800  }
0x2c3: {  	[sflag:s3] =	ssyncset.done $0x0  }
0x2c4: {  	[sflag:s3] =	ssyncadd.s32 $0xFFFFE800;
	_ =	sdelay $0x2  }
0x2c5: {  	_ =	swait.ge [sflag:s3], $0x1800  }
0x2c6: {  	[sflag:s3] =	ssyncset.done $0x0  }
0x2c7: {  	[sflag:s3] =	ssyncadd.s32 $0xFFFFE800;
	_ =	sdelay $0x2  }
0x2c8: {  	_ =	swait.ge [sflag:s3], $0x1800  }
0x2c9: {  	[sflag:s3] =	ssyncset.done $0x0  }
0x2ca: {  	[sflag:s3] =	ssyncadd.s32 $0xFFFFE800;
	_ =	sdelay $0x2  }
0x2cb: {  	_ =	swait.ge [sflag:s3], $0x1800  }
0x2cc: {  	[sflag:s3] =	ssyncset.done $0x0  }
0x2cd: {  	[sflag:s3] =	ssyncadd.s32 $0xFFFFE800;
	_ =	sdelay $0x2  }
0x2ce: {  	_ =	swait.ge [sflag:s3], $0x1800  }
0x2cf: {  	[sflag:s3] =	ssyncset.done $0x0  }
0x2d0: {  	[sflag:s3] =	ssyncadd.s32 $0xFFFFE800;
	_ =	sdelay $0x2  }
0x2d1: {  	_ =	swait.ge [sflag:s3], $0x1800  }
0x2d2: {  	[sflag:s3] =	ssyncset.done $0x0  }
0x2d3: {  	[sflag:s3] =	ssyncadd.s32 $0xFFFFE800;
	_ =	sdelay $0x2  }
0x2d4: {  	_ =	swait.ge [sflag:s3], $0x1800  }
0x2d5: {  	[sflag:s3] =	ssyncset.done $0x0  }
0x2d6: {  	[sflag:s3] =	ssyncadd.s32 $0xFFFFE800;
	_ =	sdelay $0x2  }
0x2d7: {  	_ =	swait.ge [sflag:s3], $0x1800  }
0x2d8: {  	[sflag:s3] =	ssyncset.done $0x0  }
0x2d9: {  	[sflag:s3] =	ssyncadd.s32 $0xFFFFE800;
	_ =	sdelay $0x2  }
0x2da: {  	_ =	swait.ge [sflag:s3], $0x1800  }
0x2db: {  	[sflag:s3] =	ssyncset.done $0x0  }
0x2dc: {  	[sflag:s3] =	ssyncadd.s32 $0xFFFFE800;
	_ =	sdelay $0x2  }
0x2dd: {  	_ =	swait.ge [sflag:s3], $0x1800  }
0x2de: {  	[sflag:s3] =	ssyncset.done $0x0  }
0x2df: {  	[sflag:s3] =	ssyncadd.s32 $0xFFFFE800;
	_ =	sdelay $0x2  }
0x2e0: {  	_ =	swait.ge [sflag:s3], $0x1800  }
0x2e1: {  	[sflag:s3] =	ssyncset.done $0x0  }
0x2e2: {  	[sflag:s3] =	ssyncadd.s32 $0xFFFFE800  }
0x2e3: {  	_ =	strace $0x90000046  }
0x2e4: {  	s29 =	simm.s32 $0x9;
	_ =	strace $0x80000048  }
0x2e5: {  	_ =	swait.ge [sflag:s29], $0x1  }
0x2e6: {  	[sflag:s29] =	ssyncadd.s32 $0xFFFFFFFF  }
0x2e7: {  	_ =	strace $0x90000048  }
0x2e8: {  	_ =	sfence  }
0x2e9: {  	s30 =	sld [smem:$0x0];
	_ =	sdelay $0x2  }
0x2ea: {  	s31 =	sshll.u32 s2, $0xD;
	s2 =	sshrl.u32 s2, $0x2  }
0x2eb: {  	s4 =	sand.u32 $0x4000, s31;
	s2 =	sadd.s32 s2, s30  }
0x2ec: {  	s0 =	sor.u32 s4, s0;
	s2 =	sshll.u32 s2, $0x11  }
0x2ed: {  	s0 =	sor.u32 s2, s0  }
0x2ee: {  	s0 =	sadd.s32 $0x8F2B, s0  }
0x2ef: {  	[sflag:s0] =	ssyncadd.remote.s32 $0x1  }
0x2f0: {  	_ =	sfence.sel $0xFFFF  }
0x2f1: {  	[dreg:$0x0] =	wrdreg $0xFFFFFFFF;
	(pc) =	sbr.abs _section_cstart, $3  }
0x2f2: {  	[dreg:$0x1] =	wrdreg $0xFFFFFFFF  }
0x2f3: {  	_ =	task.clear_ibuf [dreg:s1], $0x2FFFF;
	_ =	strace $0x9FFFFFFF  }
0x2f4: {  	(tm) =	ssettm $0x7FFFFFFF  }
0x2f5: {  	_ =	shalt  }
tec
execute0_lowered:
.L_overlay_start_1:
0x0: {  	(tag) =	ssettag $0x1  }
0x1: {  	s1 =	srdreg.scid  }
0x2: {  	s0 =	stileid.u32;
	s26 =	sand.u32 $0x1, s1  }
0x3: {  	s23 =	rddreg [dreg:$0x0];
	s3 =	sshll.u32 s0, $0x7;
	s2 =	sshll.u32 s26, $0xB  }
0x4: {  	s25 =	rddreg [dreg:$0x1];
	s24 =	sor.u32 s3, s2  }
0x5: {  	s1 =	rddreg [dreg:$0x2];
	s2 =	simm.s32 $0x0;
	s3 =	smul.u32 $0x180, s24  }
0x6: {  	s5 =	simm.s32 $0xC00;
	s12 =	sor.u32 $0x10, s24;
	[smem:$0x7FF] =	sst s2  }
0x7: {  	s4 =	smul.u32 $0x180, s12;
	_ =	strace $0x80000047;
	s3 =	sadd.s32 s23, s3  }
0x8: {  	[tilespmem:s5], [sflag:$0x1] =	stream.linear.gather [hbm4b:s3+s2], $0xC000, $0x38;
	[tilespmem:$0x18C00] =	vst v63  }
0x9: {  	s6 =	simm.s32 $0xCC00;
	s7 =	simm.s32 $0x1;
	s4 =	sadd.s32 s23, s4  }
0xa: {  	[tilespmem:s6], [sflag:$0x2] =	stream.linear.gather [hbm4b:s4+s2], $0xC000, $0x38;
	[tilespmem:$0x18C00] =	vst v63  }
0xb: {  	s8 =	smul.u32 $0x300, s24;
	_ =	swait.ge [sflag:s7], $0xC000  }
0xc: {  	s9 =	simm.s32 $0x1800;
	s10 =	simm.s32 $0x3;
	[sflag:s7] =	ssyncset.done $0x0  }
0xd: {  	s16 =	sor.u32 $0x20, s24;
	s8 =	sadd.s32 s25, s8;
	[sflag:s7] =	ssyncadd.s32 $0xFFFF4000  }
0xe: {  	[hbm4b:s8+s5] =	stream.strided.scatter [tilespmem:s5], [sflag:$0x3], $0xC000, s9, s5, $0x38;
	[tilespmem:$0x18C00] =	vst v63  }
0xf: {  	s11 =	smul.u32 $0x180, s16;
	_ =	swait.ge [sflag:s10], $0xC000  }
0x10: {  	s13 =	smul.u32 $0x300, s12;
	[sflag:s10] =	ssyncset.done $0x0  }
0x11: {  	s12 =	simm.s32 $0x2;
	s11 =	sadd.s32 s23, s11;
	[sflag:s10] =	ssyncadd.s32 $0xFFFF4000  }
0x12: {  	[tilespmem:s5], [sflag:$0x1] =	stream.linear.gather [hbm4b:s11+s2], $0xC000, $0x38;
	[tilespmem:$0x18C00] =	vst v63  }
0x13: {  	_ =	swait.ge [sflag:s12], $0xC000  }
0x14: {  	s14 =	simm.s32 $0x4;
	[sflag:s12] =	ssyncset.done $0x0  }
0x15: {  	s18 =	sor.u32 $0x30, s24;
	s13 =	sadd.s32 s25, s13;
	[sflag:s12] =	ssyncadd.s32 $0xFFFF4000  }
0x16: {  	[hbm4b:s13+s5] =	stream.strided.scatter [tilespmem:s6], [sflag:$0x4], $0xC000, s9, s5, $0x38;
	[tilespmem:$0x18C00] =	vst v63  }
0x17: {  	s15 =	smul.u32 $0x180, s18;
	_ =	swait.ge [sflag:s14], $0xC000  }
0x18: {  	[sflag:s14] =	ssyncset.done $0x0  }
0x19: {  	s15 =	sadd.s32 s23, s15;
	[sflag:s14] =	ssyncadd.s32 $0xFFFF4000  }
0x1a: {  	[tilespmem:s6], [sflag:$0x2] =	stream.linear.gather [hbm4b:s15+s2], $0xC000, $0x38;
	[tilespmem:$0x18C00] =	vst v63  }
0x1b: {  	s16 =	smul.u32 $0x300, s16;
	_ =	swait.ge [sflag:s7], $0xC000  }
0x1c: {  	[sflag:s7] =	ssyncset.done $0x0  }
0x1d: {  	s20 =	sor.u32 $0x40, s24;
	s16 =	sadd.s32 s25, s16;
	[sflag:s7] =	ssyncadd.s32 $0xFFFF4000  }
0x1e: {  	[hbm4b:s16+s5] =	stream.strided.scatter [tilespmem:s5], [sflag:$0x3], $0xC000, s9, s5, $0x38;
	[tilespmem:$0x18C00] =	vst v63  }
0x1f: {  	s17 =	smul.u32 $0x180, s20;
	_ =	swait.ge [sflag:s10], $0xC000  }
0x20: {  	[sflag:s10] =	ssyncset.done $0x0  }
0x21: {  	s17 =	sadd.s32 s23, s17;
	[sflag:s10] =	ssyncadd.s32 $0xFFFF4000  }
0x22: {  	[tilespmem:s5], [sflag:$0x1] =	stream.linear.gather [hbm4b:s17+s2], $0xC000, $0x38;
	[tilespmem:$0x18C00] =	vst v63  }
0x23: {  	s18 =	smul.u32 $0x300, s18;
	_ =	swait.ge [sflag:s12], $0xC000  }
0x24: {  	[sflag:s12] =	ssyncset.done $0x0  }
0x25: {  	s22 =	sor.u32 $0x50, s24;
	s18 =	sadd.s32 s25, s18;
	[sflag:s12] =	ssyncadd.s32 $0xFFFF4000  }
0x26: {  	[hbm4b:s18+s5] =	stream.strided.scatter [tilespmem:s6], [sflag:$0x4], $0xC000, s9, s5, $0x38;
	[tilespmem:$0x18C00] =	vst v63  }
0x27: {  	s19 =	smul.u32 $0x180, s22;
	_ =	swait.ge [sflag:s14], $0xC000  }
0x28: {  	[sflag:s14] =	ssyncset.done $0x0  }
0x29: {  	s19 =	sadd.s32 s23, s19;
	[sflag:s14] =	ssyncadd.s32 $0xFFFF4000  }
0x2a: {  	[tilespmem:s6], [sflag:$0x2] =	stream.linear.gather [hbm4b:s19+s2], $0xC000, $0x38;
	[tilespmem:$0x18C00] =	vst v63  }
0x2b: {  	s20 =	smul.u32 $0x300, s20;
	_ =	swait.ge [sflag:s7], $0xC000  }
0x2c: {  	[sflag:s7] =	ssyncset.done $0x0  }
0x2d: {  	s28 =	sor.u32 $0x60, s24;
	s20 =	sadd.s32 s25, s20;
	[sflag:s7] =	ssyncadd.s32 $0xFFFF4000  }
0x2e: {  	[hbm4b:s20+s5] =	stream.strided.scatter [tilespmem:s5], [sflag:$0x3], $0xC000, s9, s5, $0x38;
	[tilespmem:$0x18C00] =	vst v63  }
0x2f: {  	s21 =	smul.u32 $0x180, s28;
	_ =	swait.ge [sflag:s10], $0xC000  }
0x30: {  	[sflag:s10] =	ssyncset.done $0x0  }
0x31: {  	s21 =	sadd.s32 s23, s21;
	[sflag:s10] =	ssyncadd.s32 $0xFFFF4000  }
0x32: {  	[tilespmem:s5], [sflag:$0x1] =	stream.linear.gather [hbm4b:s21+s2], $0xC000, $0x38;
	[tilespmem:$0x18C00] =	vst v63  }
0x33: {  	s22 =	smul.u32 $0x300, s22;
	_ =	swait.ge [sflag:s12], $0xC000  }
0x34: {  	[sflag:s12] =	ssyncset.done $0x0  }
0x35: {  	s29 =	sor.u32 $0x70, s24;
	s22 =	sadd.s32 s25, s22;
	[sflag:s12] =	ssyncadd.s32 $0xFFFF4000  }
0x36: {  	[hbm4b:s22+s5] =	stream.strided.scatter [tilespmem:s6], [sflag:$0x4], $0xC000, s9, s5, $0x38;
	[tilespmem:$0x18C00] =	vst v63  }
0x37: {  	s24 =	smul.u32 $0x180, s29;
	_ =	swait.ge [sflag:s14], $0xC000  }
0x38: {  	[sflag:s14] =	ssyncset.done $0x0  }
0x39: {  	s23 =	sadd.s32 s23, s24;
	[sflag:s14] =	ssyncadd.s32 $0xFFFF4000  }
0x3a: {  	[tilespmem:s6], [sflag:$0x2] =	stream.linear.gather [hbm4b:s23+s2], $0xC000, $0x38;
	[tilespmem:$0x18C00] =	vst v63  }
0x3b: {  	s28 =	smul.u32 $0x300, s28;
	_ =	swait.ge [sflag:s7], $0xC000  }
0x3c: {  	s26 =	ssub.s32 $0x2, s26;
	[sflag:s7] =	ssyncset.done $0x0  }
0x3d: {  	s31 =	sshrl.u32 s26, $0x1;
	s24 =	sadd.s32 s25, s28;
	[sflag:s7] =	ssyncadd.s32 $0xFFFF4000  }
0x3e: {  	[hbm4b:s24+s5] =	stream.strided.scatter [tilespmem:s5], [sflag:$0x3], $0xC000, s9, s5, $0x38;
	[tilespmem:$0x18C00] =	vst v63  }
0x3f: {  	s26 =	ssub.s32 s26, s31;
	s30 =	smul.u32 $0x300, s29;
	_ =	swait.ge [sflag:s12], $0xC000  }
0x40: {  	s26 =	smax.u32 s26, $0x1;
	[sflag:s12] =	ssyncset.done $0x0  }
0x41: {  	p0 =	sne.s32 s26, $0x1;
	s25 =	sadd.s32 s25, s30;
	[sflag:s12] =	ssyncadd.s32 $0xFFFF4000  }
0x42: {  	[hbm4b:s25+s5] =	stream.strided.scatter [tilespmem:s6], [sflag:$0x4], $0xC000, s9, s5, $0x38;
	[tilespmem:$0x18C00] =	vst v63  }
.Ltmp0:
0x43: {  	_ =	swait.ge [sflag:s10], $0xC000;
	(pc) =	sbr.rel @!p0 .LBB2_2-.Ltmp0, $4  }
0x44: {  	[sflag:s10] =	ssyncset.done $0x0  }
0x45: {  	[sflag:s10] =	ssyncadd.s32 $0xFFFF4000  }
0x46: {  	_ =	swait.ge [sflag:s14], $0xC000  }
0x47: {  	s26 =	sadd.s32 $0xFFFFFFFF, s26;
	[sflag:s14] =	ssyncset.done $0x0  }
.LBB2_1:
0x48: {  	p0 =	sne.s32 s26, $0x1;
	s26 =	sadd.s32 $0xFFFFFFFF, s26;
	[sflag:s14] =	ssyncadd.s32 $0xFFFF4000  }
0x49: {  	[tilespmem:s5], [sflag:$0x1] =	stream.linear.gather [hbm4b:s3+s2], $0xC000, $0x38;
	[tilespmem:$0x18C00] =	vst v63  }
0x4a: {  	_ = 	snop  }
0x4b: {  	[tilespmem:s6], [sflag:$0x2] =	stream.linear.gather [hbm4b:s4+s2], $0xC000, $0x38;
	[tilespmem:$0x18C00] =	vst v63  }
0x4c: {  	_ =	swait.ge [sflag:s7], $0xC000  }
0x4d: {  	[sflag:s7] =	ssyncset.done $0x0  }
0x4e: {  	[sflag:s7] =	ssyncadd.s32 $0xFFFF4000  }
0x4f: {  	[hbm4b:s8+s5] =	stream.strided.scatter [tilespmem:s5], [sflag:$0x3], $0xC000, s9, s5, $0x38;
	[tilespmem:$0x18C00] =	vst v63  }
0x50: {  	_ =	swait.ge [sflag:s10], $0xC000  }
0x51: {  	[sflag:s10] =	ssyncset.done $0x0  }
0x52: {  	[sflag:s10] =	ssyncadd.s32 $0xFFFF4000  }
0x53: {  	[tilespmem:s5], [sflag:$0x1] =	stream.linear.gather [hbm4b:s11+s2], $0xC000, $0x38;
	[tilespmem:$0x18C00] =	vst v63  }
0x54: {  	_ =	swait.ge [sflag:s12], $0xC000  }
0x55: {  	[sflag:s12] =	ssyncset.done $0x0  }
0x56: {  	[sflag:s12] =	ssyncadd.s32 $0xFFFF4000  }
0x57: {  	[hbm4b:s13+s5] =	stream.strided.scatter [tilespmem:s6], [sflag:$0x4], $0xC000, s9, s5, $0x38;
	[tilespmem:$0x18C00] =	vst v63  }
0x58: {  	_ =	swait.ge [sflag:s14], $0xC000  }
0x59: {  	[sflag:s14] =	ssyncset.done $0x0  }
0x5a: {  	[sflag:s14] =	ssyncadd.s32 $0xFFFF4000  }
0x5b: {  	[tilespmem:s6], [sflag:$0x2] =	stream.linear.gather [hbm4b:s15+s2], $0xC000, $0x38;
	[tilespmem:$0x18C00] =	vst v63  }
0x5c: {  	_ =	swait.ge [sflag:s7], $0xC000  }
0x5d: {  	[sflag:s7] =	ssyncset.done $0x0  }
0x5e: {  	[sflag:s7] =	ssyncadd.s32 $0xFFFF4000  }
0x5f: {  	[hbm4b:s16+s5] =	stream.strided.scatter [tilespmem:s5], [sflag:$0x3], $0xC000, s9, s5, $0x38;
	[tilespmem:$0x18C00] =	vst v63  }
0x60: {  	_ =	swait.ge [sflag:s10], $0xC000  }
0x61: {  	[sflag:s10] =	ssyncset.done $0x0  }
0x62: {  	[sflag:s10] =	ssyncadd.s32 $0xFFFF4000  }
0x63: {  	[tilespmem:s5], [sflag:$0x1] =	stream.linear.gather [hbm4b:s17+s2], $0xC000, $0x38;
	[tilespmem:$0x18C00] =	vst v63  }
0x64: {  	_ =	swait.ge [sflag:s12], $0xC000  }
0x65: {  	[sflag:s12] =	ssyncset.done $0x0  }
0x66: {  	[sflag:s12] =	ssyncadd.s32 $0xFFFF4000  }
0x67: {  	[hbm4b:s18+s5] =	stream.strided.scatter [tilespmem:s6], [sflag:$0x4], $0xC000, s9, s5, $0x38;
	[tilespmem:$0x18C00] =	vst v63  }
0x68: {  	_ =	swait.ge [sflag:s14], $0xC000  }
0x69: {  	[sflag:s14] =	ssyncset.done $0x0  }
0x6a: {  	[sflag:s14] =	ssyncadd.s32 $0xFFFF4000  }
0x6b: {  	[tilespmem:s6], [sflag:$0x2] =	stream.linear.gather [hbm4b:s19+s2], $0xC000, $0x38;
	[tilespmem:$0x18C00] =	vst v63  }
0x6c: {  	_ =	swait.ge [sflag:s7], $0xC000  }
0x6d: {  	[sflag:s7] =	ssyncset.done $0x0  }
0x6e: {  	[sflag:s7] =	ssyncadd.s32 $0xFFFF4000  }
0x6f: {  	[hbm4b:s20+s5] =	stream.strided.scatter [tilespmem:s5], [sflag:$0x3], $0xC000, s9, s5, $0x38;
	[tilespmem:$0x18C00] =	vst v63  }
0x70: {  	_ =	swait.ge [sflag:s10], $0xC000  }
0x71: {  	[sflag:s10] =	ssyncset.done $0x0  }
0x72: {  	[sflag:s10] =	ssyncadd.s32 $0xFFFF4000  }
0x73: {  	[tilespmem:s5], [sflag:$0x1] =	stream.linear.gather [hbm4b:s21+s2], $0xC000, $0x38;
	[tilespmem:$0x18C00] =	vst v63  }
0x74: {  	_ =	swait.ge [sflag:s12], $0xC000  }
0x75: {  	[sflag:s12] =	ssyncset.done $0x0  }
0x76: {  	[sflag:s12] =	ssyncadd.s32 $0xFFFF4000  }
0x77: {  	[hbm4b:s22+s5] =	stream.strided.scatter [tilespmem:s6], [sflag:$0x4], $0xC000, s9, s5, $0x38;
	[tilespmem:$0x18C00] =	vst v63  }
0x78: {  	_ =	swait.ge [sflag:s14], $0xC000  }
0x79: {  	[sflag:s14] =	ssyncset.done $0x0  }
0x7a: {  	[sflag:s14] =	ssyncadd.s32 $0xFFFF4000  }
0x7b: {  	[tilespmem:s6], [sflag:$0x2] =	stream.linear.gather [hbm4b:s23+s2], $0xC000, $0x38;
	[tilespmem:$0x18C00] =	vst v63  }
0x7c: {  	_ =	swait.ge [sflag:s7], $0xC000  }
0x7d: {  	[sflag:s7] =	ssyncset.done $0x0  }
0x7e: {  	[sflag:s7] =	ssyncadd.s32 $0xFFFF4000  }
0x7f: {  	[hbm4b:s24+s5] =	stream.strided.scatter [tilespmem:s5], [sflag:$0x3], $0xC000, s9, s5, $0x38;
	[tilespmem:$0x18C00] =	vst v63  }
0x80: {  	_ =	swait.ge [sflag:s12], $0xC000  }
0x81: {  	[sflag:s12] =	ssyncset.done $0x0  }
0x82: {  	[sflag:s12] =	ssyncadd.s32 $0xFFFF4000  }
0x83: {  	[hbm4b:s25+s5] =	stream.strided.scatter [tilespmem:s6], [sflag:$0x4], $0xC000, s9, s5, $0x38;
	[tilespmem:$0x18C00] =	vst v63  }
.Ltmp1:
0x84: {  	_ =	swait.ge [sflag:s10], $0xC000;
	(pc) =	sbr.rel @p0 .LBB2_1-.Ltmp1, $4  }
0x85: {  	[sflag:s10] =	ssyncset.done $0x0  }
0x86: {  	[sflag:s10] =	ssyncadd.s32 $0xFFFF4000  }
0x87: {  	_ =	swait.ge [sflag:s14], $0xC000  }
0x88: {  	[sflag:s14] =	ssyncset.done $0x0  }
.LBB2_2:
0x89: {  	[sflag:s14] =	ssyncadd.s32 $0xFFFF4000  }
0x8a: {  	_ =	sfence.sel $0x180000  }
0x8b: {  	[bflag:$0x0] =	sbarrier.arrive $0xFFFF  }
0x8c: {  	p0 =	sne.s32 s0, $0x0;
	_ =	strace $0x90000047  }
0x8d: {  	s0 =	sadd.s32 @!p0 $0x100000, s1;
	[bflag:$0x2] =	sbarrier.arrive $0xFFFF  }
0x8e: {  	[sflag:s0] =	ssyncadd.tile.s32 @!p0 $0x1;
	_ =	shalt  }
.Lfunc_end2:
_tile_overlayer_lowered:
.L_overlay_start_2:
0x8f: {  	(tag) =	ssettag $0x2  }
0x90: {  	s0 =	rddreg [dreg:$0x0];
	s2 =	stileid.u32  }
0x91: {  	s1 =	rddreg [dreg:$0x1];
	p0 =	sne.s32 s2, $0x0  }
0x92: {  	s3 =	rddreg [dreg:$0x2];
	[bflag:$0x3] =	sbarrier.arrive $0xFFFF;
	s2 =	simm.s32 @!p0 $0x1C05  }
0x93: {  	[timem:s3], [sflag:s2] =	dma.local @!p0 [hbm:s0], s1  }
0x94: {  	s0 =	simm.s32 @!p0 $0x5  }
0x95: {  	_ =	swait.ge @!p0 [sflag:s0], s1  }
0x96: {  	s1 =	ssub.s32 @!p0 $0x0, s1;
	[sflag:s0] =	ssyncset.done @!p0 $0x0  }
0x97: {  	[sflag:s0] =	ssyncadd.s32 @!p0 s1  }
0x98: {  	[bflag:$0x3] =	sbarrier.arrive $0xFFFF  }
0x99: {  	_ =	shalt  }

</sc_bundles>
